<compile_context>
chip_gen: v7x
topology: tpu7x:2x2x1
jax: 0.10.2.dev20260603
libtpu: 0.0.44.dev20260713+nightly
codegen_flags: <defaults>
</compile_context>

<pallas_src>
import functools

import jax
import jax.numpy as jnp
from jax import lax
from jax.experimental import pallas as pl
from jax.experimental.pallas import tpu as pltpu
from jax.experimental.pallas import tpu_sc as plsc

NC = 2
NS = 16
NW = NC * NS
NVT = 4
SEQ = 50
NBT = 8


@jax.jit
def _sc_bigram_lookup(xt, table):
    mesh = plsc.VectorSubcoreMesh(core_axis_name="c", subcore_axis_name="s")

    @functools.partial(
        pl.kernel,
        mesh=mesh,
        compiler_params=pltpu.CompilerParams(
            use_tc_tiling_on_sc=False, needs_layout_passes=False
        ),
        out_type=jax.ShapeDtypeStruct((SEQ, 125, NBT, 8, 128), jnp.float32),
        scratch_types=[
            pltpu.VMEM((1000, 40), jnp.float32),
            pltpu.VMEM((1024,), jnp.int32),
            pltpu.VMEM((1024,), jnp.int32),
            pltpu.VMEM((NVT, NBT, 8, 128), jnp.float32),
            pltpu.VMEM((NVT, NBT, 8, 128), jnp.float32),
            pltpu.SemaphoreType.DMA,
            pltpu.SemaphoreType.DMA,
            pltpu.SemaphoreType.DMA,
            pltpu.SemaphoreType.DMA,
        ],
    )
    def run(
        xt_hbm, table_hbm, out_hbm,
        tslice, idx0, idx1, strip0, strip1, isem0, isem1, ssem0, ssem1,
    ):
        w = lax.axis_index("s") * NC + lax.axis_index("c")
        vt0 = jnp.minimum(NVT * w, 125 - NVT)
        c0 = vt0 * 8
        idxs = (idx0, idx1)
        strips = (strip0, strip1)
        isems = (isem0, isem1)
        ssems = (ssem0, ssem1)

        pltpu.async_copy(xt_hbm.at[0], idx0, isem0)
        pltpu.sync_copy(
            table_hbm.at[:, pl.ds(c0, 8 * NVT)], tslice.at[:, pl.ds(0, 8 * NVT)]
        )

        def plane_body(s2, carry):
            for a in range(2):
                s = s2 * 2 + a
                pltpu.make_async_copy(xt_hbm.at[s], idxs[a], isems[a]).wait()

                @pl.when(s + 1 < SEQ)
                def _():
                    pltpu.async_copy(xt_hbm.at[s + 1], idxs[1 - a], isems[1 - a])

                @pl.when(s >= 2)
                def _():
                    pltpu.make_async_copy(
                        strips[a], out_hbm.at[0, pl.ds(0, NVT)], ssems[a]
                    ).wait()

                idx = idxs[a]
                strip = strips[a]

                @plsc.parallel_loop(0, NBT * 8, unroll=16)
                def tb_body(i):
                    bt = i // 8
                    q = i % 8
                    tokens = idx[pl.ds(i * 16, 16)]
                    cols = []
                    for vtl in range(NVT):
                        for vr in range(8):
                            vcol = jnp.full((16,), vtl * 8 + vr, jnp.int32)
                            cols.append(
                                (vtl, vr, plsc.load_gather(tslice, [tokens, vcol]))
                            )
                    for vtl, vr, col in cols:
                        strip[vtl, bt, vr, pl.ds(q * 16, 16)] = col

                pltpu.async_copy(
                    strip, out_hbm.at[s, pl.ds(vt0, NVT)], ssems[a]
                )
            return carry

        lax.fori_loop(0, SEQ // 2, plane_body, 0)
        for a in range(2):
            pltpu.make_async_copy(
                strips[a], out_hbm.at[0, pl.ds(0, NVT)], ssems[a]
            ).wait()

    return run(xt, table)


def kernel(x, token_table):
    batch, seq = x.shape
    xt = x.T.astype(jnp.int32)
    out5d = _sc_bigram_lookup(xt, token_table)
    return out5d.transpose(2, 4, 0, 1, 3).reshape(batch, seq, token_table.shape[1])

# --- scband reference (transcript-rebuilt; emitter-appended) ---
"""Pipeline reference for scband-bigram-model-80376017977691 (READ-ONLY COPY).

The authoritative reference and input builder live on the scoring server;
editing this copy changes nothing except your own understanding.
"""

import jax, jax.numpy as jnp
import numpy as np

VOCAB = 1000
BATCH = 1024
SEQ = 50


def setup_inputs(seed: int = 0) -> dict:
    key = jax.random.key(seed)
    k_idx, k_tab = jax.random.split(key)
    x = jax.random.randint(k_idx, (BATCH, SEQ), 0, VOCAB, dtype=jnp.int64 if jax.config.jax_enable_x64 else jnp.int32)
    token_table = jax.random.normal(k_tab, (VOCAB, VOCAB), dtype=jnp.float32)
    return {"x": x, "token_table": token_table}


def reference(x, token_table):
    # BigramModel.forward: logits = self.token_table(x)
    # nn.Embedding is a row gather from the [vocab, vocab] table.
    logits = jnp.take(token_table, x, axis=0)
    return logits

if __name__ == "__main__":
    import jax
    _d = setup_inputs()
    print(jax.jit(kernel)(*tuple(_d.values())))

</pallas_src>

<mosaic_0001>
#map = affine_map<(d0, d1) -> (0, 0)>
#map1 = affine_map<(d0, d1) -> (0, 0, 0, 0, 0)>
module attributes {stable_mosaic.version = 14 : i64} {
  func.func @run(%arg0: i32, %arg1: i32, %arg2: memref<50x1024xi32, #tpu.memory_space<hbm>>, %arg3: memref<1000x1000xf32, #tpu.memory_space<hbm>>, %arg4: memref<50x125x8x8x128xf32, #tpu.memory_space<hbm>>, %arg5: memref<1000x40xf32, #tpu.memory_space<vmem>>, %arg6: memref<1024xi32, #tpu.memory_space<vmem>>, %arg7: memref<1024xi32, #tpu.memory_space<vmem>>, %arg8: memref<4x8x8x128xf32, #tpu.memory_space<vmem>>, %arg9: memref<4x8x8x128xf32, #tpu.memory_space<vmem>>, %arg10: memref<!tpu.dma_semaphore, #tpu.memory_space<semaphore_mem>>, %arg11: memref<!tpu.dma_semaphore, #tpu.memory_space<semaphore_mem>>, %arg12: memref<!tpu.dma_semaphore, #tpu.memory_space<semaphore_mem>>, %arg13: memref<!tpu.dma_semaphore, #tpu.memory_space<semaphore_mem>>) attributes {dimension_semantics = [#tpu.dimension_semantics<core_parallel>, #tpu.dimension_semantics<subcore_parallel>], iteration_bounds = array<i64: 2, 16>, scalar_prefetch = 0 : i64, scratch_operands = 9 : i64, tpu.core_type = #tpu.core_type<sc_vector_subcore>, window_params = [{transform_indices = #map}, {transform_indices = #map}, {transform_indices = #map1}]} {
    %mul3A = arith.constant 2 : i32
    %mul3A_0 = arith.muli %arg1, %mul3A : i32
    %add3A = arith.addi %mul3A_0, %arg0 : i32
    %mul3A_1 = arith.constant 4 : i32
    %mul3A_2 = arith.muli %mul3A_1, %add3A : i32
    %min3A = arith.constant 121 : i32
    %min3A_3 = arith.minsi %mul3A_2, %min3A : i32
    %mul3A_4 = arith.constant 8 : i32
    %mul3A_5 = arith.muli %min3A_3, %mul3A_4 : i32
    %dma_start3A = arith.constant 0 : i32
    %dma_start3A_6 = arith.constant 0 : i32
    %dma_start3A_7 = tpu.memref_slice %arg2[%dma_start3A, %dma_start3A_6] : memref<50x1024xi32, #tpu.memory_space<hbm>> -> memref<1x1024xi32, #tpu.memory_space<hbm>>
    %dma_start3A_8 = tpu.memref_squeeze %dma_start3A_7 : memref<1x1024xi32, #tpu.memory_space<hbm>> -> memref<1024xi32, #tpu.memory_space<hbm>>
    %dma_start3A_9 = arith.constant 0 : i32
    %dma_start3A_10 = tpu.memref_slice %arg2[%dma_start3A, %dma_start3A_9] : memref<50x1024xi32, #tpu.memory_space<hbm>> -> memref<1x1024xi32, #tpu.memory_space<hbm>>
    %dma_start3A_11 = tpu.memref_squeeze %dma_start3A_10 : memref<1x1024xi32, #tpu.memory_space<hbm>> -> memref<1024xi32, #tpu.memory_space<hbm>>
    tpu.enqueue_dma source(%dma_start3A_11 : memref<1024xi32, #tpu.memory_space<hbm>>) target(%arg6 : memref<1024xi32, #tpu.memory_space<vmem>>) target_semaphore(%arg10 : memref<!tpu.dma_semaphore, #tpu.memory_space<semaphore_mem>>)
    "tpu.region"() ({
      %run_scoped3A = tpu.sem_alloc : memref<!tpu.dma_semaphore, #tpu.memory_space<semaphore_mem>>
      %dma_start3A_42 = arith.constant 0 : i32
      %dma_start3A_43 = arith.constant 0 : i32
      %dma_start3A_44 = tpu.memref_slice %arg5[%dma_start3A_42, %dma_start3A_43] : memref<1000x40xf32, #tpu.memory_space<vmem>> -> memref<1000x32xf32, #tpu.memory_space<vmem>>
      %dma_start3A_45 = arith.constant 0 : i32
      %dma_start3A_46 = tpu.memref_slice %arg3[%dma_start3A_45, %mul3A_5] : memref<1000x1000xf32, #tpu.memory_space<hbm>> -> memref<1000x32xf32, #tpu.memory_space<hbm>>
      %dma_start3A_47 = arith.constant 0 : i32
      %dma_start3A_48 = arith.constant 0 : i32
      %dma_start3A_49 = tpu.memref_slice %arg5[%dma_start3A_47, %dma_start3A_48] : memref<1000x40xf32, #tpu.memory_space<vmem>> -> memref<1000x32xf32, #tpu.memory_space<vmem>>
      %dma_start3A_50 = arith.constant 0 : i32
      %dma_start3A_51 = tpu.memref_slice %arg3[%dma_start3A_50, %mul3A_5] : memref<1000x1000xf32, #tpu.memory_space<hbm>> -> memref<1000x32xf32, #tpu.memory_space<hbm>>
      tpu.enqueue_dma source(%dma_start3A_51 : memref<1000x32xf32, #tpu.memory_space<hbm>>) target(%dma_start3A_49 : memref<1000x32xf32, #tpu.memory_space<vmem>>) target_semaphore(%run_scoped3A : memref<!tpu.dma_semaphore, #tpu.memory_space<semaphore_mem>>)
      %dma_wait3A_52 = arith.constant 0 : i32
      %dma_wait3A_53 = arith.constant 0 : i32
      %dma_wait3A_54 = tpu.memref_slice %arg5[%dma_wait3A_52, %dma_wait3A_53] : memref<1000x40xf32, #tpu.memory_space<vmem>> -> memref<1000x32xf32, #tpu.memory_space<vmem>>
      %dma_wait3A_55 = arith.constant 0 : i32
      %dma_wait3A_56 = tpu.memref_slice %arg3[%dma_wait3A_55, %mul3A_5] : memref<1000x1000xf32, #tpu.memory_space<hbm>> -> memref<1000x32xf32, #tpu.memory_space<hbm>>
      %dma_wait3A_57 = arith.constant 0 : i32
      %dma_wait3A_58 = arith.constant 0 : i32
      %dma_wait3A_59 = tpu.memref_slice %arg5[%dma_wait3A_57, %dma_wait3A_58] : memref<1000x40xf32, #tpu.memory_space<vmem>> -> memref<1000x32xf32, #tpu.memory_space<vmem>>
      %dma_wait3A_60 = arith.constant 0 : i32
      %dma_wait3A_61 = tpu.memref_slice %arg3[%dma_wait3A_60, %mul3A_5] : memref<1000x1000xf32, #tpu.memory_space<hbm>> -> memref<1000x32xf32, #tpu.memory_space<hbm>>
      tpu.wait_dma2 semaphore(%run_scoped3A : memref<!tpu.dma_semaphore, #tpu.memory_space<semaphore_mem>>) src(%dma_wait3A_61 : memref<1000x32xf32, #tpu.memory_space<hbm>>) dst(%dma_wait3A_59 : memref<1000x32xf32, #tpu.memory_space<vmem>>)
      tpu.yield
    }) : () -> ()
    %scan3A = arith.constant 0 : i32
    %scan3A_12 = arith.constant 0 : i32
    %scan3A_13 = arith.constant 25 : i32
    %scan3A_14 = arith.addi %scan3A_12, %scan3A_13 : i32
    %scan3A_15 = arith.constant 1 : i32
    scf.for %scan3A_42 = %scan3A_12 to %scan3A_14 step %scan3A_15  : i32 {
      %mul3A_43 = arith.constant 2 : i32
      %mul3A_44 = arith.muli %scan3A_42, %mul3A_43 : i32
      %add3A_45 = arith.constant 0 : i32
      %add3A_46 = arith.addi %mul3A_44, %add3A_45 : i32
      %dma_wait3A_47 = arith.constant 0 : i32
      %dma_wait3A_48 = tpu.memref_slice %arg2[%add3A_46, %dma_wait3A_47] : memref<50x1024xi32, #tpu.memory_space<hbm>> -> memref<1x1024xi32, #tpu.memory_space<hbm>>
      %dma_wait3A_49 = tpu.memref_squeeze %dma_wait3A_48 : memref<1x1024xi32, #tpu.memory_space<hbm>> -> memref<1024xi32, #tpu.memory_space<hbm>>
      %dma_wait3A_50 = arith.constant 0 : i32
      %dma_wait3A_51 = tpu.memref_slice %arg2[%add3A_46, %dma_wait3A_50] : memref<50x1024xi32, #tpu.memory_space<hbm>> -> memref<1x1024xi32, #tpu.memory_space<hbm>>
      %dma_wait3A_52 = tpu.memref_squeeze %dma_wait3A_51 : memref<1x1024xi32, #tpu.memory_space<hbm>> -> memref<1024xi32, #tpu.memory_space<hbm>>
      tpu.wait_dma2 semaphore(%arg10 : memref<!tpu.dma_semaphore, #tpu.memory_space<semaphore_mem>>) src(%dma_wait3A_52 : memref<1024xi32, #tpu.memory_space<hbm>>) dst(%arg6 : memref<1024xi32, #tpu.memory_space<vmem>>)
      %add3A_53 = arith.constant 1 : i32
      %add3A_54 = arith.addi %add3A_46, %add3A_53 : i32
      %lt3A = arith.constant 50 : i32
      %lt3A_55 = arith.cmpi slt, %add3A_54, %lt3A : i32
      %convert_element_type3A = arith.extui %lt3A_55 : i1 to i32
      %cond3A = arith.constant 0 : i32
      %cond3A_56 = arith.cmpi ne, %convert_element_type3A, %cond3A : i32
      scf.if %cond3A_56 {
        %add3A_108 = arith.constant 1 : i32
        %add3A_109 = arith.addi %add3A_46, %add3A_108 : i32
        %dma_start3A_110 = arith.constant 0 : i32
        %dma_start3A_111 = tpu.memref_slice %arg2[%add3A_109, %dma_start3A_110] : memref<50x1024xi32, #tpu.memory_space<hbm>> -> memref<1x1024xi32, #tpu.memory_space<hbm>>
        %dma_start3A_112 = tpu.memref_squeeze %dma_start3A_111 : memref<1x1024xi32, #tpu.memory_space<hbm>> -> memref<1024xi32, #tpu.memory_space<hbm>>
        %dma_start3A_113 = arith.constant 0 : i32
        %dma_start3A_114 = tpu.memref_slice %arg2[%add3A_109, %dma_start3A_113] : memref<50x1024xi32, #tpu.memory_space<hbm>> -> memref<1x1024xi32, #tpu.memory_space<hbm>>
        %dma_start3A_115 = tpu.memref_squeeze %dma_start3A_114 : memref<1x1024xi32, #tpu.memory_space<hbm>> -> memref<1024xi32, #tpu.memory_space<hbm>>
        tpu.enqueue_dma source(%dma_start3A_115 : memref<1024xi32, #tpu.memory_space<hbm>>) target(%arg7 : memref<1024xi32, #tpu.memory_space<vmem>>) target_semaphore(%arg11 : memref<!tpu.dma_semaphore, #tpu.memory_space<semaphore_mem>>)
      } else {
      }
      %ge3A = arith.constant 2 : i32
      %ge3A_57 = arith.cmpi sge, %add3A_46, %ge3A : i32
      %convert_element_type3A_58 = arith.extui %ge3A_57 : i1 to i32
      %cond3A_59 = arith.constant 0 : i32
      %cond3A_60 = arith.cmpi ne, %convert_element_type3A_58, %cond3A_59 : i32
      scf.if %cond3A_60 {
        %dma_wait3A_108 = arith.constant 0 : i32
        %dma_wait3A_109 = arith.constant 0 : i32
        %dma_wait3A_110 = arith.constant 0 : i32
        %dma_wait3A_111 = arith.constant 0 : i32
        %dma_wait3A_112 = arith.constant 0 : i32
        %dma_wait3A_113 = tpu.memref_slice %arg4[%dma_wait3A_108, %dma_wait3A_109, %dma_wait3A_110, %dma_wait3A_111, %dma_wait3A_112] : memref<50x125x8x8x128xf32, #tpu.memory_space<hbm>> -> memref<1x4x8x8x128xf32, #tpu.memory_space<hbm>>
        %dma_wait3A_114 = tpu.memref_squeeze %dma_wait3A_113 : memref<1x4x8x8x128xf32, #tpu.memory_space<hbm>> -> memref<4x8x8x128xf32, #tpu.memory_space<hbm>>
        %dma_wait3A_115 = arith.constant 0 : i32
        %dma_wait3A_116 = arith.constant 0 : i32
        %dma_wait3A_117 = arith.constant 0 : i32
        %dma_wait3A_118 = arith.constant 0 : i32
        %dma_wait3A_119 = tpu.memref_slice %arg4[%dma_wait3A_108, %dma_wait3A_115, %dma_wait3A_116, %dma_wait3A_117, %dma_wait3A_118] : memref<50x125x8x8x128xf32, #tpu.memory_space<hbm>> -> memref<1x4x8x8x128xf32, #tpu.memory_space<hbm>>
        %dma_wait3A_120 = tpu.memref_squeeze %dma_wait3A_119 : memref<1x4x8x8x128xf32, #tpu.memory_space<hbm>> -> memref<4x8x8x128xf32, #tpu.memory_space<hbm>>
        tpu.wait_dma2 semaphore(%arg12 : memref<!tpu.dma_semaphore, #tpu.memory_space<semaphore_mem>>) src(%arg8 : memref<4x8x8x128xf32, #tpu.memory_space<vmem>>) dst(%dma_wait3A_120 : memref<4x8x8x128xf32, #tpu.memory_space<hbm>>)
      } else {
      }
      %parallel_loop3A = arith.constant 0 : i32
      %parallel_loop3A_61 = arith.constant 64 : i32
      %parallel_loop3A_62 = arith.constant 1 : i32
      scf.for %parallel_loop3A_108 = %parallel_loop3A to %parallel_loop3A_61 step %parallel_loop3A_62  : i32 {
        %parallel_loop3A_109 = arith.constant 8 : i32
        %parallel_loop3A_110 = arith.divsi %parallel_loop3A_108, %parallel_loop3A_109 : i32
        %parallel_loop3A_111 = arith.constant 0 : i32
        %parallel_loop3A_112 = arith.cmpi sgt, %parallel_loop3A_108, %parallel_loop3A_111 : i32
        %parallel_loop3A_113 = arith.extui %parallel_loop3A_112 : i1 to i32
        %parallel_loop3A_114 = arith.constant 0 : i32
        %parallel_loop3A_115 = arith.cmpi slt, %parallel_loop3A_108, %parallel_loop3A_114 : i32
        %parallel_loop3A_116 = arith.extui %parallel_loop3A_115 : i1 to i32
        %parallel_loop3A_117 = arith.subi %parallel_loop3A_113, %parallel_loop3A_116 : i32
        %parallel_loop3A_118 = arith.constant 0 : i32
        %parallel_loop3A_119 = arith.cmpi sgt, %parallel_loop3A_109, %parallel_loop3A_118 : i32
        %parallel_loop3A_120 = arith.extui %parallel_loop3A_119 : i1 to i32
        %parallel_loop3A_121 = arith.constant 0 : i32
        %parallel_loop3A_122 = arith.cmpi slt, %parallel_loop3A_109, %parallel_loop3A_121 : i32
        %parallel_loop3A_123 = arith.extui %parallel_loop3A_122 : i1 to i32
        %parallel_loop3A_124 = arith.subi %parallel_loop3A_120, %parallel_loop3A_123 : i32
        %parallel_loop3A_125 = arith.cmpi ne, %parallel_loop3A_117, %parallel_loop3A_124 : i32
        %parallel_loop3A_126 = arith.remsi %parallel_loop3A_108, %parallel_loop3A_109 : i32
        %parallel_loop3A_127 = arith.constant 0 : i32
        %parallel_loop3A_128 = arith.cmpi ne, %parallel_loop3A_126, %parallel_loop3A_127 : i32
        %parallel_loop3A_129 = arith.andi %parallel_loop3A_125, %parallel_loop3A_128 : i1
        %parallel_loop3A_130 = arith.constant 1 : i32
        %parallel_loop3A_131 = arith.subi %parallel_loop3A_110, %parallel_loop3A_130 : i32
        %parallel_loop3A_132 = arith.select %parallel_loop3A_129, %parallel_loop3A_131, %parallel_loop3A_110 : i32
        %parallel_loop3A_133 = arith.constant 8 : i32
        %parallel_loop3A_134 = arith.constant 0 : i32
        %parallel_loop3A_135 = arith.cmpi eq, %parallel_loop3A_133, %parallel_loop3A_134 : i32
        %parallel_loop3A_136 = arith.constant 1 : i32
        %parallel_loop3A_137 = arith.select %parallel_loop3A_135, %parallel_loop3A_136, %parallel_loop3A_133 : i32
        %parallel_loop3A_138 = arith.remsi %parallel_loop3A_108, %parallel_loop3A_137 : i32
        %parallel_loop3A_139 = arith.constant 0 : i32
        %parallel_loop3A_140 = arith.cmpi ne, %parallel_loop3A_138, %parallel_loop3A_139 : i32
        %parallel_loop3A_141 = arith.constant 0 : i32
        %parallel_loop3A_142 = arith.cmpi slt, %parallel_loop3A_138, %parallel_loop3A_141 : i32
        %parallel_loop3A_143 = arith.constant 0 : i32
        %parallel_loop3A_144 = arith.cmpi slt, %parallel_loop3A_137, %parallel_loop3A_143 : i32
        %parallel_loop3A_145 = arith.xori %parallel_loop3A_142, %parallel_loop3A_144 : i1
        %parallel_loop3A_146 = arith.andi %parallel_loop3A_145, %parallel_loop3A_140 : i1
        %parallel_loop3A_147 = arith.addi %parallel_loop3A_138, %parallel_loop3A_137 : i32
        %parallel_loop3A_148 = arith.select %parallel_loop3A_146, %parallel_loop3A_147, %parallel_loop3A_138 : i32
        %parallel_loop3A_149 = arith.constant 16 : i32
        %parallel_loop3A_150 = arith.muli %parallel_loop3A_108, %parallel_loop3A_149 : i32
        %parallel_loop3A_151 = arith.index_cast %parallel_loop3A_150 : i32 to index
        %parallel_loop3A_152 = tpu.vector_load %arg6[%parallel_loop3A_151] {strides = array<i32>} : memref<1024xi32, #tpu.memory_space<vmem>>, vector<16xi32>,
        %parallel_loop3A_153 = arith.constant 0 : i32
        %parallel_loop3A_154 = vector.broadcast %parallel_loop3A_153 : i32 to vector<16xi32>
        %parallel_loop3A_155 = tpu.vector_load_idx %arg5[%parallel_loop3A_152, %parallel_loop3A_154] : memref<1000x40xf32, #tpu.memory_space<vmem>>[vector<16xi32>, vector<16xi32>], vector<16xf32>,
        %parallel_loop3A_156 = arith.constant 1 : i32
        %parallel_loop3A_157 = vector.broadcast %parallel_loop3A_156 : i32 to vector<16xi32>
        %parallel_loop3A_158 = tpu.vector_load_idx %arg5[%parallel_loop3A_152, %parallel_loop3A_157] : memref<1000x40xf32, #tpu.memory_space<vmem>>[vector<16xi32>, vector<16xi32>], vector<16xf32>,
        %parallel_loop3A_159 = arith.constant 2 : i32
        %parallel_loop3A_160 = vector.broadcast %parallel_loop3A_159 : i32 to vector<16xi32>
        %parallel_loop3A_161 = tpu.vector_load_idx %arg5[%parallel_loop3A_152, %parallel_loop3A_160] : memref<1000x40xf32, #tpu.memory_space<vmem>>[vector<16xi32>, vector<16xi32>], vector<16xf32>,
        %parallel_loop3A_162 = arith.constant 3 : i32
        %parallel_loop3A_163 = vector.broadcast %parallel_loop3A_162 : i32 to vector<16xi32>
        %parallel_loop3A_164 = tpu.vector_load_idx %arg5[%parallel_loop3A_152, %parallel_loop3A_163] : memref<1000x40xf32, #tpu.memory_space<vmem>>[vector<16xi32>, vector<16xi32>], vector<16xf32>,
        %parallel_loop3A_165 = arith.constant 4 : i32
        %parallel_loop3A_166 = vector.broadcast %parallel_loop3A_165 : i32 to vector<16xi32>
        %parallel_loop3A_167 = tpu.vector_load_idx %arg5[%parallel_loop3A_152, %parallel_loop3A_166] : memref<1000x40xf32, #tpu.memory_space<vmem>>[vector<16xi32>, vector<16xi32>], vector<16xf32>,
        %parallel_loop3A_168 = arith.constant 5 : i32
        %parallel_loop3A_169 = vector.broadcast %parallel_loop3A_168 : i32 to vector<16xi32>
        %parallel_loop3A_170 = tpu.vector_load_idx %arg5[%parallel_loop3A_152, %parallel_loop3A_169] : memref<1000x40xf32, #tpu.memory_space<vmem>>[vector<16xi32>, vector<16xi32>], vector<16xf32>,
        %parallel_loop3A_171 = arith.constant 6 : i32
        %parallel_loop3A_172 = vector.broadcast %parallel_loop3A_171 : i32 to vector<16xi32>
        %parallel_loop3A_173 = tpu.vector_load_idx %arg5[%parallel_loop3A_152, %parallel_loop3A_172] : memref<1000x40xf32, #tpu.memory_space<vmem>>[vector<16xi32>, vector<16xi32>], vector<16xf32>,
        %parallel_loop3A_174 = arith.constant 7 : i32
        %parallel_loop3A_175 = vector.broadcast %parallel_loop3A_174 : i32 to vector<16xi32>
        %parallel_loop3A_176 = tpu.vector_load_idx %arg5[%parallel_loop3A_152, %parallel_loop3A_175] : memref<1000x40xf32, #tpu.memory_space<vmem>>[vector<16xi32>, vector<16xi32>], vector<16xf32>,
        %parallel_loop3A_177 = arith.constant 8 : i32
        %parallel_loop3A_178 = vector.broadcast %parallel_loop3A_177 : i32 to vector<16xi32>
        %parallel_loop3A_179 = tpu.vector_load_idx %arg5[%parallel_loop3A_152, %parallel_loop3A_178] : memref<1000x40xf32, #tpu.memory_space<vmem>>[vector<16xi32>, vector<16xi32>], vector<16xf32>,
        %parallel_loop3A_180 = arith.constant 9 : i32
        %parallel_loop3A_181 = vector.broadcast %parallel_loop3A_180 : i32 to vector<16xi32>
        %parallel_loop3A_182 = tpu.vector_load_idx %arg5[%parallel_loop3A_152, %parallel_loop3A_181] : memref<1000x40xf32, #tpu.memory_space<vmem>>[vector<16xi32>, vector<16xi32>], vector<16xf32>,
        %parallel_loop3A_183 = arith.constant 10 : i32
        %parallel_loop3A_184 = vector.broadcast %parallel_loop3A_183 : i32 to vector<16xi32>
        %parallel_loop3A_185 = tpu.vector_load_idx %arg5[%parallel_loop3A_152, %parallel_loop3A_184] : memref<1000x40xf32, #tpu.memory_space<vmem>>[vector<16xi32>, vector<16xi32>], vector<16xf32>,
        %parallel_loop3A_186 = arith.constant 11 : i32
        %parallel_loop3A_187 = vector.broadcast %parallel_loop3A_186 : i32 to vector<16xi32>
        %parallel_loop3A_188 = tpu.vector_load_idx %arg5[%parallel_loop3A_152, %parallel_loop3A_187] : memref<1000x40xf32, #tpu.memory_space<vmem>>[vector<16xi32>, vector<16xi32>], vector<16xf32>,
        %parallel_loop3A_189 = arith.constant 12 : i32
        %parallel_loop3A_190 = vector.broadcast %parallel_loop3A_189 : i32 to vector<16xi32>
        %parallel_loop3A_191 = tpu.vector_load_idx %arg5[%parallel_loop3A_152, %parallel_loop3A_190] : memref<1000x40xf32, #tpu.memory_space<vmem>>[vector<16xi32>, vector<16xi32>], vector<16xf32>,
        %parallel_loop3A_192 = arith.constant 13 : i32
        %parallel_loop3A_193 = vector.broadcast %parallel_loop3A_192 : i32 to vector<16xi32>
        %parallel_loop3A_194 = tpu.vector_load_idx %arg5[%parallel_loop3A_152, %parallel_loop3A_193] : memref<1000x40xf32, #tpu.memory_space<vmem>>[vector<16xi32>, vector<16xi32>], vector<16xf32>,
        %parallel_loop3A_195 = arith.constant 14 : i32
        %parallel_loop3A_196 = vector.broadcast %parallel_loop3A_195 : i32 to vector<16xi32>
        %parallel_loop3A_197 = tpu.vector_load_idx %arg5[%parallel_loop3A_152, %parallel_loop3A_196] : memref<1000x40xf32, #tpu.memory_space<vmem>>[vector<16xi32>, vector<16xi32>], vector<16xf32>,
        %parallel_loop3A_198 = arith.constant 15 : i32
        %parallel_loop3A_199 = vector.broadcast %parallel_loop3A_198 : i32 to vector<16xi32>
        %parallel_loop3A_200 = tpu.vector_load_idx %arg5[%parallel_loop3A_152, %parallel_loop3A_199] : memref<1000x40xf32, #tpu.memory_space<vmem>>[vector<16xi32>, vector<16xi32>], vector<16xf32>,
        %parallel_loop3A_201 = arith.constant 16 : i32
        %parallel_loop3A_202 = vector.broadcast %parallel_loop3A_201 : i32 to vector<16xi32>
        %parallel_loop3A_203 = tpu.vector_load_idx %arg5[%parallel_loop3A_152, %parallel_loop3A_202] : memref<1000x40xf32, #tpu.memory_space<vmem>>[vector<16xi32>, vector<16xi32>], vector<16xf32>,
        %parallel_loop3A_204 = arith.constant 17 : i32
        %parallel_loop3A_205 = vector.broadcast %parallel_loop3A_204 : i32 to vector<16xi32>
        %parallel_loop3A_206 = tpu.vector_load_idx %arg5[%parallel_loop3A_152, %parallel_loop3A_205] : memref<1000x40xf32, #tpu.memory_space<vmem>>[vector<16xi32>, vector<16xi32>], vector<16xf32>,
        %parallel_loop3A_207 = arith.constant 18 : i32
        %parallel_loop3A_208 = vector.broadcast %parallel_loop3A_207 : i32 to vector<16xi32>
        %parallel_loop3A_209 = tpu.vector_load_idx %arg5[%parallel_loop3A_152, %parallel_loop3A_208] : memref<1000x40xf32, #tpu.memory_space<vmem>>[vector<16xi32>, vector<16xi32>], vector<16xf32>,
        %parallel_loop3A_210 = arith.constant 19 : i32
        %parallel_loop3A_211 = vector.broadcast %parallel_loop3A_210 : i32 to vector<16xi32>
        %parallel_loop3A_212 = tpu.vector_load_idx %arg5[%parallel_loop3A_152, %parallel_loop3A_211] : memref<1000x40xf32, #tpu.memory_space<vmem>>[vector<16xi32>, vector<16xi32>], vector<16xf32>,
        %parallel_loop3A_213 = arith.constant 20 : i32
        %parallel_loop3A_214 = vector.broadcast %parallel_loop3A_213 : i32 to vector<16xi32>
        %parallel_loop3A_215 = tpu.vector_load_idx %arg5[%parallel_loop3A_152, %parallel_loop3A_214] : memref<1000x40xf32, #tpu.memory_space<vmem>>[vector<16xi32>, vector<16xi32>], vector<16xf32>,
        %parallel_loop3A_216 = arith.constant 21 : i32
        %parallel_loop3A_217 = vector.broadcast %parallel_loop3A_216 : i32 to vector<16xi32>
        %parallel_loop3A_218 = tpu.vector_load_idx %arg5[%parallel_loop3A_152, %parallel_loop3A_217] : memref<1000x40xf32, #tpu.memory_space<vmem>>[vector<16xi32>, vector<16xi32>], vector<16xf32>,
        %parallel_loop3A_219 = arith.constant 22 : i32
        %parallel_loop3A_220 = vector.broadcast %parallel_loop3A_219 : i32 to vector<16xi32>
        %parallel_loop3A_221 = tpu.vector_load_idx %arg5[%parallel_loop3A_152, %parallel_loop3A_220] : memref<1000x40xf32, #tpu.memory_space<vmem>>[vector<16xi32>, vector<16xi32>], vector<16xf32>,
        %parallel_loop3A_222 = arith.constant 23 : i32
        %parallel_loop3A_223 = vector.broadcast %parallel_loop3A_222 : i32 to vector<16xi32>
        %parallel_loop3A_224 = tpu.vector_load_idx %arg5[%parallel_loop3A_152, %parallel_loop3A_223] : memref<1000x40xf32, #tpu.memory_space<vmem>>[vector<16xi32>, vector<16xi32>], vector<16xf32>,
        %parallel_loop3A_225 = arith.constant 24 : i32
        %parallel_loop3A_226 = vector.broadcast %parallel_loop3A_225 : i32 to vector<16xi32>
        %parallel_loop3A_227 = tpu.vector_load_idx %arg5[%parallel_loop3A_152, %parallel_loop3A_226] : memref<1000x40xf32, #tpu.memory_space<vmem>>[vector<16xi32>, vector<16xi32>], vector<16xf32>,
        %parallel_loop3A_228 = arith.constant 25 : i32
        %parallel_loop3A_229 = vector.broadcast %parallel_loop3A_228 : i32 to vector<16xi32>
        %parallel_loop3A_230 = tpu.vector_load_idx %arg5[%parallel_loop3A_152, %parallel_loop3A_229] : memref<1000x40xf32, #tpu.memory_space<vmem>>[vector<16xi32>, vector<16xi32>], vector<16xf32>,
        %parallel_loop3A_231 = arith.constant 26 : i32
        %parallel_loop3A_232 = vector.broadcast %parallel_loop3A_231 : i32 to vector<16xi32>
        %parallel_loop3A_233 = tpu.vector_load_idx %arg5[%parallel_loop3A_152, %parallel_loop3A_232] : memref<1000x40xf32, #tpu.memory_space<vmem>>[vector<16xi32>, vector<16xi32>], vector<16xf32>,
        %parallel_loop3A_234 = arith.constant 27 : i32
        %parallel_loop3A_235 = vector.broadcast %parallel_loop3A_234 : i32 to vector<16xi32>
        %parallel_loop3A_236 = tpu.vector_load_idx %arg5[%parallel_loop3A_152, %parallel_loop3A_235] : memref<1000x40xf32, #tpu.memory_space<vmem>>[vector<16xi32>, vector<16xi32>], vector<16xf32>,
        %parallel_loop3A_237 = arith.constant 28 : i32
        %parallel_loop3A_238 = vector.broadcast %parallel_loop3A_237 : i32 to vector<16xi32>
        %parallel_loop3A_239 = tpu.vector_load_idx %arg5[%parallel_loop3A_152, %parallel_loop3A_238] : memref<1000x40xf32, #tpu.memory_space<vmem>>[vector<16xi32>, vector<16xi32>], vector<16xf32>,
        %parallel_loop3A_240 = arith.constant 29 : i32
        %parallel_loop3A_241 = vector.broadcast %parallel_loop3A_240 : i32 to vector<16xi32>
        %parallel_loop3A_242 = tpu.vector_load_idx %arg5[%parallel_loop3A_152, %parallel_loop3A_241] : memref<1000x40xf32, #tpu.memory_space<vmem>>[vector<16xi32>, vector<16xi32>], vector<16xf32>,
        %parallel_loop3A_243 = arith.constant 30 : i32
        %parallel_loop3A_244 = vector.broadcast %parallel_loop3A_243 : i32 to vector<16xi32>
        %parallel_loop3A_245 = tpu.vector_load_idx %arg5[%parallel_loop3A_152, %parallel_loop3A_244] : memref<1000x40xf32, #tpu.memory_space<vmem>>[vector<16xi32>, vector<16xi32>], vector<16xf32>,
        %parallel_loop3A_246 = arith.constant 31 : i32
        %parallel_loop3A_247 = vector.broadcast %parallel_loop3A_246 : i32 to vector<16xi32>
        %parallel_loop3A_248 = tpu.vector_load_idx %arg5[%parallel_loop3A_152, %parallel_loop3A_247] : memref<1000x40xf32, #tpu.memory_space<vmem>>[vector<16xi32>, vector<16xi32>], vector<16xf32>,
        %parallel_loop3A_249 = arith.constant 16 : i32
        %parallel_loop3A_250 = arith.muli %parallel_loop3A_148, %parallel_loop3A_249 : i32
        %parallel_loop3A_251 = arith.constant 0 : i32
        %parallel_loop3A_252 = arith.constant 0 : i32
        %parallel_loop3A_253 = arith.index_cast %parallel_loop3A_251 : i32 to index
        %parallel_loop3A_254 = arith.index_cast %parallel_loop3A_132 : i32 to index
        %parallel_loop3A_255 = arith.index_cast %parallel_loop3A_252 : i32 to index
        %parallel_loop3A_256 = arith.index_cast %parallel_loop3A_250 : i32 to index
        %parallel_loop3A_257 = tpu.vector_load %arg8[%parallel_loop3A_253, %parallel_loop3A_254, %parallel_loop3A_255, %parallel_loop3A_256] {strides = array<i32>} : memref<4x8x8x128xf32, #tpu.memory_space<vmem>>, vector<16xf32>,
        tpu.vector_store %arg8[%parallel_loop3A_253, %parallel_loop3A_254, %parallel_loop3A_255, %parallel_loop3A_256], %parallel_loop3A_155 {strides = array<i32>} : memref<4x8x8x128xf32, #tpu.memory_space<vmem>>, vector<16xf32>,
        %parallel_loop3A_258 = arith.constant 16 : i32
        %parallel_loop3A_259 = arith.muli %parallel_loop3A_148, %parallel_loop3A_258 : i32
        %parallel_loop3A_260 = arith.constant 0 : i32
        %parallel_loop3A_261 = arith.constant 1 : i32
        %parallel_loop3A_262 = arith.index_cast %parallel_loop3A_260 : i32 to index
        %parallel_loop3A_263 = arith.index_cast %parallel_loop3A_132 : i32 to index
        %parallel_loop3A_264 = arith.index_cast %parallel_loop3A_261 : i32 to index
        %parallel_loop3A_265 = arith.index_cast %parallel_loop3A_259 : i32 to index
        %parallel_loop3A_266 = tpu.vector_load %arg8[%parallel_loop3A_262, %parallel_loop3A_263, %parallel_loop3A_264, %parallel_loop3A_265] {strides = array<i32>} : memref<4x8x8x128xf32, #tpu.memory_space<vmem>>, vector<16xf32>,
        tpu.vector_store %arg8[%parallel_loop3A_262, %parallel_loop3A_263, %parallel_loop3A_264, %parallel_loop3A_265], %parallel_loop3A_158 {strides = array<i32>} : memref<4x8x8x128xf32, #tpu.memory_space<vmem>>, vector<16xf32>,
        %parallel_loop3A_267 = arith.constant 16 : i32
        %parallel_loop3A_268 = arith.muli %parallel_loop3A_148, %parallel_loop3A_267 : i32
        %parallel_loop3A_269 = arith.constant 0 : i32
        %parallel_loop3A_270 = arith.constant 2 : i32
        %parallel_loop3A_271 = arith.index_cast %parallel_loop3A_269 : i32 to index
        %parallel_loop3A_272 = arith.index_cast %parallel_loop3A_132 : i32 to index
        %parallel_loop3A_273 = arith.index_cast %parallel_loop3A_270 : i32 to index
        %parallel_loop3A_274 = arith.index_cast %parallel_loop3A_268 : i32 to index
        %parallel_loop3A_275 = tpu.vector_load %arg8[%parallel_loop3A_271, %parallel_loop3A_272, %parallel_loop3A_273, %parallel_loop3A_274] {strides = array<i32>} : memref<4x8x8x128xf32, #tpu.memory_space<vmem>>, vector<16xf32>,
        tpu.vector_store %arg8[%parallel_loop3A_271, %parallel_loop3A_272, %parallel_loop3A_273, %parallel_loop3A_274], %parallel_loop3A_161 {strides = array<i32>} : memref<4x8x8x128xf32, #tpu.memory_space<vmem>>, vector<16xf32>,
        %parallel_loop3A_276 = arith.constant 16 : i32
        %parallel_loop3A_277 = arith.muli %parallel_loop3A_148, %parallel_loop3A_276 : i32
        %parallel_loop3A_278 = arith.constant 0 : i32
        %parallel_loop3A_279 = arith.constant 3 : i32
        %parallel_loop3A_280 = arith.index_cast %parallel_loop3A_278 : i32 to index
        %parallel_loop3A_281 = arith.index_cast %parallel_loop3A_132 : i32 to index
        %parallel_loop3A_282 = arith.index_cast %parallel_loop3A_279 : i32 to index
        %parallel_loop3A_283 = arith.index_cast %parallel_loop3A_277 : i32 to index
        %parallel_loop3A_284 = tpu.vector_load %arg8[%parallel_loop3A_280, %parallel_loop3A_281, %parallel_loop3A_282, %parallel_loop3A_283] {strides = array<i32>} : memref<4x8x8x128xf32, #tpu.memory_space<vmem>>, vector<16xf32>,
        tpu.vector_store %arg8[%parallel_loop3A_280, %parallel_loop3A_281, %parallel_loop3A_282, %parallel_loop3A_283], %parallel_loop3A_164 {strides = array<i32>} : memref<4x8x8x128xf32, #tpu.memory_space<vmem>>, vector<16xf32>,
        %parallel_loop3A_285 = arith.constant 16 : i32
        %parallel_loop3A_286 = arith.muli %parallel_loop3A_148, %parallel_loop3A_285 : i32
        %parallel_loop3A_287 = arith.constant 0 : i32
        %parallel_loop3A_288 = arith.constant 4 : i32
        %parallel_loop3A_289 = arith.index_cast %parallel_loop3A_287 : i32 to index
        %parallel_loop3A_290 = arith.index_cast %parallel_loop3A_132 : i32 to index
        %parallel_loop3A_291 = arith.index_cast %parallel_loop3A_288 : i32 to index
        %parallel_loop3A_292 = arith.index_cast %parallel_loop3A_286 : i32 to index
        %parallel_loop3A_293 = tpu.vector_load %arg8[%parallel_loop3A_289, %parallel_loop3A_290, %parallel_loop3A_291, %parallel_loop3A_292] {strides = array<i32>} : memref<4x8x8x128xf32, #tpu.memory_space<vmem>>, vector<16xf32>,
        tpu.vector_store %arg8[%parallel_loop3A_289, %parallel_loop3A_290, %parallel_loop3A_291, %parallel_loop3A_292], %parallel_loop3A_167 {strides = array<i32>} : memref<4x8x8x128xf32, #tpu.memory_space<vmem>>, vector<16xf32>,
        %parallel_loop3A_294 = arith.constant 16 : i32
        %parallel_loop3A_295 = arith.muli %parallel_loop3A_148, %parallel_loop3A_294 : i32
        %parallel_loop3A_296 = arith.constant 0 : i32
        %parallel_loop3A_297 = arith.constant 5 : i32
        %parallel_loop3A_298 = arith.index_cast %parallel_loop3A_296 : i32 to index
        %parallel_loop3A_299 = arith.index_cast %parallel_loop3A_132 : i32 to index
        %parallel_loop3A_300 = arith.index_cast %parallel_loop3A_297 : i32 to index
        %parallel_loop3A_301 = arith.index_cast %parallel_loop3A_295 : i32 to index
        %parallel_loop3A_302 = tpu.vector_load %arg8[%parallel_loop3A_298, %parallel_loop3A_299, %parallel_loop3A_300, %parallel_loop3A_301] {strides = array<i32>} : memref<4x8x8x128xf32, #tpu.memory_space<vmem>>, vector<16xf32>,
        tpu.vector_store %arg8[%parallel_loop3A_298, %parallel_loop3A_299, %parallel_loop3A_300, %parallel_loop3A_301], %parallel_loop3A_170 {strides = array<i32>} : memref<4x8x8x128xf32, #tpu.memory_space<vmem>>, vector<16xf32>,
        %parallel_loop3A_303 = arith.constant 16 : i32
        %parallel_loop3A_304 = arith.muli %parallel_loop3A_148, %parallel_loop3A_303 : i32
        %parallel_loop3A_305 = arith.constant 0 : i32
        %parallel_loop3A_306 = arith.constant 6 : i32
        %parallel_loop3A_307 = arith.index_cast %parallel_loop3A_305 : i32 to index
        %parallel_loop3A_308 = arith.index_cast %parallel_loop3A_132 : i32 to index
        %parallel_loop3A_309 = arith.index_cast %parallel_loop3A_306 : i32 to index
        %parallel_loop3A_310 = arith.index_cast %parallel_loop3A_304 : i32 to index
        %parallel_loop3A_311 = tpu.vector_load %arg8[%parallel_loop3A_307, %parallel_loop3A_308, %parallel_loop3A_309, %parallel_loop3A_310] {strides = array<i32>} : memref<4x8x8x128xf32, #tpu.memory_space<vmem>>, vector<16xf32>,
        tpu.vector_store %arg8[%parallel_loop3A_307, %parallel_loop3A_308, %parallel_loop3A_309, %parallel_loop3A_310], %parallel_loop3A_173 {strides = array<i32>} : memref<4x8x8x128xf32, #tpu.memory_space<vmem>>, vector<16xf32>,
        %parallel_loop3A_312 = arith.constant 16 : i32
        %parallel_loop3A_313 = arith.muli %parallel_loop3A_148, %parallel_loop3A_312 : i32
        %parallel_loop3A_314 = arith.constant 0 : i32
        %parallel_loop3A_315 = arith.constant 7 : i32
        %parallel_loop3A_316 = arith.index_cast %parallel_loop3A_314 : i32 to index
        %parallel_loop3A_317 = arith.index_cast %parallel_loop3A_132 : i32 to index
        %parallel_loop3A_318 = arith.index_cast %parallel_loop3A_315 : i32 to index
        %parallel_loop3A_319 = arith.index_cast %parallel_loop3A_313 : i32 to index
        %parallel_loop3A_320 = tpu.vector_load %arg8[%parallel_loop3A_316, %parallel_loop3A_317, %parallel_loop3A_318, %parallel_loop3A_319] {strides = array<i32>} : memref<4x8x8x128xf32, #tpu.memory_space<vmem>>, vector<16xf32>,
        tpu.vector_store %arg8[%parallel_loop3A_316, %parallel_loop3A_317, %parallel_loop3A_318, %parallel_loop3A_319], %parallel_loop3A_176 {strides = array<i32>} : memref<4x8x8x128xf32, #tpu.memory_space<vmem>>, vector<16xf32>,
        %parallel_loop3A_321 = arith.constant 16 : i32
        %parallel_loop3A_322 = arith.muli %parallel_loop3A_148, %parallel_loop3A_321 : i32
        %parallel_loop3A_323 = arith.constant 1 : i32
        %parallel_loop3A_324 = arith.constant 0 : i32
        %parallel_loop3A_325 = arith.index_cast %parallel_loop3A_323 : i32 to index
        %parallel_loop3A_326 = arith.index_cast %parallel_loop3A_132 : i32 to index
        %parallel_loop3A_327 = arith.index_cast %parallel_loop3A_324 : i32 to index
        %parallel_loop3A_328 = arith.index_cast %parallel_loop3A_322 : i32 to index
        %parallel_loop3A_329 = tpu.vector_load %arg8[%parallel_loop3A_325, %parallel_loop3A_326, %parallel_loop3A_327, %parallel_loop3A_328] {strides = array<i32>} : memref<4x8x8x128xf32, #tpu.memory_space<vmem>>, vector<16xf32>,
        tpu.vector_store %arg8[%parallel_loop3A_325, %parallel_loop3A_326, %parallel_loop3A_327, %parallel_loop3A_328], %parallel_loop3A_179 {strides = array<i32>} : memref<4x8x8x128xf32, #tpu.memory_space<vmem>>, vector<16xf32>,
        %parallel_loop3A_330 = arith.constant 16 : i32
        %parallel_loop3A_331 = arith.muli %parallel_loop3A_148, %parallel_loop3A_330 : i32
        %parallel_loop3A_332 = arith.constant 1 : i32
        %parallel_loop3A_333 = arith.constant 1 : i32
        %parallel_loop3A_334 = arith.index_cast %parallel_loop3A_332 : i32 to index
        %parallel_loop3A_335 = arith.index_cast %parallel_loop3A_132 : i32 to index
        %parallel_loop3A_336 = arith.index_cast %parallel_loop3A_333 : i32 to index
        %parallel_loop3A_337 = arith.index_cast %parallel_loop3A_331 : i32 to index
        %parallel_loop3A_338 = tpu.vector_load %arg8[%parallel_loop3A_334, %parallel_loop3A_335, %parallel_loop3A_336, %parallel_loop3A_337] {strides = array<i32>} : memref<4x8x8x128xf32, #tpu.memory_space<vmem>>, vector<16xf32>,
        tpu.vector_store %arg8[%parallel_loop3A_334, %parallel_loop3A_335, %parallel_loop3A_336, %parallel_loop3A_337], %parallel_loop3A_182 {strides = array<i32>} : memref<4x8x8x128xf32, #tpu.memory_space<vmem>>, vector<16xf32>,
        %parallel_loop3A_339 = arith.constant 16 : i32
        %parallel_loop3A_340 = arith.muli %parallel_loop3A_148, %parallel_loop3A_339 : i32
        %parallel_loop3A_341 = arith.constant 1 : i32
        %parallel_loop3A_342 = arith.constant 2 : i32
        %parallel_loop3A_343 = arith.index_cast %parallel_loop3A_341 : i32 to index
        %parallel_loop3A_344 = arith.index_cast %parallel_loop3A_132 : i32 to index
        %parallel_loop3A_345 = arith.index_cast %parallel_loop3A_342 : i32 to index
        %parallel_loop3A_346 = arith.index_cast %parallel_loop3A_340 : i32 to index
        %parallel_loop3A_347 = tpu.vector_load %arg8[%parallel_loop3A_343, %parallel_loop3A_344, %parallel_loop3A_345, %parallel_loop3A_346] {strides = array<i32>} : memref<4x8x8x128xf32, #tpu.memory_space<vmem>>, vector<16xf32>,
        tpu.vector_store %arg8[%parallel_loop3A_343, %parallel_loop3A_344, %parallel_loop3A_345, %parallel_loop3A_346], %parallel_loop3A_185 {strides = array<i32>} : memref<4x8x8x128xf32, #tpu.memory_space<vmem>>, vector<16xf32>,
        %parallel_loop3A_348 = arith.constant 16 : i32
        %parallel_loop3A_349 = arith.muli %parallel_loop3A_148, %parallel_loop3A_348 : i32
        %parallel_loop3A_350 = arith.constant 1 : i32
        %parallel_loop3A_351 = arith.constant 3 : i32
        %parallel_loop3A_352 = arith.index_cast %parallel_loop3A_350 : i32 to index
        %parallel_loop3A_353 = arith.index_cast %parallel_loop3A_132 : i32 to index
        %parallel_loop3A_354 = arith.index_cast %parallel_loop3A_351 : i32 to index
        %parallel_loop3A_355 = arith.index_cast %parallel_loop3A_349 : i32 to index
        %parallel_loop3A_356 = tpu.vector_load %arg8[%parallel_loop3A_352, %parallel_loop3A_353, %parallel_loop3A_354, %parallel_loop3A_355] {strides = array<i32>} : memref<4x8x8x128xf32, #tpu.memory_space<vmem>>, vector<16xf32>,
        tpu.vector_store %arg8[%parallel_loop3A_352, %parallel_loop3A_353, %parallel_loop3A_354, %parallel_loop3A_355], %parallel_loop3A_188 {strides = array<i32>} : memref<4x8x8x128xf32, #tpu.memory_space<vmem>>, vector<16xf32>,
        %parallel_loop3A_357 = arith.constant 16 : i32
        %parallel_loop3A_358 = arith.muli %parallel_loop3A_148, %parallel_loop3A_357 : i32
        %parallel_loop3A_359 = arith.constant 1 : i32
        %parallel_loop3A_360 = arith.constant 4 : i32
        %parallel_loop3A_361 = arith.index_cast %parallel_loop3A_359 : i32 to index
        %parallel_loop3A_362 = arith.index_cast %parallel_loop3A_132 : i32 to index
        %parallel_loop3A_363 = arith.index_cast %parallel_loop3A_360 : i32 to index
        %parallel_loop3A_364 = arith.index_cast %parallel_loop3A_358 : i32 to index
        %parallel_loop3A_365 = tpu.vector_load %arg8[%parallel_loop3A_361, %parallel_loop3A_362, %parallel_loop3A_363, %parallel_loop3A_364] {strides = array<i32>} : memref<4x8x8x128xf32, #tpu.memory_space<vmem>>, vector<16xf32>,
        tpu.vector_store %arg8[%parallel_loop3A_361, %parallel_loop3A_362, %parallel_loop3A_363, %parallel_loop3A_364], %parallel_loop3A_191 {strides = array<i32>} : memref<4x8x8x128xf32, #tpu.memory_space<vmem>>, vector<16xf32>,
        %parallel_loop3A_366 = arith.constant 16 : i32
        %parallel_loop3A_367 = arith.muli %parallel_loop3A_148, %parallel_loop3A_366 : i32
        %parallel_loop3A_368 = arith.constant 1 : i32
        %parallel_loop3A_369 = arith.constant 5 : i32
        %parallel_loop3A_370 = arith.index_cast %parallel_loop3A_368 : i32 to index
        %parallel_loop3A_371 = arith.index_cast %parallel_loop3A_132 : i32 to index
        %parallel_loop3A_372 = arith.index_cast %parallel_loop3A_369 : i32 to index
        %parallel_loop3A_373 = arith.index_cast %parallel_loop3A_367 : i32 to index
        %parallel_loop3A_374 = tpu.vector_load %arg8[%parallel_loop3A_370, %parallel_loop3A_371, %parallel_loop3A_372, %parallel_loop3A_373] {strides = array<i32>} : memref<4x8x8x128xf32, #tpu.memory_space<vmem>>, vector<16xf32>,
        tpu.vector_store %arg8[%parallel_loop3A_370, %parallel_loop3A_371, %parallel_loop3A_372, %parallel_loop3A_373], %parallel_loop3A_194 {strides = array<i32>} : memref<4x8x8x128xf32, #tpu.memory_space<vmem>>, vector<16xf32>,
        %parallel_loop3A_375 = arith.constant 16 : i32
        %parallel_loop3A_376 = arith.muli %parallel_loop3A_148, %parallel_loop3A_375 : i32
        %parallel_loop3A_377 = arith.constant 1 : i32
        %parallel_loop3A_378 = arith.constant 6 : i32
        %parallel_loop3A_379 = arith.index_cast %parallel_loop3A_377 : i32 to index
        %parallel_loop3A_380 = arith.index_cast %parallel_loop3A_132 : i32 to index
        %parallel_loop3A_381 = arith.index_cast %parallel_loop3A_378 : i32 to index
        %parallel_loop3A_382 = arith.index_cast %parallel_loop3A_376 : i32 to index
        %parallel_loop3A_383 = tpu.vector_load %arg8[%parallel_loop3A_379, %parallel_loop3A_380, %parallel_loop3A_381, %parallel_loop3A_382] {strides = array<i32>} : memref<4x8x8x128xf32, #tpu.memory_space<vmem>>, vector<16xf32>,
        tpu.vector_store %arg8[%parallel_loop3A_379, %parallel_loop3A_380, %parallel_loop3A_381, %parallel_loop3A_382], %parallel_loop3A_197 {strides = array<i32>} : memref<4x8x8x128xf32, #tpu.memory_space<vmem>>, vector<16xf32>,
        %parallel_loop3A_384 = arith.constant 16 : i32
        %parallel_loop3A_385 = arith.muli %parallel_loop3A_148, %parallel_loop3A_384 : i32
        %parallel_loop3A_386 = arith.constant 1 : i32
        %parallel_loop3A_387 = arith.constant 7 : i32
        %parallel_loop3A_388 = arith.index_cast %parallel_loop3A_386 : i32 to index
        %parallel_loop3A_389 = arith.index_cast %parallel_loop3A_132 : i32 to index
        %parallel_loop3A_390 = arith.index_cast %parallel_loop3A_387 : i32 to index
        %parallel_loop3A_391 = arith.index_cast %parallel_loop3A_385 : i32 to index
        %parallel_loop3A_392 = tpu.vector_load %arg8[%parallel_loop3A_388, %parallel_loop3A_389, %parallel_loop3A_390, %parallel_loop3A_391] {strides = array<i32>} : memref<4x8x8x128xf32, #tpu.memory_space<vmem>>, vector<16xf32>,
        tpu.vector_store %arg8[%parallel_loop3A_388, %parallel_loop3A_389, %parallel_loop3A_390, %parallel_loop3A_391], %parallel_loop3A_200 {strides = array<i32>} : memref<4x8x8x128xf32, #tpu.memory_space<vmem>>, vector<16xf32>,
        %parallel_loop3A_393 = arith.constant 16 : i32
        %parallel_loop3A_394 = arith.muli %parallel_loop3A_148, %parallel_loop3A_393 : i32
        %parallel_loop3A_395 = arith.constant 2 : i32
        %parallel_loop3A_396 = arith.constant 0 : i32
        %parallel_loop3A_397 = arith.index_cast %parallel_loop3A_395 : i32 to index
        %parallel_loop3A_398 = arith.index_cast %parallel_loop3A_132 : i32 to index
        %parallel_loop3A_399 = arith.index_cast %parallel_loop3A_396 : i32 to index
        %parallel_loop3A_400 = arith.index_cast %parallel_loop3A_394 : i32 to index
        %parallel_loop3A_401 = tpu.vector_load %arg8[%parallel_loop3A_397, %parallel_loop3A_398, %parallel_loop3A_399, %parallel_loop3A_400] {strides = array<i32>} : memref<4x8x8x128xf32, #tpu.memory_space<vmem>>, vector<16xf32>,
        tpu.vector_store %arg8[%parallel_loop3A_397, %parallel_loop3A_398, %parallel_loop3A_399, %parallel_loop3A_400], %parallel_loop3A_203 {strides = array<i32>} : memref<4x8x8x128xf32, #tpu.memory_space<vmem>>, vector<16xf32>,
        %parallel_loop3A_402 = arith.constant 16 : i32
        %parallel_loop3A_403 = arith.muli %parallel_loop3A_148, %parallel_loop3A_402 : i32
        %parallel_loop3A_404 = arith.constant 2 : i32
        %parallel_loop3A_405 = arith.constant 1 : i32
        %parallel_loop3A_406 = arith.index_cast %parallel_loop3A_404 : i32 to index
        %parallel_loop3A_407 = arith.index_cast %parallel_loop3A_132 : i32 to index
        %parallel_loop3A_408 = arith.index_cast %parallel_loop3A_405 : i32 to index
        %parallel_loop3A_409 = arith.index_cast %parallel_loop3A_403 : i32 to index
        %parallel_loop3A_410 = tpu.vector_load %arg8[%parallel_loop3A_406, %parallel_loop3A_407, %parallel_loop3A_408, %parallel_loop3A_409] {strides = array<i32>} : memref<4x8x8x128xf32, #tpu.memory_space<vmem>>, vector<16xf32>,
        tpu.vector_store %arg8[%parallel_loop3A_406, %parallel_loop3A_407, %parallel_loop3A_408, %parallel_loop3A_409], %parallel_loop3A_206 {strides = array<i32>} : memref<4x8x8x128xf32, #tpu.memory_space<vmem>>, vector<16xf32>,
        %parallel_loop3A_411 = arith.constant 16 : i32
        %parallel_loop3A_412 = arith.muli %parallel_loop3A_148, %parallel_loop3A_411 : i32
        %parallel_loop3A_413 = arith.constant 2 : i32
        %parallel_loop3A_414 = arith.constant 2 : i32
        %parallel_loop3A_415 = arith.index_cast %parallel_loop3A_413 : i32 to index
        %parallel_loop3A_416 = arith.index_cast %parallel_loop3A_132 : i32 to index
        %parallel_loop3A_417 = arith.index_cast %parallel_loop3A_414 : i32 to index
        %parallel_loop3A_418 = arith.index_cast %parallel_loop3A_412 : i32 to index
        %parallel_loop3A_419 = tpu.vector_load %arg8[%parallel_loop3A_415, %parallel_loop3A_416, %parallel_loop3A_417, %parallel_loop3A_418] {strides = array<i32>} : memref<4x8x8x128xf32, #tpu.memory_space<vmem>>, vector<16xf32>,
        tpu.vector_store %arg8[%parallel_loop3A_415, %parallel_loop3A_416, %parallel_loop3A_417, %parallel_loop3A_418], %parallel_loop3A_209 {strides = array<i32>} : memref<4x8x8x128xf32, #tpu.memory_space<vmem>>, vector<16xf32>,
        %parallel_loop3A_420 = arith.constant 16 : i32
        %parallel_loop3A_421 = arith.muli %parallel_loop3A_148, %parallel_loop3A_420 : i32
        %parallel_loop3A_422 = arith.constant 2 : i32
        %parallel_loop3A_423 = arith.constant 3 : i32
        %parallel_loop3A_424 = arith.index_cast %parallel_loop3A_422 : i32 to index
        %parallel_loop3A_425 = arith.index_cast %parallel_loop3A_132 : i32 to index
        %parallel_loop3A_426 = arith.index_cast %parallel_loop3A_423 : i32 to index
        %parallel_loop3A_427 = arith.index_cast %parallel_loop3A_421 : i32 to index
        %parallel_loop3A_428 = tpu.vector_load %arg8[%parallel_loop3A_424, %parallel_loop3A_425, %parallel_loop3A_426, %parallel_loop3A_427] {strides = array<i32>} : memref<4x8x8x128xf32, #tpu.memory_space<vmem>>, vector<16xf32>,
        tpu.vector_store %arg8[%parallel_loop3A_424, %parallel_loop3A_425, %parallel_loop3A_426, %parallel_loop3A_427], %parallel_loop3A_212 {strides = array<i32>} : memref<4x8x8x128xf32, #tpu.memory_space<vmem>>, vector<16xf32>,
        %parallel_loop3A_429 = arith.constant 16 : i32
        %parallel_loop3A_430 = arith.muli %parallel_loop3A_148, %parallel_loop3A_429 : i32
        %parallel_loop3A_431 = arith.constant 2 : i32
        %parallel_loop3A_432 = arith.constant 4 : i32
        %parallel_loop3A_433 = arith.index_cast %parallel_loop3A_431 : i32 to index
        %parallel_loop3A_434 = arith.index_cast %parallel_loop3A_132 : i32 to index
        %parallel_loop3A_435 = arith.index_cast %parallel_loop3A_432 : i32 to index
        %parallel_loop3A_436 = arith.index_cast %parallel_loop3A_430 : i32 to index
        %parallel_loop3A_437 = tpu.vector_load %arg8[%parallel_loop3A_433, %parallel_loop3A_434, %parallel_loop3A_435, %parallel_loop3A_436] {strides = array<i32>} : memref<4x8x8x128xf32, #tpu.memory_space<vmem>>, vector<16xf32>,
        tpu.vector_store %arg8[%parallel_loop3A_433, %parallel_loop3A_434, %parallel_loop3A_435, %parallel_loop3A_436], %parallel_loop3A_215 {strides = array<i32>} : memref<4x8x8x128xf32, #tpu.memory_space<vmem>>, vector<16xf32>,
        %parallel_loop3A_438 = arith.constant 16 : i32
        %parallel_loop3A_439 = arith.muli %parallel_loop3A_148, %parallel_loop3A_438 : i32
        %parallel_loop3A_440 = arith.constant 2 : i32
        %parallel_loop3A_441 = arith.constant 5 : i32
        %parallel_loop3A_442 = arith.index_cast %parallel_loop3A_440 : i32 to index
        %parallel_loop3A_443 = arith.index_cast %parallel_loop3A_132 : i32 to index
        %parallel_loop3A_444 = arith.index_cast %parallel_loop3A_441 : i32 to index
        %parallel_loop3A_445 = arith.index_cast %parallel_loop3A_439 : i32 to index
        %parallel_loop3A_446 = tpu.vector_load %arg8[%parallel_loop3A_442, %parallel_loop3A_443, %parallel_loop3A_444, %parallel_loop3A_445] {strides = array<i32>} : memref<4x8x8x128xf32, #tpu.memory_space<vmem>>, vector<16xf32>,
        tpu.vector_store %arg8[%parallel_loop3A_442, %parallel_loop3A_443, %parallel_loop3A_444, %parallel_loop3A_445], %parallel_loop3A_218 {strides = array<i32>} : memref<4x8x8x128xf32, #tpu.memory_space<vmem>>, vector<16xf32>,
        %parallel_loop3A_447 = arith.constant 16 : i32
        %parallel_loop3A_448 = arith.muli %parallel_loop3A_148, %parallel_loop3A_447 : i32
        %parallel_loop3A_449 = arith.constant 2 : i32
        %parallel_loop3A_450 = arith.constant 6 : i32
        %parallel_loop3A_451 = arith.index_cast %parallel_loop3A_449 : i32 to index
        %parallel_loop3A_452 = arith.index_cast %parallel_loop3A_132 : i32 to index
        %parallel_loop3A_453 = arith.index_cast %parallel_loop3A_450 : i32 to index
        %parallel_loop3A_454 = arith.index_cast %parallel_loop3A_448 : i32 to index
        %parallel_loop3A_455 = tpu.vector_load %arg8[%parallel_loop3A_451, %parallel_loop3A_452, %parallel_loop3A_453, %parallel_loop3A_454] {strides = array<i32>} : memref<4x8x8x128xf32, #tpu.memory_space<vmem>>, vector<16xf32>,
        tpu.vector_store %arg8[%parallel_loop3A_451, %parallel_loop3A_452, %parallel_loop3A_453, %parallel_loop3A_454], %parallel_loop3A_221 {strides = array<i32>} : memref<4x8x8x128xf32, #tpu.memory_space<vmem>>, vector<16xf32>,
        %parallel_loop3A_456 = arith.constant 16 : i32
        %parallel_loop3A_457 = arith.muli %parallel_loop3A_148, %parallel_loop3A_456 : i32
        %parallel_loop3A_458 = arith.constant 2 : i32
        %parallel_loop3A_459 = arith.constant 7 : i32
        %parallel_loop3A_460 = arith.index_cast %parallel_loop3A_458 : i32 to index
        %parallel_loop3A_461 = arith.index_cast %parallel_loop3A_132 : i32 to index
        %parallel_loop3A_462 = arith.index_cast %parallel_loop3A_459 : i32 to index
        %parallel_loop3A_463 = arith.index_cast %parallel_loop3A_457 : i32 to index
        %parallel_loop3A_464 = tpu.vector_load %arg8[%parallel_loop3A_460, %parallel_loop3A_461, %parallel_loop3A_462, %parallel_loop3A_463] {strides = array<i32>} : memref<4x8x8x128xf32, #tpu.memory_space<vmem>>, vector<16xf32>,
        tpu.vector_store %arg8[%parallel_loop3A_460, %parallel_loop3A_461, %parallel_loop3A_462, %parallel_loop3A_463], %parallel_loop3A_224 {strides = array<i32>} : memref<4x8x8x128xf32, #tpu.memory_space<vmem>>, vector<16xf32>,
        %parallel_loop3A_465 = arith.constant 16 : i32
        %parallel_loop3A_466 = arith.muli %parallel_loop3A_148, %parallel_loop3A_465 : i32
        %parallel_loop3A_467 = arith.constant 3 : i32
        %parallel_loop3A_468 = arith.constant 0 : i32
        %parallel_loop3A_469 = arith.index_cast %parallel_loop3A_467 : i32 to index
        %parallel_loop3A_470 = arith.index_cast %parallel_loop3A_132 : i32 to index
        %parallel_loop3A_471 = arith.index_cast %parallel_loop3A_468 : i32 to index
        %parallel_loop3A_472 = arith.index_cast %parallel_loop3A_466 : i32 to index
        %parallel_loop3A_473 = tpu.vector_load %arg8[%parallel_loop3A_469, %parallel_loop3A_470, %parallel_loop3A_471, %parallel_loop3A_472] {strides = array<i32>} : memref<4x8x8x128xf32, #tpu.memory_space<vmem>>, vector<16xf32>,
        tpu.vector_store %arg8[%parallel_loop3A_469, %parallel_loop3A_470, %parallel_loop3A_471, %parallel_loop3A_472], %parallel_loop3A_227 {strides = array<i32>} : memref<4x8x8x128xf32, #tpu.memory_space<vmem>>, vector<16xf32>,
        %parallel_loop3A_474 = arith.constant 16 : i32
        %parallel_loop3A_475 = arith.muli %parallel_loop3A_148, %parallel_loop3A_474 : i32
        %parallel_loop3A_476 = arith.constant 3 : i32
        %parallel_loop3A_477 = arith.constant 1 : i32
        %parallel_loop3A_478 = arith.index_cast %parallel_loop3A_476 : i32 to index
        %parallel_loop3A_479 = arith.index_cast %parallel_loop3A_132 : i32 to index
        %parallel_loop3A_480 = arith.index_cast %parallel_loop3A_477 : i32 to index
        %parallel_loop3A_481 = arith.index_cast %parallel_loop3A_475 : i32 to index
        %parallel_loop3A_482 = tpu.vector_load %arg8[%parallel_loop3A_478, %parallel_loop3A_479, %parallel_loop3A_480, %parallel_loop3A_481] {strides = array<i32>} : memref<4x8x8x128xf32, #tpu.memory_space<vmem>>, vector<16xf32>,
        tpu.vector_store %arg8[%parallel_loop3A_478, %parallel_loop3A_479, %parallel_loop3A_480, %parallel_loop3A_481], %parallel_loop3A_230 {strides = array<i32>} : memref<4x8x8x128xf32, #tpu.memory_space<vmem>>, vector<16xf32>,
        %parallel_loop3A_483 = arith.constant 16 : i32
        %parallel_loop3A_484 = arith.muli %parallel_loop3A_148, %parallel_loop3A_483 : i32
        %parallel_loop3A_485 = arith.constant 3 : i32
        %parallel_loop3A_486 = arith.constant 2 : i32
        %parallel_loop3A_487 = arith.index_cast %parallel_loop3A_485 : i32 to index
        %parallel_loop3A_488 = arith.index_cast %parallel_loop3A_132 : i32 to index
        %parallel_loop3A_489 = arith.index_cast %parallel_loop3A_486 : i32 to index
        %parallel_loop3A_490 = arith.index_cast %parallel_loop3A_484 : i32 to index
        %parallel_loop3A_491 = tpu.vector_load %arg8[%parallel_loop3A_487, %parallel_loop3A_488, %parallel_loop3A_489, %parallel_loop3A_490] {strides = array<i32>} : memref<4x8x8x128xf32, #tpu.memory_space<vmem>>, vector<16xf32>,
        tpu.vector_store %arg8[%parallel_loop3A_487, %parallel_loop3A_488, %parallel_loop3A_489, %parallel_loop3A_490], %parallel_loop3A_233 {strides = array<i32>} : memref<4x8x8x128xf32, #tpu.memory_space<vmem>>, vector<16xf32>,
        %parallel_loop3A_492 = arith.constant 16 : i32
        %parallel_loop3A_493 = arith.muli %parallel_loop3A_148, %parallel_loop3A_492 : i32
        %parallel_loop3A_494 = arith.constant 3 : i32
        %parallel_loop3A_495 = arith.constant 3 : i32
        %parallel_loop3A_496 = arith.index_cast %parallel_loop3A_494 : i32 to index
        %parallel_loop3A_497 = arith.index_cast %parallel_loop3A_132 : i32 to index
        %parallel_loop3A_498 = arith.index_cast %parallel_loop3A_495 : i32 to index
        %parallel_loop3A_499 = arith.index_cast %parallel_loop3A_493 : i32 to index
        %parallel_loop3A_500 = tpu.vector_load %arg8[%parallel_loop3A_496, %parallel_loop3A_497, %parallel_loop3A_498, %parallel_loop3A_499] {strides = array<i32>} : memref<4x8x8x128xf32, #tpu.memory_space<vmem>>, vector<16xf32>,
        tpu.vector_store %arg8[%parallel_loop3A_496, %parallel_loop3A_497, %parallel_loop3A_498, %parallel_loop3A_499], %parallel_loop3A_236 {strides = array<i32>} : memref<4x8x8x128xf32, #tpu.memory_space<vmem>>, vector<16xf32>,
        %parallel_loop3A_501 = arith.constant 16 : i32
        %parallel_loop3A_502 = arith.muli %parallel_loop3A_148, %parallel_loop3A_501 : i32
        %parallel_loop3A_503 = arith.constant 3 : i32
        %parallel_loop3A_504 = arith.constant 4 : i32
        %parallel_loop3A_505 = arith.index_cast %parallel_loop3A_503 : i32 to index
        %parallel_loop3A_506 = arith.index_cast %parallel_loop3A_132 : i32 to index
        %parallel_loop3A_507 = arith.index_cast %parallel_loop3A_504 : i32 to index
        %parallel_loop3A_508 = arith.index_cast %parallel_loop3A_502 : i32 to index
        %parallel_loop3A_509 = tpu.vector_load %arg8[%parallel_loop3A_505, %parallel_loop3A_506, %parallel_loop3A_507, %parallel_loop3A_508] {strides = array<i32>} : memref<4x8x8x128xf32, #tpu.memory_space<vmem>>, vector<16xf32>,
        tpu.vector_store %arg8[%parallel_loop3A_505, %parallel_loop3A_506, %parallel_loop3A_507, %parallel_loop3A_508], %parallel_loop3A_239 {strides = array<i32>} : memref<4x8x8x128xf32, #tpu.memory_space<vmem>>, vector<16xf32>,
        %parallel_loop3A_510 = arith.constant 16 : i32
        %parallel_loop3A_511 = arith.muli %parallel_loop3A_148, %parallel_loop3A_510 : i32
        %parallel_loop3A_512 = arith.constant 3 : i32
        %parallel_loop3A_513 = arith.constant 5 : i32
        %parallel_loop3A_514 = arith.index_cast %parallel_loop3A_512 : i32 to index
        %parallel_loop3A_515 = arith.index_cast %parallel_loop3A_132 : i32 to index
        %parallel_loop3A_516 = arith.index_cast %parallel_loop3A_513 : i32 to index
        %parallel_loop3A_517 = arith.index_cast %parallel_loop3A_511 : i32 to index
        %parallel_loop3A_518 = tpu.vector_load %arg8[%parallel_loop3A_514, %parallel_loop3A_515, %parallel_loop3A_516, %parallel_loop3A_517] {strides = array<i32>} : memref<4x8x8x128xf32, #tpu.memory_space<vmem>>, vector<16xf32>,
        tpu.vector_store %arg8[%parallel_loop3A_514, %parallel_loop3A_515, %parallel_loop3A_516, %parallel_loop3A_517], %parallel_loop3A_242 {strides = array<i32>} : memref<4x8x8x128xf32, #tpu.memory_space<vmem>>, vector<16xf32>,
        %parallel_loop3A_519 = arith.constant 16 : i32
        %parallel_loop3A_520 = arith.muli %parallel_loop3A_148, %parallel_loop3A_519 : i32
        %parallel_loop3A_521 = arith.constant 3 : i32
        %parallel_loop3A_522 = arith.constant 6 : i32
        %parallel_loop3A_523 = arith.index_cast %parallel_loop3A_521 : i32 to index
        %parallel_loop3A_524 = arith.index_cast %parallel_loop3A_132 : i32 to index
        %parallel_loop3A_525 = arith.index_cast %parallel_loop3A_522 : i32 to index
        %parallel_loop3A_526 = arith.index_cast %parallel_loop3A_520 : i32 to index
        %parallel_loop3A_527 = tpu.vector_load %arg8[%parallel_loop3A_523, %parallel_loop3A_524, %parallel_loop3A_525, %parallel_loop3A_526] {strides = array<i32>} : memref<4x8x8x128xf32, #tpu.memory_space<vmem>>, vector<16xf32>,
        tpu.vector_store %arg8[%parallel_loop3A_523, %parallel_loop3A_524, %parallel_loop3A_525, %parallel_loop3A_526], %parallel_loop3A_245 {strides = array<i32>} : memref<4x8x8x128xf32, #tpu.memory_space<vmem>>, vector<16xf32>,
        %parallel_loop3A_528 = arith.constant 16 : i32
        %parallel_loop3A_529 = arith.muli %parallel_loop3A_148, %parallel_loop3A_528 : i32
        %parallel_loop3A_530 = arith.constant 3 : i32
        %parallel_loop3A_531 = arith.constant 7 : i32
        %parallel_loop3A_532 = arith.index_cast %parallel_loop3A_530 : i32 to index
        %parallel_loop3A_533 = arith.index_cast %parallel_loop3A_132 : i32 to index
        %parallel_loop3A_534 = arith.index_cast %parallel_loop3A_531 : i32 to index
        %parallel_loop3A_535 = arith.index_cast %parallel_loop3A_529 : i32 to index
        %parallel_loop3A_536 = tpu.vector_load %arg8[%parallel_loop3A_532, %parallel_loop3A_533, %parallel_loop3A_534, %parallel_loop3A_535] {strides = array<i32>} : memref<4x8x8x128xf32, #tpu.memory_space<vmem>>, vector<16xf32>,
        tpu.vector_store %arg8[%parallel_loop3A_532, %parallel_loop3A_533, %parallel_loop3A_534, %parallel_loop3A_535], %parallel_loop3A_248 {strides = array<i32>} : memref<4x8x8x128xf32, #tpu.memory_space<vmem>>, vector<16xf32>,
      } {sc.loop_unroll_factor = 16 : i64, sc.parallel_access}
      %dma_start3A_63 = arith.constant 0 : i32
      %dma_start3A_64 = arith.constant 0 : i32
      %dma_start3A_65 = arith.constant 0 : i32
      %dma_start3A_66 = tpu.memref_slice %arg4[%add3A_46, %min3A_3, %dma_start3A_63, %dma_start3A_64, %dma_start3A_65] : memref<50x125x8x8x128xf32, #tpu.memory_space<hbm>> -> memref<1x4x8x8x128xf32, #tpu.memory_space<hbm>>
      %dma_start3A_67 = tpu.memref_squeeze %dma_start3A_66 : memref<1x4x8x8x128xf32, #tpu.memory_space<hbm>> -> memref<4x8x8x128xf32, #tpu.memory_space<hbm>>
      %dma_start3A_68 = arith.constant 0 : i32
      %dma_start3A_69 = arith.constant 0 : i32
      %dma_start3A_70 = arith.constant 0 : i32
      %dma_start3A_71 = tpu.memref_slice %arg4[%add3A_46, %min3A_3, %dma_start3A_68, %dma_start3A_69, %dma_start3A_70] : memref<50x125x8x8x128xf32, #tpu.memory_space<hbm>> -> memref<1x4x8x8x128xf32, #tpu.memory_space<hbm>>
      %dma_start3A_72 = tpu.memref_squeeze %dma_start3A_71 : memref<1x4x8x8x128xf32, #tpu.memory_space<hbm>> -> memref<4x8x8x128xf32, #tpu.memory_space<hbm>>
      tpu.enqueue_dma source(%arg8 : memref<4x8x8x128xf32, #tpu.memory_space<vmem>>) target(%dma_start3A_72 : memref<4x8x8x128xf32, #tpu.memory_space<hbm>>) target_semaphore(%arg12 : memref<!tpu.dma_semaphore, #tpu.memory_space<semaphore_mem>>)
      %mul3A_73 = arith.constant 2 : i32
      %mul3A_74 = arith.muli %scan3A_42, %mul3A_73 : i32
      %add3A_75 = arith.constant 1 : i32
      %add3A_76 = arith.addi %mul3A_74, %add3A_75 : i32
      %dma_wait3A_77 = arith.constant 0 : i32
      %dma_wait3A_78 = tpu.memref_slice %arg2[%add3A_76, %dma_wait3A_77] : memref<50x1024xi32, #tpu.memory_space<hbm>> -> memref<1x1024xi32, #tpu.memory_space<hbm>>
      %dma_wait3A_79 = tpu.memref_squeeze %dma_wait3A_78 : memref<1x1024xi32, #tpu.memory_space<hbm>> -> memref<1024xi32, #tpu.memory_space<hbm>>
      %dma_wait3A_80 = arith.constant 0 : i32
      %dma_wait3A_81 = tpu.memref_slice %arg2[%add3A_76, %dma_wait3A_80] : memref<50x1024xi32, #tpu.memory_space<hbm>> -> memref<1x1024xi32, #tpu.memory_space<hbm>>
      %dma_wait3A_82 = tpu.memref_squeeze %dma_wait3A_81 : memref<1x1024xi32, #tpu.memory_space<hbm>> -> memref<1024xi32, #tpu.memory_space<hbm>>
      tpu.wait_dma2 semaphore(%arg11 : memref<!tpu.dma_semaphore, #tpu.memory_space<semaphore_mem>>) src(%dma_wait3A_82 : memref<1024xi32, #tpu.memory_space<hbm>>) dst(%arg7 : memref<1024xi32, #tpu.memory_space<vmem>>)
      %add3A_83 = arith.constant 1 : i32
      %add3A_84 = arith.addi %add3A_76, %add3A_83 : i32
      %lt3A_85 = arith.constant 50 : i32
      %lt3A_86 = arith.cmpi slt, %add3A_84, %lt3A_85 : i32
      %convert_element_type3A_87 = arith.extui %lt3A_86 : i1 to i32
      %cond3A_88 = arith.constant 0 : i32
      %cond3A_89 = arith.cmpi ne, %convert_element_type3A_87, %cond3A_88 : i32
      scf.if %cond3A_89 {
        %add3A_108 = arith.constant 1 : i32
        %add3A_109 = arith.addi %add3A_76, %add3A_108 : i32
        %dma_start3A_110 = arith.constant 0 : i32
        %dma_start3A_111 = tpu.memref_slice %arg2[%add3A_109, %dma_start3A_110] : memref<50x1024xi32, #tpu.memory_space<hbm>> -> memref<1x1024xi32, #tpu.memory_space<hbm>>
        %dma_start3A_112 = tpu.memref_squeeze %dma_start3A_111 : memref<1x1024xi32, #tpu.memory_space<hbm>> -> memref<1024xi32, #tpu.memory_space<hbm>>
        %dma_start3A_113 = arith.constant 0 : i32
        %dma_start3A_114 = tpu.memref_slice %arg2[%add3A_109, %dma_start3A_113] : memref<50x1024xi32, #tpu.memory_space<hbm>> -> memref<1x1024xi32, #tpu.memory_space<hbm>>
        %dma_start3A_115 = tpu.memref_squeeze %dma_start3A_114 : memref<1x1024xi32, #tpu.memory_space<hbm>> -> memref<1024xi32, #tpu.memory_space<hbm>>
        tpu.enqueue_dma source(%dma_start3A_115 : memref<1024xi32, #tpu.memory_space<hbm>>) target(%arg6 : memref<1024xi32, #tpu.memory_space<vmem>>) target_semaphore(%arg10 : memref<!tpu.dma_semaphore, #tpu.memory_space<semaphore_mem>>)
      } else {
      }
      %ge3A_90 = arith.constant 2 : i32
      %ge3A_91 = arith.cmpi sge, %add3A_76, %ge3A_90 : i32
      %convert_element_type3A_92 = arith.extui %ge3A_91 : i1 to i32
      %cond3A_93 = arith.constant 0 : i32
      %cond3A_94 = arith.cmpi ne, %convert_element_type3A_92, %cond3A_93 : i32
      scf.if %cond3A_94 {
        %dma_wait3A_108 = arith.constant 0 : i32
        %dma_wait3A_109 = arith.constant 0 : i32
        %dma_wait3A_110 = arith.constant 0 : i32
        %dma_wait3A_111 = arith.constant 0 : i32
        %dma_wait3A_112 = arith.constant 0 : i32
        %dma_wait3A_113 = tpu.memref_slice %arg4[%dma_wait3A_108, %dma_wait3A_109, %dma_wait3A_110, %dma_wait3A_111, %dma_wait3A_112] : memref<50x125x8x8x128xf32, #tpu.memory_space<hbm>> -> memref<1x4x8x8x128xf32, #tpu.memory_space<hbm>>
        %dma_wait3A_114 = tpu.memref_squeeze %dma_wait3A_113 : memref<1x4x8x8x128xf32, #tpu.memory_space<hbm>> -> memref<4x8x8x128xf32, #tpu.memory_space<hbm>>
        %dma_wait3A_115 = arith.constant 0 : i32
        %dma_wait3A_116 = arith.constant 0 : i32
        %dma_wait3A_117 = arith.constant 0 : i32
        %dma_wait3A_118 = arith.constant 0 : i32
        %dma_wait3A_119 = tpu.memref_slice %arg4[%dma_wait3A_108, %dma_wait3A_115, %dma_wait3A_116, %dma_wait3A_117, %dma_wait3A_118] : memref<50x125x8x8x128xf32, #tpu.memory_space<hbm>> -> memref<1x4x8x8x128xf32, #tpu.memory_space<hbm>>
        %dma_wait3A_120 = tpu.memref_squeeze %dma_wait3A_119 : memref<1x4x8x8x128xf32, #tpu.memory_space<hbm>> -> memref<4x8x8x128xf32, #tpu.memory_space<hbm>>
        tpu.wait_dma2 semaphore(%arg13 : memref<!tpu.dma_semaphore, #tpu.memory_space<semaphore_mem>>) src(%arg9 : memref<4x8x8x128xf32, #tpu.memory_space<vmem>>) dst(%dma_wait3A_120 : memref<4x8x8x128xf32, #tpu.memory_space<hbm>>)
      } else {
      }
      %parallel_loop3A_95 = arith.constant 0 : i32
      %parallel_loop3A_96 = arith.constant 64 : i32
      %parallel_loop3A_97 = arith.constant 1 : i32
      scf.for %parallel_loop3A_108 = %parallel_loop3A_95 to %parallel_loop3A_96 step %parallel_loop3A_97  : i32 {
        %parallel_loop3A_109 = arith.constant 8 : i32
        %parallel_loop3A_110 = arith.divsi %parallel_loop3A_108, %parallel_loop3A_109 : i32
        %parallel_loop3A_111 = arith.constant 0 : i32
        %parallel_loop3A_112 = arith.cmpi sgt, %parallel_loop3A_108, %parallel_loop3A_111 : i32
        %parallel_loop3A_113 = arith.extui %parallel_loop3A_112 : i1 to i32
        %parallel_loop3A_114 = arith.constant 0 : i32
        %parallel_loop3A_115 = arith.cmpi slt, %parallel_loop3A_108, %parallel_loop3A_114 : i32
        %parallel_loop3A_116 = arith.extui %parallel_loop3A_115 : i1 to i32
        %parallel_loop3A_117 = arith.subi %parallel_loop3A_113, %parallel_loop3A_116 : i32
        %parallel_loop3A_118 = arith.constant 0 : i32
        %parallel_loop3A_119 = arith.cmpi sgt, %parallel_loop3A_109, %parallel_loop3A_118 : i32
        %parallel_loop3A_120 = arith.extui %parallel_loop3A_119 : i1 to i32
        %parallel_loop3A_121 = arith.constant 0 : i32
        %parallel_loop3A_122 = arith.cmpi slt, %parallel_loop3A_109, %parallel_loop3A_121 : i32
        %parallel_loop3A_123 = arith.extui %parallel_loop3A_122 : i1 to i32
        %parallel_loop3A_124 = arith.subi %parallel_loop3A_120, %parallel_loop3A_123 : i32
        %parallel_loop3A_125 = arith.cmpi ne, %parallel_loop3A_117, %parallel_loop3A_124 : i32
        %parallel_loop3A_126 = arith.remsi %parallel_loop3A_108, %parallel_loop3A_109 : i32
        %parallel_loop3A_127 = arith.constant 0 : i32
        %parallel_loop3A_128 = arith.cmpi ne, %parallel_loop3A_126, %parallel_loop3A_127 : i32
        %parallel_loop3A_129 = arith.andi %parallel_loop3A_125, %parallel_loop3A_128 : i1
        %parallel_loop3A_130 = arith.constant 1 : i32
        %parallel_loop3A_131 = arith.subi %parallel_loop3A_110, %parallel_loop3A_130 : i32
        %parallel_loop3A_132 = arith.select %parallel_loop3A_129, %parallel_loop3A_131, %parallel_loop3A_110 : i32
        %parallel_loop3A_133 = arith.constant 8 : i32
        %parallel_loop3A_134 = arith.constant 0 : i32
        %parallel_loop3A_135 = arith.cmpi eq, %parallel_loop3A_133, %parallel_loop3A_134 : i32
        %parallel_loop3A_136 = arith.constant 1 : i32
        %parallel_loop3A_137 = arith.select %parallel_loop3A_135, %parallel_loop3A_136, %parallel_loop3A_133 : i32
        %parallel_loop3A_138 = arith.remsi %parallel_loop3A_108, %parallel_loop3A_137 : i32
        %parallel_loop3A_139 = arith.constant 0 : i32
        %parallel_loop3A_140 = arith.cmpi ne, %parallel_loop3A_138, %parallel_loop3A_139 : i32
        %parallel_loop3A_141 = arith.constant 0 : i32
        %parallel_loop3A_142 = arith.cmpi slt, %parallel_loop3A_138, %parallel_loop3A_141 : i32
        %parallel_loop3A_143 = arith.constant 0 : i32
        %parallel_loop3A_144 = arith.cmpi slt, %parallel_loop3A_137, %parallel_loop3A_143 : i32
        %parallel_loop3A_145 = arith.xori %parallel_loop3A_142, %parallel_loop3A_144 : i1
        %parallel_loop3A_146 = arith.andi %parallel_loop3A_145, %parallel_loop3A_140 : i1
        %parallel_loop3A_147 = arith.addi %parallel_loop3A_138, %parallel_loop3A_137 : i32
        %parallel_loop3A_148 = arith.select %parallel_loop3A_146, %parallel_loop3A_147, %parallel_loop3A_138 : i32
        %parallel_loop3A_149 = arith.constant 16 : i32
        %parallel_loop3A_150 = arith.muli %parallel_loop3A_108, %parallel_loop3A_149 : i32
        %parallel_loop3A_151 = arith.index_cast %parallel_loop3A_150 : i32 to index
        %parallel_loop3A_152 = tpu.vector_load %arg7[%parallel_loop3A_151] {strides = array<i32>} : memref<1024xi32, #tpu.memory_space<vmem>>, vector<16xi32>,
        %parallel_loop3A_153 = arith.constant 0 : i32
        %parallel_loop3A_154 = vector.broadcast %parallel_loop3A_153 : i32 to vector<16xi32>
        %parallel_loop3A_155 = tpu.vector_load_idx %arg5[%parallel_loop3A_152, %parallel_loop3A_154] : memref<1000x40xf32, #tpu.memory_space<vmem>>[vector<16xi32>, vector<16xi32>], vector<16xf32>,
        %parallel_loop3A_156 = arith.constant 1 : i32
        %parallel_loop3A_157 = vector.broadcast %parallel_loop3A_156 : i32 to vector<16xi32>
        %parallel_loop3A_158 = tpu.vector_load_idx %arg5[%parallel_loop3A_152, %parallel_loop3A_157] : memref<1000x40xf32, #tpu.memory_space<vmem>>[vector<16xi32>, vector<16xi32>], vector<16xf32>,
        %parallel_loop3A_159 = arith.constant 2 : i32
        %parallel_loop3A_160 = vector.broadcast %parallel_loop3A_159 : i32 to vector<16xi32>
        %parallel_loop3A_161 = tpu.vector_load_idx %arg5[%parallel_loop3A_152, %parallel_loop3A_160] : memref<1000x40xf32, #tpu.memory_space<vmem>>[vector<16xi32>, vector<16xi32>], vector<16xf32>,
        %parallel_loop3A_162 = arith.constant 3 : i32
        %parallel_loop3A_163 = vector.broadcast %parallel_loop3A_162 : i32 to vector<16xi32>
        %parallel_loop3A_164 = tpu.vector_load_idx %arg5[%parallel_loop3A_152, %parallel_loop3A_163] : memref<1000x40xf32, #tpu.memory_space<vmem>>[vector<16xi32>, vector<16xi32>], vector<16xf32>,
        %parallel_loop3A_165 = arith.constant 4 : i32
        %parallel_loop3A_166 = vector.broadcast %parallel_loop3A_165 : i32 to vector<16xi32>
        %parallel_loop3A_167 = tpu.vector_load_idx %arg5[%parallel_loop3A_152, %parallel_loop3A_166] : memref<1000x40xf32, #tpu.memory_space<vmem>>[vector<16xi32>, vector<16xi32>], vector<16xf32>,
        %parallel_loop3A_168 = arith.constant 5 : i32
        %parallel_loop3A_169 = vector.broadcast %parallel_loop3A_168 : i32 to vector<16xi32>
        %parallel_loop3A_170 = tpu.vector_load_idx %arg5[%parallel_loop3A_152, %parallel_loop3A_169] : memref<1000x40xf32, #tpu.memory_space<vmem>>[vector<16xi32>, vector<16xi32>], vector<16xf32>,
        %parallel_loop3A_171 = arith.constant 6 : i32
        %parallel_loop3A_172 = vector.broadcast %parallel_loop3A_171 : i32 to vector<16xi32>
        %parallel_loop3A_173 = tpu.vector_load_idx %arg5[%parallel_loop3A_152, %parallel_loop3A_172] : memref<1000x40xf32, #tpu.memory_space<vmem>>[vector<16xi32>, vector<16xi32>], vector<16xf32>,
        %parallel_loop3A_174 = arith.constant 7 : i32
        %parallel_loop3A_175 = vector.broadcast %parallel_loop3A_174 : i32 to vector<16xi32>
        %parallel_loop3A_176 = tpu.vector_load_idx %arg5[%parallel_loop3A_152, %parallel_loop3A_175] : memref<1000x40xf32, #tpu.memory_space<vmem>>[vector<16xi32>, vector<16xi32>], vector<16xf32>,
        %parallel_loop3A_177 = arith.constant 8 : i32
        %parallel_loop3A_178 = vector.broadcast %parallel_loop3A_177 : i32 to vector<16xi32>
        %parallel_loop3A_179 = tpu.vector_load_idx %arg5[%parallel_loop3A_152, %parallel_loop3A_178] : memref<1000x40xf32, #tpu.memory_space<vmem>>[vector<16xi32>, vector<16xi32>], vector<16xf32>,
        %parallel_loop3A_180 = arith.constant 9 : i32
        %parallel_loop3A_181 = vector.broadcast %parallel_loop3A_180 : i32 to vector<16xi32>
        %parallel_loop3A_182 = tpu.vector_load_idx %arg5[%parallel_loop3A_152, %parallel_loop3A_181] : memref<1000x40xf32, #tpu.memory_space<vmem>>[vector<16xi32>, vector<16xi32>], vector<16xf32>,
        %parallel_loop3A_183 = arith.constant 10 : i32
        %parallel_loop3A_184 = vector.broadcast %parallel_loop3A_183 : i32 to vector<16xi32>
        %parallel_loop3A_185 = tpu.vector_load_idx %arg5[%parallel_loop3A_152, %parallel_loop3A_184] : memref<1000x40xf32, #tpu.memory_space<vmem>>[vector<16xi32>, vector<16xi32>], vector<16xf32>,
        %parallel_loop3A_186 = arith.constant 11 : i32
        %parallel_loop3A_187 = vector.broadcast %parallel_loop3A_186 : i32 to vector<16xi32>
        %parallel_loop3A_188 = tpu.vector_load_idx %arg5[%parallel_loop3A_152, %parallel_loop3A_187] : memref<1000x40xf32, #tpu.memory_space<vmem>>[vector<16xi32>, vector<16xi32>], vector<16xf32>,
        %parallel_loop3A_189 = arith.constant 12 : i32
        %parallel_loop3A_190 = vector.broadcast %parallel_loop3A_189 : i32 to vector<16xi32>
        %parallel_loop3A_191 = tpu.vector_load_idx %arg5[%parallel_loop3A_152, %parallel_loop3A_190] : memref<1000x40xf32, #tpu.memory_space<vmem>>[vector<16xi32>, vector<16xi32>], vector<16xf32>,
        %parallel_loop3A_192 = arith.constant 13 : i32
        %parallel_loop3A_193 = vector.broadcast %parallel_loop3A_192 : i32 to vector<16xi32>
        %parallel_loop3A_194 = tpu.vector_load_idx %arg5[%parallel_loop3A_152, %parallel_loop3A_193] : memref<1000x40xf32, #tpu.memory_space<vmem>>[vector<16xi32>, vector<16xi32>], vector<16xf32>,
        %parallel_loop3A_195 = arith.constant 14 : i32
        %parallel_loop3A_196 = vector.broadcast %parallel_loop3A_195 : i32 to vector<16xi32>
        %parallel_loop3A_197 = tpu.vector_load_idx %arg5[%parallel_loop3A_152, %parallel_loop3A_196] : memref<1000x40xf32, #tpu.memory_space<vmem>>[vector<16xi32>, vector<16xi32>], vector<16xf32>,
        %parallel_loop3A_198 = arith.constant 15 : i32
        %parallel_loop3A_199 = vector.broadcast %parallel_loop3A_198 : i32 to vector<16xi32>
        %parallel_loop3A_200 = tpu.vector_load_idx %arg5[%parallel_loop3A_152, %parallel_loop3A_199] : memref<1000x40xf32, #tpu.memory_space<vmem>>[vector<16xi32>, vector<16xi32>], vector<16xf32>,
        %parallel_loop3A_201 = arith.constant 16 : i32
        %parallel_loop3A_202 = vector.broadcast %parallel_loop3A_201 : i32 to vector<16xi32>
        %parallel_loop3A_203 = tpu.vector_load_idx %arg5[%parallel_loop3A_152, %parallel_loop3A_202] : memref<1000x40xf32, #tpu.memory_space<vmem>>[vector<16xi32>, vector<16xi32>], vector<16xf32>,
        %parallel_loop3A_204 = arith.constant 17 : i32
        %parallel_loop3A_205 = vector.broadcast %parallel_loop3A_204 : i32 to vector<16xi32>
        %parallel_loop3A_206 = tpu.vector_load_idx %arg5[%parallel_loop3A_152, %parallel_loop3A_205] : memref<1000x40xf32, #tpu.memory_space<vmem>>[vector<16xi32>, vector<16xi32>], vector<16xf32>,
        %parallel_loop3A_207 = arith.constant 18 : i32
        %parallel_loop3A_208 = vector.broadcast %parallel_loop3A_207 : i32 to vector<16xi32>
        %parallel_loop3A_209 = tpu.vector_load_idx %arg5[%parallel_loop3A_152, %parallel_loop3A_208] : memref<1000x40xf32, #tpu.memory_space<vmem>>[vector<16xi32>, vector<16xi32>], vector<16xf32>,
        %parallel_loop3A_210 = arith.constant 19 : i32
        %parallel_loop3A_211 = vector.broadcast %parallel_loop3A_210 : i32 to vector<16xi32>
        %parallel_loop3A_212 = tpu.vector_load_idx %arg5[%parallel_loop3A_152, %parallel_loop3A_211] : memref<1000x40xf32, #tpu.memory_space<vmem>>[vector<16xi32>, vector<16xi32>], vector<16xf32>,
        %parallel_loop3A_213 = arith.constant 20 : i32
        %parallel_loop3A_214 = vector.broadcast %parallel_loop3A_213 : i32 to vector<16xi32>
        %parallel_loop3A_215 = tpu.vector_load_idx %arg5[%parallel_loop3A_152, %parallel_loop3A_214] : memref<1000x40xf32, #tpu.memory_space<vmem>>[vector<16xi32>, vector<16xi32>], vector<16xf32>,
        %parallel_loop3A_216 = arith.constant 21 : i32
        %parallel_loop3A_217 = vector.broadcast %parallel_loop3A_216 : i32 to vector<16xi32>
        %parallel_loop3A_218 = tpu.vector_load_idx %arg5[%parallel_loop3A_152, %parallel_loop3A_217] : memref<1000x40xf32, #tpu.memory_space<vmem>>[vector<16xi32>, vector<16xi32>], vector<16xf32>,
        %parallel_loop3A_219 = arith.constant 22 : i32
        %parallel_loop3A_220 = vector.broadcast %parallel_loop3A_219 : i32 to vector<16xi32>
        %parallel_loop3A_221 = tpu.vector_load_idx %arg5[%parallel_loop3A_152, %parallel_loop3A_220] : memref<1000x40xf32, #tpu.memory_space<vmem>>[vector<16xi32>, vector<16xi32>], vector<16xf32>,
        %parallel_loop3A_222 = arith.constant 23 : i32
        %parallel_loop3A_223 = vector.broadcast %parallel_loop3A_222 : i32 to vector<16xi32>
        %parallel_loop3A_224 = tpu.vector_load_idx %arg5[%parallel_loop3A_152, %parallel_loop3A_223] : memref<1000x40xf32, #tpu.memory_space<vmem>>[vector<16xi32>, vector<16xi32>], vector<16xf32>,
        %parallel_loop3A_225 = arith.constant 24 : i32
        %parallel_loop3A_226 = vector.broadcast %parallel_loop3A_225 : i32 to vector<16xi32>
        %parallel_loop3A_227 = tpu.vector_load_idx %arg5[%parallel_loop3A_152, %parallel_loop3A_226] : memref<1000x40xf32, #tpu.memory_space<vmem>>[vector<16xi32>, vector<16xi32>], vector<16xf32>,
        %parallel_loop3A_228 = arith.constant 25 : i32
        %parallel_loop3A_229 = vector.broadcast %parallel_loop3A_228 : i32 to vector<16xi32>
        %parallel_loop3A_230 = tpu.vector_load_idx %arg5[%parallel_loop3A_152, %parallel_loop3A_229] : memref<1000x40xf32, #tpu.memory_space<vmem>>[vector<16xi32>, vector<16xi32>], vector<16xf32>,
        %parallel_loop3A_231 = arith.constant 26 : i32
        %parallel_loop3A_232 = vector.broadcast %parallel_loop3A_231 : i32 to vector<16xi32>
        %parallel_loop3A_233 = tpu.vector_load_idx %arg5[%parallel_loop3A_152, %parallel_loop3A_232] : memref<1000x40xf32, #tpu.memory_space<vmem>>[vector<16xi32>, vector<16xi32>], vector<16xf32>,
        %parallel_loop3A_234 = arith.constant 27 : i32
        %parallel_loop3A_235 = vector.broadcast %parallel_loop3A_234 : i32 to vector<16xi32>
        %parallel_loop3A_236 = tpu.vector_load_idx %arg5[%parallel_loop3A_152, %parallel_loop3A_235] : memref<1000x40xf32, #tpu.memory_space<vmem>>[vector<16xi32>, vector<16xi32>], vector<16xf32>,
        %parallel_loop3A_237 = arith.constant 28 : i32
        %parallel_loop3A_238 = vector.broadcast %parallel_loop3A_237 : i32 to vector<16xi32>
        %parallel_loop3A_239 = tpu.vector_load_idx %arg5[%parallel_loop3A_152, %parallel_loop3A_238] : memref<1000x40xf32, #tpu.memory_space<vmem>>[vector<16xi32>, vector<16xi32>], vector<16xf32>,
        %parallel_loop3A_240 = arith.constant 29 : i32
        %parallel_loop3A_241 = vector.broadcast %parallel_loop3A_240 : i32 to vector<16xi32>
        %parallel_loop3A_242 = tpu.vector_load_idx %arg5[%parallel_loop3A_152, %parallel_loop3A_241] : memref<1000x40xf32, #tpu.memory_space<vmem>>[vector<16xi32>, vector<16xi32>], vector<16xf32>,
        %parallel_loop3A_243 = arith.constant 30 : i32
        %parallel_loop3A_244 = vector.broadcast %parallel_loop3A_243 : i32 to vector<16xi32>
        %parallel_loop3A_245 = tpu.vector_load_idx %arg5[%parallel_loop3A_152, %parallel_loop3A_244] : memref<1000x40xf32, #tpu.memory_space<vmem>>[vector<16xi32>, vector<16xi32>], vector<16xf32>,
        %parallel_loop3A_246 = arith.constant 31 : i32
        %parallel_loop3A_247 = vector.broadcast %parallel_loop3A_246 : i32 to vector<16xi32>
        %parallel_loop3A_248 = tpu.vector_load_idx %arg5[%parallel_loop3A_152, %parallel_loop3A_247] : memref<1000x40xf32, #tpu.memory_space<vmem>>[vector<16xi32>, vector<16xi32>], vector<16xf32>,
        %parallel_loop3A_249 = arith.constant 16 : i32
        %parallel_loop3A_250 = arith.muli %parallel_loop3A_148, %parallel_loop3A_249 : i32
        %parallel_loop3A_251 = arith.constant 0 : i32
        %parallel_loop3A_252 = arith.constant 0 : i32
        %parallel_loop3A_253 = arith.index_cast %parallel_loop3A_251 : i32 to index
        %parallel_loop3A_254 = arith.index_cast %parallel_loop3A_132 : i32 to index
        %parallel_loop3A_255 = arith.index_cast %parallel_loop3A_252 : i32 to index
        %parallel_loop3A_256 = arith.index_cast %parallel_loop3A_250 : i32 to index
        %parallel_loop3A_257 = tpu.vector_load %arg9[%parallel_loop3A_253, %parallel_loop3A_254, %parallel_loop3A_255, %parallel_loop3A_256] {strides = array<i32>} : memref<4x8x8x128xf32, #tpu.memory_space<vmem>>, vector<16xf32>,
        tpu.vector_store %arg9[%parallel_loop3A_253, %parallel_loop3A_254, %parallel_loop3A_255, %parallel_loop3A_256], %parallel_loop3A_155 {strides = array<i32>} : memref<4x8x8x128xf32, #tpu.memory_space<vmem>>, vector<16xf32>,
        %parallel_loop3A_258 = arith.constant 16 : i32
        %parallel_loop3A_259 = arith.muli %parallel_loop3A_148, %parallel_loop3A_258 : i32
        %parallel_loop3A_260 = arith.constant 0 : i32
        %parallel_loop3A_261 = arith.constant 1 : i32
        %parallel_loop3A_262 = arith.index_cast %parallel_loop3A_260 : i32 to index
        %parallel_loop3A_263 = arith.index_cast %parallel_loop3A_132 : i32 to index
        %parallel_loop3A_264 = arith.index_cast %parallel_loop3A_261 : i32 to index
        %parallel_loop3A_265 = arith.index_cast %parallel_loop3A_259 : i32 to index
        %parallel_loop3A_266 = tpu.vector_load %arg9[%parallel_loop3A_262, %parallel_loop3A_263, %parallel_loop3A_264, %parallel_loop3A_265] {strides = array<i32>} : memref<4x8x8x128xf32, #tpu.memory_space<vmem>>, vector<16xf32>,
        tpu.vector_store %arg9[%parallel_loop3A_262, %parallel_loop3A_263, %parallel_loop3A_264, %parallel_loop3A_265], %parallel_loop3A_158 {strides = array<i32>} : memref<4x8x8x128xf32, #tpu.memory_space<vmem>>, vector<16xf32>,
        %parallel_loop3A_267 = arith.constant 16 : i32
        %parallel_loop3A_268 = arith.muli %parallel_loop3A_148, %parallel_loop3A_267 : i32
        %parallel_loop3A_269 = arith.constant 0 : i32
        %parallel_loop3A_270 = arith.constant 2 : i32
        %parallel_loop3A_271 = arith.index_cast %parallel_loop3A_269 : i32 to index
        %parallel_loop3A_272 = arith.index_cast %parallel_loop3A_132 : i32 to index
        %parallel_loop3A_273 = arith.index_cast %parallel_loop3A_270 : i32 to index
        %parallel_loop3A_274 = arith.index_cast %parallel_loop3A_268 : i32 to index
        %parallel_loop3A_275 = tpu.vector_load %arg9[%parallel_loop3A_271, %parallel_loop3A_272, %parallel_loop3A_273, %parallel_loop3A_274] {strides = array<i32>} : memref<4x8x8x128xf32, #tpu.memory_space<vmem>>, vector<16xf32>,
        tpu.vector_store %arg9[%parallel_loop3A_271, %parallel_loop3A_272, %parallel_loop3A_273, %parallel_loop3A_274], %parallel_loop3A_161 {strides = array<i32>} : memref<4x8x8x128xf32, #tpu.memory_space<vmem>>, vector<16xf32>,
        %parallel_loop3A_276 = arith.constant 16 : i32
        %parallel_loop3A_277 = arith.muli %parallel_loop3A_148, %parallel_loop3A_276 : i32
        %parallel_loop3A_278 = arith.constant 0 : i32
        %parallel_loop3A_279 = arith.constant 3 : i32
        %parallel_loop3A_280 = arith.index_cast %parallel_loop3A_278 : i32 to index
        %parallel_loop3A_281 = arith.index_cast %parallel_loop3A_132 : i32 to index
        %parallel_loop3A_282 = arith.index_cast %parallel_loop3A_279 : i32 to index
        %parallel_loop3A_283 = arith.index_cast %parallel_loop3A_277 : i32 to index
        %parallel_loop3A_284 = tpu.vector_load %arg9[%parallel_loop3A_280, %parallel_loop3A_281, %parallel_loop3A_282, %parallel_loop3A_283] {strides = array<i32>} : memref<4x8x8x128xf32, #tpu.memory_space<vmem>>, vector<16xf32>,
        tpu.vector_store %arg9[%parallel_loop3A_280, %parallel_loop3A_281, %parallel_loop3A_282, %parallel_loop3A_283], %parallel_loop3A_164 {strides = array<i32>} : memref<4x8x8x128xf32, #tpu.memory_space<vmem>>, vector<16xf32>,
        %parallel_loop3A_285 = arith.constant 16 : i32
        %parallel_loop3A_286 = arith.muli %parallel_loop3A_148, %parallel_loop3A_285 : i32
        %parallel_loop3A_287 = arith.constant 0 : i32
        %parallel_loop3A_288 = arith.constant 4 : i32
        %parallel_loop3A_289 = arith.index_cast %parallel_loop3A_287 : i32 to index
        %parallel_loop3A_290 = arith.index_cast %parallel_loop3A_132 : i32 to index
        %parallel_loop3A_291 = arith.index_cast %parallel_loop3A_288 : i32 to index
        %parallel_loop3A_292 = arith.index_cast %parallel_loop3A_286 : i32 to index
        %parallel_loop3A_293 = tpu.vector_load %arg9[%parallel_loop3A_289, %parallel_loop3A_290, %parallel_loop3A_291, %parallel_loop3A_292] {strides = array<i32>} : memref<4x8x8x128xf32, #tpu.memory_space<vmem>>, vector<16xf32>,
        tpu.vector_store %arg9[%parallel_loop3A_289, %parallel_loop3A_290, %parallel_loop3A_291, %parallel_loop3A_292], %parallel_loop3A_167 {strides = array<i32>} : memref<4x8x8x128xf32, #tpu.memory_space<vmem>>, vector<16xf32>,
        %parallel_loop3A_294 = arith.constant 16 : i32
        %parallel_loop3A_295 = arith.muli %parallel_loop3A_148, %parallel_loop3A_294 : i32
        %parallel_loop3A_296 = arith.constant 0 : i32
        %parallel_loop3A_297 = arith.constant 5 : i32
        %parallel_loop3A_298 = arith.index_cast %parallel_loop3A_296 : i32 to index
        %parallel_loop3A_299 = arith.index_cast %parallel_loop3A_132 : i32 to index
        %parallel_loop3A_300 = arith.index_cast %parallel_loop3A_297 : i32 to index
        %parallel_loop3A_301 = arith.index_cast %parallel_loop3A_295 : i32 to index
        %parallel_loop3A_302 = tpu.vector_load %arg9[%parallel_loop3A_298, %parallel_loop3A_299, %parallel_loop3A_300, %parallel_loop3A_301] {strides = array<i32>} : memref<4x8x8x128xf32, #tpu.memory_space<vmem>>, vector<16xf32>,
        tpu.vector_store %arg9[%parallel_loop3A_298, %parallel_loop3A_299, %parallel_loop3A_300, %parallel_loop3A_301], %parallel_loop3A_170 {strides = array<i32>} : memref<4x8x8x128xf32, #tpu.memory_space<vmem>>, vector<16xf32>,
        %parallel_loop3A_303 = arith.constant 16 : i32
        %parallel_loop3A_304 = arith.muli %parallel_loop3A_148, %parallel_loop3A_303 : i32
        %parallel_loop3A_305 = arith.constant 0 : i32
        %parallel_loop3A_306 = arith.constant 6 : i32
        %parallel_loop3A_307 = arith.index_cast %parallel_loop3A_305 : i32 to index
        %parallel_loop3A_308 = arith.index_cast %parallel_loop3A_132 : i32 to index
        %parallel_loop3A_309 = arith.index_cast %parallel_loop3A_306 : i32 to index
        %parallel_loop3A_310 = arith.index_cast %parallel_loop3A_304 : i32 to index
        %parallel_loop3A_311 = tpu.vector_load %arg9[%parallel_loop3A_307, %parallel_loop3A_308, %parallel_loop3A_309, %parallel_loop3A_310] {strides = array<i32>} : memref<4x8x8x128xf32, #tpu.memory_space<vmem>>, vector<16xf32>,
        tpu.vector_store %arg9[%parallel_loop3A_307, %parallel_loop3A_308, %parallel_loop3A_309, %parallel_loop3A_310], %parallel_loop3A_173 {strides = array<i32>} : memref<4x8x8x128xf32, #tpu.memory_space<vmem>>, vector<16xf32>,
        %parallel_loop3A_312 = arith.constant 16 : i32
        %parallel_loop3A_313 = arith.muli %parallel_loop3A_148, %parallel_loop3A_312 : i32
        %parallel_loop3A_314 = arith.constant 0 : i32
        %parallel_loop3A_315 = arith.constant 7 : i32
        %parallel_loop3A_316 = arith.index_cast %parallel_loop3A_314 : i32 to index
        %parallel_loop3A_317 = arith.index_cast %parallel_loop3A_132 : i32 to index
        %parallel_loop3A_318 = arith.index_cast %parallel_loop3A_315 : i32 to index
        %parallel_loop3A_319 = arith.index_cast %parallel_loop3A_313 : i32 to index
        %parallel_loop3A_320 = tpu.vector_load %arg9[%parallel_loop3A_316, %parallel_loop3A_317, %parallel_loop3A_318, %parallel_loop3A_319] {strides = array<i32>} : memref<4x8x8x128xf32, #tpu.memory_space<vmem>>, vector<16xf32>,
        tpu.vector_store %arg9[%parallel_loop3A_316, %parallel_loop3A_317, %parallel_loop3A_318, %parallel_loop3A_319], %parallel_loop3A_176 {strides = array<i32>} : memref<4x8x8x128xf32, #tpu.memory_space<vmem>>, vector<16xf32>,
        %parallel_loop3A_321 = arith.constant 16 : i32
        %parallel_loop3A_322 = arith.muli %parallel_loop3A_148, %parallel_loop3A_321 : i32
        %parallel_loop3A_323 = arith.constant 1 : i32
        %parallel_loop3A_324 = arith.constant 0 : i32
        %parallel_loop3A_325 = arith.index_cast %parallel_loop3A_323 : i32 to index
        %parallel_loop3A_326 = arith.index_cast %parallel_loop3A_132 : i32 to index
        %parallel_loop3A_327 = arith.index_cast %parallel_loop3A_324 : i32 to index
        %parallel_loop3A_328 = arith.index_cast %parallel_loop3A_322 : i32 to index
        %parallel_loop3A_329 = tpu.vector_load %arg9[%parallel_loop3A_325, %parallel_loop3A_326, %parallel_loop3A_327, %parallel_loop3A_328] {strides = array<i32>} : memref<4x8x8x128xf32, #tpu.memory_space<vmem>>, vector<16xf32>,
        tpu.vector_store %arg9[%parallel_loop3A_325, %parallel_loop3A_326, %parallel_loop3A_327, %parallel_loop3A_328], %parallel_loop3A_179 {strides = array<i32>} : memref<4x8x8x128xf32, #tpu.memory_space<vmem>>, vector<16xf32>,
        %parallel_loop3A_330 = arith.constant 16 : i32
        %parallel_loop3A_331 = arith.muli %parallel_loop3A_148, %parallel_loop3A_330 : i32
        %parallel_loop3A_332 = arith.constant 1 : i32
        %parallel_loop3A_333 = arith.constant 1 : i32
        %parallel_loop3A_334 = arith.index_cast %parallel_loop3A_332 : i32 to index
        %parallel_loop3A_335 = arith.index_cast %parallel_loop3A_132 : i32 to index
        %parallel_loop3A_336 = arith.index_cast %parallel_loop3A_333 : i32 to index
        %parallel_loop3A_337 = arith.index_cast %parallel_loop3A_331 : i32 to index
        %parallel_loop3A_338 = tpu.vector_load %arg9[%parallel_loop3A_334, %parallel_loop3A_335, %parallel_loop3A_336, %parallel_loop3A_337] {strides = array<i32>} : memref<4x8x8x128xf32, #tpu.memory_space<vmem>>, vector<16xf32>,
        tpu.vector_store %arg9[%parallel_loop3A_334, %parallel_loop3A_335, %parallel_loop3A_336, %parallel_loop3A_337], %parallel_loop3A_182 {strides = array<i32>} : memref<4x8x8x128xf32, #tpu.memory_space<vmem>>, vector<16xf32>,
        %parallel_loop3A_339 = arith.constant 16 : i32
        %parallel_loop3A_340 = arith.muli %parallel_loop3A_148, %parallel_loop3A_339 : i32
        %parallel_loop3A_341 = arith.constant 1 : i32
        %parallel_loop3A_342 = arith.constant 2 : i32
        %parallel_loop3A_343 = arith.index_cast %parallel_loop3A_341 : i32 to index
        %parallel_loop3A_344 = arith.index_cast %parallel_loop3A_132 : i32 to index
        %parallel_loop3A_345 = arith.index_cast %parallel_loop3A_342 : i32 to index
        %parallel_loop3A_346 = arith.index_cast %parallel_loop3A_340 : i32 to index
        %parallel_loop3A_347 = tpu.vector_load %arg9[%parallel_loop3A_343, %parallel_loop3A_344, %parallel_loop3A_345, %parallel_loop3A_346] {strides = array<i32>} : memref<4x8x8x128xf32, #tpu.memory_space<vmem>>, vector<16xf32>,
        tpu.vector_store %arg9[%parallel_loop3A_343, %parallel_loop3A_344, %parallel_loop3A_345, %parallel_loop3A_346], %parallel_loop3A_185 {strides = array<i32>} : memref<4x8x8x128xf32, #tpu.memory_space<vmem>>, vector<16xf32>,
        %parallel_loop3A_348 = arith.constant 16 : i32
        %parallel_loop3A_349 = arith.muli %parallel_loop3A_148, %parallel_loop3A_348 : i32
        %parallel_loop3A_350 = arith.constant 1 : i32
        %parallel_loop3A_351 = arith.constant 3 : i32
        %parallel_loop3A_352 = arith.index_cast %parallel_loop3A_350 : i32 to index
        %parallel_loop3A_353 = arith.index_cast %parallel_loop3A_132 : i32 to index
        %parallel_loop3A_354 = arith.index_cast %parallel_loop3A_351 : i32 to index
        %parallel_loop3A_355 = arith.index_cast %parallel_loop3A_349 : i32 to index
        %parallel_loop3A_356 = tpu.vector_load %arg9[%parallel_loop3A_352, %parallel_loop3A_353, %parallel_loop3A_354, %parallel_loop3A_355] {strides = array<i32>} : memref<4x8x8x128xf32, #tpu.memory_space<vmem>>, vector<16xf32>,
        tpu.vector_store %arg9[%parallel_loop3A_352, %parallel_loop3A_353, %parallel_loop3A_354, %parallel_loop3A_355], %parallel_loop3A_188 {strides = array<i32>} : memref<4x8x8x128xf32, #tpu.memory_space<vmem>>, vector<16xf32>,
        %parallel_loop3A_357 = arith.constant 16 : i32
        %parallel_loop3A_358 = arith.muli %parallel_loop3A_148, %parallel_loop3A_357 : i32
        %parallel_loop3A_359 = arith.constant 1 : i32
        %parallel_loop3A_360 = arith.constant 4 : i32
        %parallel_loop3A_361 = arith.index_cast %parallel_loop3A_359 : i32 to index
        %parallel_loop3A_362 = arith.index_cast %parallel_loop3A_132 : i32 to index
        %parallel_loop3A_363 = arith.index_cast %parallel_loop3A_360 : i32 to index
        %parallel_loop3A_364 = arith.index_cast %parallel_loop3A_358 : i32 to index
        %parallel_loop3A_365 = tpu.vector_load %arg9[%parallel_loop3A_361, %parallel_loop3A_362, %parallel_loop3A_363, %parallel_loop3A_364] {strides = array<i32>} : memref<4x8x8x128xf32, #tpu.memory_space<vmem>>, vector<16xf32>,
        tpu.vector_store %arg9[%parallel_loop3A_361, %parallel_loop3A_362, %parallel_loop3A_363, %parallel_loop3A_364], %parallel_loop3A_191 {strides = array<i32>} : memref<4x8x8x128xf32, #tpu.memory_space<vmem>>, vector<16xf32>,
        %parallel_loop3A_366 = arith.constant 16 : i32
        %parallel_loop3A_367 = arith.muli %parallel_loop3A_148, %parallel_loop3A_366 : i32
        %parallel_loop3A_368 = arith.constant 1 : i32
        %parallel_loop3A_369 = arith.constant 5 : i32
        %parallel_loop3A_370 = arith.index_cast %parallel_loop3A_368 : i32 to index
        %parallel_loop3A_371 = arith.index_cast %parallel_loop3A_132 : i32 to index
        %parallel_loop3A_372 = arith.index_cast %parallel_loop3A_369 : i32 to index
        %parallel_loop3A_373 = arith.index_cast %parallel_loop3A_367 : i32 to index
        %parallel_loop3A_374 = tpu.vector_load %arg9[%parallel_loop3A_370, %parallel_loop3A_371, %parallel_loop3A_372, %parallel_loop3A_373] {strides = array<i32>} : memref<4x8x8x128xf32, #tpu.memory_space<vmem>>, vector<16xf32>,
        tpu.vector_store %arg9[%parallel_loop3A_370, %parallel_loop3A_371, %parallel_loop3A_372, %parallel_loop3A_373], %parallel_loop3A_194 {strides = array<i32>} : memref<4x8x8x128xf32, #tpu.memory_space<vmem>>, vector<16xf32>,
        %parallel_loop3A_375 = arith.constant 16 : i32
        %parallel_loop3A_376 = arith.muli %parallel_loop3A_148, %parallel_loop3A_375 : i32
        %parallel_loop3A_377 = arith.constant 1 : i32
        %parallel_loop3A_378 = arith.constant 6 : i32
        %parallel_loop3A_379 = arith.index_cast %parallel_loop3A_377 : i32 to index
        %parallel_loop3A_380 = arith.index_cast %parallel_loop3A_132 : i32 to index
        %parallel_loop3A_381 = arith.index_cast %parallel_loop3A_378 : i32 to index
        %parallel_loop3A_382 = arith.index_cast %parallel_loop3A_376 : i32 to index
        %parallel_loop3A_383 = tpu.vector_load %arg9[%parallel_loop3A_379, %parallel_loop3A_380, %parallel_loop3A_381, %parallel_loop3A_382] {strides = array<i32>} : memref<4x8x8x128xf32, #tpu.memory_space<vmem>>, vector<16xf32>,
        tpu.vector_store %arg9[%parallel_loop3A_379, %parallel_loop3A_380, %parallel_loop3A_381, %parallel_loop3A_382], %parallel_loop3A_197 {strides = array<i32>} : memref<4x8x8x128xf32, #tpu.memory_space<vmem>>, vector<16xf32>,
        %parallel_loop3A_384 = arith.constant 16 : i32
        %parallel_loop3A_385 = arith.muli %parallel_loop3A_148, %parallel_loop3A_384 : i32
        %parallel_loop3A_386 = arith.constant 1 : i32
        %parallel_loop3A_387 = arith.constant 7 : i32
        %parallel_loop3A_388 = arith.index_cast %parallel_loop3A_386 : i32 to index
        %parallel_loop3A_389 = arith.index_cast %parallel_loop3A_132 : i32 to index
        %parallel_loop3A_390 = arith.index_cast %parallel_loop3A_387 : i32 to index
        %parallel_loop3A_391 = arith.index_cast %parallel_loop3A_385 : i32 to index
        %parallel_loop3A_392 = tpu.vector_load %arg9[%parallel_loop3A_388, %parallel_loop3A_389, %parallel_loop3A_390, %parallel_loop3A_391] {strides = array<i32>} : memref<4x8x8x128xf32, #tpu.memory_space<vmem>>, vector<16xf32>,
        tpu.vector_store %arg9[%parallel_loop3A_388, %parallel_loop3A_389, %parallel_loop3A_390, %parallel_loop3A_391], %parallel_loop3A_200 {strides = array<i32>} : memref<4x8x8x128xf32, #tpu.memory_space<vmem>>, vector<16xf32>,
        %parallel_loop3A_393 = arith.constant 16 : i32
        %parallel_loop3A_394 = arith.muli %parallel_loop3A_148, %parallel_loop3A_393 : i32
        %parallel_loop3A_395 = arith.constant 2 : i32
        %parallel_loop3A_396 = arith.constant 0 : i32
        %parallel_loop3A_397 = arith.index_cast %parallel_loop3A_395 : i32 to index
        %parallel_loop3A_398 = arith.index_cast %parallel_loop3A_132 : i32 to index
        %parallel_loop3A_399 = arith.index_cast %parallel_loop3A_396 : i32 to index
        %parallel_loop3A_400 = arith.index_cast %parallel_loop3A_394 : i32 to index
        %parallel_loop3A_401 = tpu.vector_load %arg9[%parallel_loop3A_397, %parallel_loop3A_398, %parallel_loop3A_399, %parallel_loop3A_400] {strides = array<i32>} : memref<4x8x8x128xf32, #tpu.memory_space<vmem>>, vector<16xf32>,
        tpu.vector_store %arg9[%parallel_loop3A_397, %parallel_loop3A_398, %parallel_loop3A_399, %parallel_loop3A_400], %parallel_loop3A_203 {strides = array<i32>} : memref<4x8x8x128xf32, #tpu.memory_space<vmem>>, vector<16xf32>,
        %parallel_loop3A_402 = arith.constant 16 : i32
        %parallel_loop3A_403 = arith.muli %parallel_loop3A_148, %parallel_loop3A_402 : i32
        %parallel_loop3A_404 = arith.constant 2 : i32
        %parallel_loop3A_405 = arith.constant 1 : i32
        %parallel_loop3A_406 = arith.index_cast %parallel_loop3A_404 : i32 to index
        %parallel_loop3A_407 = arith.index_cast %parallel_loop3A_132 : i32 to index
        %parallel_loop3A_408 = arith.index_cast %parallel_loop3A_405 : i32 to index
        %parallel_loop3A_409 = arith.index_cast %parallel_loop3A_403 : i32 to index
        %parallel_loop3A_410 = tpu.vector_load %arg9[%parallel_loop3A_406, %parallel_loop3A_407, %parallel_loop3A_408, %parallel_loop3A_409] {strides = array<i32>} : memref<4x8x8x128xf32, #tpu.memory_space<vmem>>, vector<16xf32>,
        tpu.vector_store %arg9[%parallel_loop3A_406, %parallel_loop3A_407, %parallel_loop3A_408, %parallel_loop3A_409], %parallel_loop3A_206 {strides = array<i32>} : memref<4x8x8x128xf32, #tpu.memory_space<vmem>>, vector<16xf32>,
        %parallel_loop3A_411 = arith.constant 16 : i32
        %parallel_loop3A_412 = arith.muli %parallel_loop3A_148, %parallel_loop3A_411 : i32
        %parallel_loop3A_413 = arith.constant 2 : i32
        %parallel_loop3A_414 = arith.constant 2 : i32
        %parallel_loop3A_415 = arith.index_cast %parallel_loop3A_413 : i32 to index
        %parallel_loop3A_416 = arith.index_cast %parallel_loop3A_132 : i32 to index
        %parallel_loop3A_417 = arith.index_cast %parallel_loop3A_414 : i32 to index
        %parallel_loop3A_418 = arith.index_cast %parallel_loop3A_412 : i32 to index
        %parallel_loop3A_419 = tpu.vector_load %arg9[%parallel_loop3A_415, %parallel_loop3A_416, %parallel_loop3A_417, %parallel_loop3A_418] {strides = array<i32>} : memref<4x8x8x128xf32, #tpu.memory_space<vmem>>, vector<16xf32>,
        tpu.vector_store %arg9[%parallel_loop3A_415, %parallel_loop3A_416, %parallel_loop3A_417, %parallel_loop3A_418], %parallel_loop3A_209 {strides = array<i32>} : memref<4x8x8x128xf32, #tpu.memory_space<vmem>>, vector<16xf32>,
        %parallel_loop3A_420 = arith.constant 16 : i32
        %parallel_loop3A_421 = arith.muli %parallel_loop3A_148, %parallel_loop3A_420 : i32
        %parallel_loop3A_422 = arith.constant 2 : i32
        %parallel_loop3A_423 = arith.constant 3 : i32
        %parallel_loop3A_424 = arith.index_cast %parallel_loop3A_422 : i32 to index
        %parallel_loop3A_425 = arith.index_cast %parallel_loop3A_132 : i32 to index
        %parallel_loop3A_426 = arith.index_cast %parallel_loop3A_423 : i32 to index
        %parallel_loop3A_427 = arith.index_cast %parallel_loop3A_421 : i32 to index
        %parallel_loop3A_428 = tpu.vector_load %arg9[%parallel_loop3A_424, %parallel_loop3A_425, %parallel_loop3A_426, %parallel_loop3A_427] {strides = array<i32>} : memref<4x8x8x128xf32, #tpu.memory_space<vmem>>, vector<16xf32>,
        tpu.vector_store %arg9[%parallel_loop3A_424, %parallel_loop3A_425, %parallel_loop3A_426, %parallel_loop3A_427], %parallel_loop3A_212 {strides = array<i32>} : memref<4x8x8x128xf32, #tpu.memory_space<vmem>>, vector<16xf32>,
        %parallel_loop3A_429 = arith.constant 16 : i32
        %parallel_loop3A_430 = arith.muli %parallel_loop3A_148, %parallel_loop3A_429 : i32
        %parallel_loop3A_431 = arith.constant 2 : i32
        %parallel_loop3A_432 = arith.constant 4 : i32
        %parallel_loop3A_433 = arith.index_cast %parallel_loop3A_431 : i32 to index
        %parallel_loop3A_434 = arith.index_cast %parallel_loop3A_132 : i32 to index
        %parallel_loop3A_435 = arith.index_cast %parallel_loop3A_432 : i32 to index
        %parallel_loop3A_436 = arith.index_cast %parallel_loop3A_430 : i32 to index
        %parallel_loop3A_437 = tpu.vector_load %arg9[%parallel_loop3A_433, %parallel_loop3A_434, %parallel_loop3A_435, %parallel_loop3A_436] {strides = array<i32>} : memref<4x8x8x128xf32, #tpu.memory_space<vmem>>, vector<16xf32>,
        tpu.vector_store %arg9[%parallel_loop3A_433, %parallel_loop3A_434, %parallel_loop3A_435, %parallel_loop3A_436], %parallel_loop3A_215 {strides = array<i32>} : memref<4x8x8x128xf32, #tpu.memory_space<vmem>>, vector<16xf32>,
        %parallel_loop3A_438 = arith.constant 16 : i32
        %parallel_loop3A_439 = arith.muli %parallel_loop3A_148, %parallel_loop3A_438 : i32
        %parallel_loop3A_440 = arith.constant 2 : i32
        %parallel_loop3A_441 = arith.constant 5 : i32
        %parallel_loop3A_442 = arith.index_cast %parallel_loop3A_440 : i32 to index
        %parallel_loop3A_443 = arith.index_cast %parallel_loop3A_132 : i32 to index
        %parallel_loop3A_444 = arith.index_cast %parallel_loop3A_441 : i32 to index
        %parallel_loop3A_445 = arith.index_cast %parallel_loop3A_439 : i32 to index
        %parallel_loop3A_446 = tpu.vector_load %arg9[%parallel_loop3A_442, %parallel_loop3A_443, %parallel_loop3A_444, %parallel_loop3A_445] {strides = array<i32>} : memref<4x8x8x128xf32, #tpu.memory_space<vmem>>, vector<16xf32>,
        tpu.vector_store %arg9[%parallel_loop3A_442, %parallel_loop3A_443, %parallel_loop3A_444, %parallel_loop3A_445], %parallel_loop3A_218 {strides = array<i32>} : memref<4x8x8x128xf32, #tpu.memory_space<vmem>>, vector<16xf32>,
        %parallel_loop3A_447 = arith.constant 16 : i32
        %parallel_loop3A_448 = arith.muli %parallel_loop3A_148, %parallel_loop3A_447 : i32
        %parallel_loop3A_449 = arith.constant 2 : i32
        %parallel_loop3A_450 = arith.constant 6 : i32
        %parallel_loop3A_451 = arith.index_cast %parallel_loop3A_449 : i32 to index
        %parallel_loop3A_452 = arith.index_cast %parallel_loop3A_132 : i32 to index
        %parallel_loop3A_453 = arith.index_cast %parallel_loop3A_450 : i32 to index
        %parallel_loop3A_454 = arith.index_cast %parallel_loop3A_448 : i32 to index
        %parallel_loop3A_455 = tpu.vector_load %arg9[%parallel_loop3A_451, %parallel_loop3A_452, %parallel_loop3A_453, %parallel_loop3A_454] {strides = array<i32>} : memref<4x8x8x128xf32, #tpu.memory_space<vmem>>, vector<16xf32>,
        tpu.vector_store %arg9[%parallel_loop3A_451, %parallel_loop3A_452, %parallel_loop3A_453, %parallel_loop3A_454], %parallel_loop3A_221 {strides = array<i32>} : memref<4x8x8x128xf32, #tpu.memory_space<vmem>>, vector<16xf32>,
        %parallel_loop3A_456 = arith.constant 16 : i32
        %parallel_loop3A_457 = arith.muli %parallel_loop3A_148, %parallel_loop3A_456 : i32
        %parallel_loop3A_458 = arith.constant 2 : i32
        %parallel_loop3A_459 = arith.constant 7 : i32
        %parallel_loop3A_460 = arith.index_cast %parallel_loop3A_458 : i32 to index
        %parallel_loop3A_461 = arith.index_cast %parallel_loop3A_132 : i32 to index
        %parallel_loop3A_462 = arith.index_cast %parallel_loop3A_459 : i32 to index
        %parallel_loop3A_463 = arith.index_cast %parallel_loop3A_457 : i32 to index
        %parallel_loop3A_464 = tpu.vector_load %arg9[%parallel_loop3A_460, %parallel_loop3A_461, %parallel_loop3A_462, %parallel_loop3A_463] {strides = array<i32>} : memref<4x8x8x128xf32, #tpu.memory_space<vmem>>, vector<16xf32>,
        tpu.vector_store %arg9[%parallel_loop3A_460, %parallel_loop3A_461, %parallel_loop3A_462, %parallel_loop3A_463], %parallel_loop3A_224 {strides = array<i32>} : memref<4x8x8x128xf32, #tpu.memory_space<vmem>>, vector<16xf32>,
        %parallel_loop3A_465 = arith.constant 16 : i32
        %parallel_loop3A_466 = arith.muli %parallel_loop3A_148, %parallel_loop3A_465 : i32
        %parallel_loop3A_467 = arith.constant 3 : i32
        %parallel_loop3A_468 = arith.constant 0 : i32
        %parallel_loop3A_469 = arith.index_cast %parallel_loop3A_467 : i32 to index
        %parallel_loop3A_470 = arith.index_cast %parallel_loop3A_132 : i32 to index
        %parallel_loop3A_471 = arith.index_cast %parallel_loop3A_468 : i32 to index
        %parallel_loop3A_472 = arith.index_cast %parallel_loop3A_466 : i32 to index
        %parallel_loop3A_473 = tpu.vector_load %arg9[%parallel_loop3A_469, %parallel_loop3A_470, %parallel_loop3A_471, %parallel_loop3A_472] {strides = array<i32>} : memref<4x8x8x128xf32, #tpu.memory_space<vmem>>, vector<16xf32>,
        tpu.vector_store %arg9[%parallel_loop3A_469, %parallel_loop3A_470, %parallel_loop3A_471, %parallel_loop3A_472], %parallel_loop3A_227 {strides = array<i32>} : memref<4x8x8x128xf32, #tpu.memory_space<vmem>>, vector<16xf32>,
        %parallel_loop3A_474 = arith.constant 16 : i32
        %parallel_loop3A_475 = arith.muli %parallel_loop3A_148, %parallel_loop3A_474 : i32
        %parallel_loop3A_476 = arith.constant 3 : i32
        %parallel_loop3A_477 = arith.constant 1 : i32
        %parallel_loop3A_478 = arith.index_cast %parallel_loop3A_476 : i32 to index
        %parallel_loop3A_479 = arith.index_cast %parallel_loop3A_132 : i32 to index
        %parallel_loop3A_480 = arith.index_cast %parallel_loop3A_477 : i32 to index
        %parallel_loop3A_481 = arith.index_cast %parallel_loop3A_475 : i32 to index
        %parallel_loop3A_482 = tpu.vector_load %arg9[%parallel_loop3A_478, %parallel_loop3A_479, %parallel_loop3A_480, %parallel_loop3A_481] {strides = array<i32>} : memref<4x8x8x128xf32, #tpu.memory_space<vmem>>, vector<16xf32>,
        tpu.vector_store %arg9[%parallel_loop3A_478, %parallel_loop3A_479, %parallel_loop3A_480, %parallel_loop3A_481], %parallel_loop3A_230 {strides = array<i32>} : memref<4x8x8x128xf32, #tpu.memory_space<vmem>>, vector<16xf32>,
        %parallel_loop3A_483 = arith.constant 16 : i32
        %parallel_loop3A_484 = arith.muli %parallel_loop3A_148, %parallel_loop3A_483 : i32
        %parallel_loop3A_485 = arith.constant 3 : i32
        %parallel_loop3A_486 = arith.constant 2 : i32
        %parallel_loop3A_487 = arith.index_cast %parallel_loop3A_485 : i32 to index
        %parallel_loop3A_488 = arith.index_cast %parallel_loop3A_132 : i32 to index
        %parallel_loop3A_489 = arith.index_cast %parallel_loop3A_486 : i32 to index
        %parallel_loop3A_490 = arith.index_cast %parallel_loop3A_484 : i32 to index
        %parallel_loop3A_491 = tpu.vector_load %arg9[%parallel_loop3A_487, %parallel_loop3A_488, %parallel_loop3A_489, %parallel_loop3A_490] {strides = array<i32>} : memref<4x8x8x128xf32, #tpu.memory_space<vmem>>, vector<16xf32>,
        tpu.vector_store %arg9[%parallel_loop3A_487, %parallel_loop3A_488, %parallel_loop3A_489, %parallel_loop3A_490], %parallel_loop3A_233 {strides = array<i32>} : memref<4x8x8x128xf32, #tpu.memory_space<vmem>>, vector<16xf32>,
        %parallel_loop3A_492 = arith.constant 16 : i32
        %parallel_loop3A_493 = arith.muli %parallel_loop3A_148, %parallel_loop3A_492 : i32
        %parallel_loop3A_494 = arith.constant 3 : i32
        %parallel_loop3A_495 = arith.constant 3 : i32
        %parallel_loop3A_496 = arith.index_cast %parallel_loop3A_494 : i32 to index
        %parallel_loop3A_497 = arith.index_cast %parallel_loop3A_132 : i32 to index
        %parallel_loop3A_498 = arith.index_cast %parallel_loop3A_495 : i32 to index
        %parallel_loop3A_499 = arith.index_cast %parallel_loop3A_493 : i32 to index
        %parallel_loop3A_500 = tpu.vector_load %arg9[%parallel_loop3A_496, %parallel_loop3A_497, %parallel_loop3A_498, %parallel_loop3A_499] {strides = array<i32>} : memref<4x8x8x128xf32, #tpu.memory_space<vmem>>, vector<16xf32>,
        tpu.vector_store %arg9[%parallel_loop3A_496, %parallel_loop3A_497, %parallel_loop3A_498, %parallel_loop3A_499], %parallel_loop3A_236 {strides = array<i32>} : memref<4x8x8x128xf32, #tpu.memory_space<vmem>>, vector<16xf32>,
        %parallel_loop3A_501 = arith.constant 16 : i32
        %parallel_loop3A_502 = arith.muli %parallel_loop3A_148, %parallel_loop3A_501 : i32
        %parallel_loop3A_503 = arith.constant 3 : i32
        %parallel_loop3A_504 = arith.constant 4 : i32
        %parallel_loop3A_505 = arith.index_cast %parallel_loop3A_503 : i32 to index
        %parallel_loop3A_506 = arith.index_cast %parallel_loop3A_132 : i32 to index
        %parallel_loop3A_507 = arith.index_cast %parallel_loop3A_504 : i32 to index
        %parallel_loop3A_508 = arith.index_cast %parallel_loop3A_502 : i32 to index
        %parallel_loop3A_509 = tpu.vector_load %arg9[%parallel_loop3A_505, %parallel_loop3A_506, %parallel_loop3A_507, %parallel_loop3A_508] {strides = array<i32>} : memref<4x8x8x128xf32, #tpu.memory_space<vmem>>, vector<16xf32>,
        tpu.vector_store %arg9[%parallel_loop3A_505, %parallel_loop3A_506, %parallel_loop3A_507, %parallel_loop3A_508], %parallel_loop3A_239 {strides = array<i32>} : memref<4x8x8x128xf32, #tpu.memory_space<vmem>>, vector<16xf32>,
        %parallel_loop3A_510 = arith.constant 16 : i32
        %parallel_loop3A_511 = arith.muli %parallel_loop3A_148, %parallel_loop3A_510 : i32
        %parallel_loop3A_512 = arith.constant 3 : i32
        %parallel_loop3A_513 = arith.constant 5 : i32
        %parallel_loop3A_514 = arith.index_cast %parallel_loop3A_512 : i32 to index
        %parallel_loop3A_515 = arith.index_cast %parallel_loop3A_132 : i32 to index
        %parallel_loop3A_516 = arith.index_cast %parallel_loop3A_513 : i32 to index
        %parallel_loop3A_517 = arith.index_cast %parallel_loop3A_511 : i32 to index
        %parallel_loop3A_518 = tpu.vector_load %arg9[%parallel_loop3A_514, %parallel_loop3A_515, %parallel_loop3A_516, %parallel_loop3A_517] {strides = array<i32>} : memref<4x8x8x128xf32, #tpu.memory_space<vmem>>, vector<16xf32>,
        tpu.vector_store %arg9[%parallel_loop3A_514, %parallel_loop3A_515, %parallel_loop3A_516, %parallel_loop3A_517], %parallel_loop3A_242 {strides = array<i32>} : memref<4x8x8x128xf32, #tpu.memory_space<vmem>>, vector<16xf32>,
        %parallel_loop3A_519 = arith.constant 16 : i32
        %parallel_loop3A_520 = arith.muli %parallel_loop3A_148, %parallel_loop3A_519 : i32
        %parallel_loop3A_521 = arith.constant 3 : i32
        %parallel_loop3A_522 = arith.constant 6 : i32
        %parallel_loop3A_523 = arith.index_cast %parallel_loop3A_521 : i32 to index
        %parallel_loop3A_524 = arith.index_cast %parallel_loop3A_132 : i32 to index
        %parallel_loop3A_525 = arith.index_cast %parallel_loop3A_522 : i32 to index
        %parallel_loop3A_526 = arith.index_cast %parallel_loop3A_520 : i32 to index
        %parallel_loop3A_527 = tpu.vector_load %arg9[%parallel_loop3A_523, %parallel_loop3A_524, %parallel_loop3A_525, %parallel_loop3A_526] {strides = array<i32>} : memref<4x8x8x128xf32, #tpu.memory_space<vmem>>, vector<16xf32>,
        tpu.vector_store %arg9[%parallel_loop3A_523, %parallel_loop3A_524, %parallel_loop3A_525, %parallel_loop3A_526], %parallel_loop3A_245 {strides = array<i32>} : memref<4x8x8x128xf32, #tpu.memory_space<vmem>>, vector<16xf32>,
        %parallel_loop3A_528 = arith.constant 16 : i32
        %parallel_loop3A_529 = arith.muli %parallel_loop3A_148, %parallel_loop3A_528 : i32
        %parallel_loop3A_530 = arith.constant 3 : i32
        %parallel_loop3A_531 = arith.constant 7 : i32
        %parallel_loop3A_532 = arith.index_cast %parallel_loop3A_530 : i32 to index
        %parallel_loop3A_533 = arith.index_cast %parallel_loop3A_132 : i32 to index
        %parallel_loop3A_534 = arith.index_cast %parallel_loop3A_531 : i32 to index
        %parallel_loop3A_535 = arith.index_cast %parallel_loop3A_529 : i32 to index
        %parallel_loop3A_536 = tpu.vector_load %arg9[%parallel_loop3A_532, %parallel_loop3A_533, %parallel_loop3A_534, %parallel_loop3A_535] {strides = array<i32>} : memref<4x8x8x128xf32, #tpu.memory_space<vmem>>, vector<16xf32>,
        tpu.vector_store %arg9[%parallel_loop3A_532, %parallel_loop3A_533, %parallel_loop3A_534, %parallel_loop3A_535], %parallel_loop3A_248 {strides = array<i32>} : memref<4x8x8x128xf32, #tpu.memory_space<vmem>>, vector<16xf32>,
      } {sc.loop_unroll_factor = 16 : i64, sc.parallel_access}
      %dma_start3A_98 = arith.constant 0 : i32
      %dma_start3A_99 = arith.constant 0 : i32
      %dma_start3A_100 = arith.constant 0 : i32
      %dma_start3A_101 = tpu.memref_slice %arg4[%add3A_76, %min3A_3, %dma_start3A_98, %dma_start3A_99, %dma_start3A_100] : memref<50x125x8x8x128xf32, #tpu.memory_space<hbm>> -> memref<1x4x8x8x128xf32, #tpu.memory_space<hbm>>
      %dma_start3A_102 = tpu.memref_squeeze %dma_start3A_101 : memref<1x4x8x8x128xf32, #tpu.memory_space<hbm>> -> memref<4x8x8x128xf32, #tpu.memory_space<hbm>>
      %dma_start3A_103 = arith.constant 0 : i32
      %dma_start3A_104 = arith.constant 0 : i32
      %dma_start3A_105 = arith.constant 0 : i32
      %dma_start3A_106 = tpu.memref_slice %arg4[%add3A_76, %min3A_3, %dma_start3A_103, %dma_start3A_104, %dma_start3A_105] : memref<50x125x8x8x128xf32, #tpu.memory_space<hbm>> -> memref<1x4x8x8x128xf32, #tpu.memory_space<hbm>>
      %dma_start3A_107 = tpu.memref_squeeze %dma_start3A_106 : memref<1x4x8x8x128xf32, #tpu.memory_space<hbm>> -> memref<4x8x8x128xf32, #tpu.memory_space<hbm>>
      tpu.enqueue_dma source(%arg9 : memref<4x8x8x128xf32, #tpu.memory_space<vmem>>) target(%dma_start3A_107 : memref<4x8x8x128xf32, #tpu.memory_space<hbm>>) target_semaphore(%arg13 : memref<!tpu.dma_semaphore, #tpu.memory_space<semaphore_mem>>)
    }
    %scan3A_16 = arith.constant 25 : i32
    %dma_wait3A = arith.constant 0 : i32
    %dma_wait3A_17 = arith.constant 0 : i32
    %dma_wait3A_18 = arith.constant 0 : i32
    %dma_wait3A_19 = arith.constant 0 : i32
    %dma_wait3A_20 = arith.constant 0 : i32
    %dma_wait3A_21 = tpu.memref_slice %arg4[%dma_wait3A, %dma_wait3A_17, %dma_wait3A_18, %dma_wait3A_19, %dma_wait3A_20] : memref<50x125x8x8x128xf32, #tpu.memory_space<hbm>> -> memref<1x4x8x8x128xf32, #tpu.memory_space<hbm>>
    %dma_wait3A_22 = tpu.memref_squeeze %dma_wait3A_21 : memref<1x4x8x8x128xf32, #tpu.memory_space<hbm>> -> memref<4x8x8x128xf32, #tpu.memory_space<hbm>>
    %dma_wait3A_23 = arith.constant 0 : i32
    %dma_wait3A_24 = arith.constant 0 : i32
    %dma_wait3A_25 = arith.constant 0 : i32
    %dma_wait3A_26 = arith.constant 0 : i32
    %dma_wait3A_27 = tpu.memref_slice %arg4[%dma_wait3A, %dma_wait3A_23, %dma_wait3A_24, %dma_wait3A_25, %dma_wait3A_26] : memref<50x125x8x8x128xf32, #tpu.memory_space<hbm>> -> memref<1x4x8x8x128xf32, #tpu.memory_space<hbm>>
    %dma_wait3A_28 = tpu.memref_squeeze %dma_wait3A_27 : memref<1x4x8x8x128xf32, #tpu.memory_space<hbm>> -> memref<4x8x8x128xf32, #tpu.memory_space<hbm>>
    tpu.wait_dma2 semaphore(%arg12 : memref<!tpu.dma_semaphore, #tpu.memory_space<semaphore_mem>>) src(%arg8 : memref<4x8x8x128xf32, #tpu.memory_space<vmem>>) dst(%dma_wait3A_28 : memref<4x8x8x128xf32, #tpu.memory_space<hbm>>)
    %dma_wait3A_29 = arith.constant 0 : i32
    %dma_wait3A_30 = arith.constant 0 : i32
    %dma_wait3A_31 = arith.constant 0 : i32
    %dma_wait3A_32 = arith.constant 0 : i32
    %dma_wait3A_33 = arith.constant 0 : i32
    %dma_wait3A_34 = tpu.memref_slice %arg4[%dma_wait3A_29, %dma_wait3A_30, %dma_wait3A_31, %dma_wait3A_32, %dma_wait3A_33] : memref<50x125x8x8x128xf32, #tpu.memory_space<hbm>> -> memref<1x4x8x8x128xf32, #tpu.memory_space<hbm>>
    %dma_wait3A_35 = tpu.memref_squeeze %dma_wait3A_34 : memref<1x4x8x8x128xf32, #tpu.memory_space<hbm>> -> memref<4x8x8x128xf32, #tpu.memory_space<hbm>>
    %dma_wait3A_36 = arith.constant 0 : i32
    %dma_wait3A_37 = arith.constant 0 : i32
    %dma_wait3A_38 = arith.constant 0 : i32
    %dma_wait3A_39 = arith.constant 0 : i32
    %dma_wait3A_40 = tpu.memref_slice %arg4[%dma_wait3A_29, %dma_wait3A_36, %dma_wait3A_37, %dma_wait3A_38, %dma_wait3A_39] : memref<50x125x8x8x128xf32, #tpu.memory_space<hbm>> -> memref<1x4x8x8x128xf32, #tpu.memory_space<hbm>>
    %dma_wait3A_41 = tpu.memref_squeeze %dma_wait3A_40 : memref<1x4x8x8x128xf32, #tpu.memory_space<hbm>> -> memref<4x8x8x128xf32, #tpu.memory_space<hbm>>
    tpu.wait_dma2 semaphore(%arg13 : memref<!tpu.dma_semaphore, #tpu.memory_space<semaphore_mem>>) src(%arg9 : memref<4x8x8x128xf32, #tpu.memory_space<vmem>>) dst(%dma_wait3A_41 : memref<4x8x8x128xf32, #tpu.memory_space<hbm>>)
    return
  }
}

</mosaic_0001>

<sc_bundles>
// kernel: _sc_bigram_lookup.3.cloned.1.call-start
scs
__scs_entry_jumppad:
0x0: {  	(pc) =	sbr.rel $0x88, $3  }
0x1: {  	(tag) =	ssettag $0x0;
	lr =	simm.s32 $0x1  }
0x2: {  	[smem:$0x3F9F] =	sst lr;
	_ =	strace $0xD0000000  }
0x3: {  	_ = 	snop  }
0x4: {  	_ = 	snop  }
0x5: {  	_ = 	snop  }
0x6: {  	_ = 	snop  }
0x7: {  	_ = 	snop  }
__scs_overlays_trampoline_lowered:
0x8: {  	[smem:$0x3FAE] =	sst s0  }
0x9: {  	[smem:$0x3FAF] =	sst s1  }
0xa: {  	[smem:$0x3FB0] =	sst s2  }
0xb: {  	[smem:$0x3FB1] =	sst s3  }
0xc: {  	[smem:$0x3FB2] =	sst s4  }
0xd: {  	[smem:$0x3FB3] =	sst s5  }
0xe: {  	[smem:$0x3FB4] =	sst s6  }
0xf: {  	[smem:$0x3FB5] =	sst s7  }
0x10: {  	[smem:$0x3FB6] =	sst s8  }
0x11: {  	[smem:$0x3FB7] =	sst s9;
	s0 =	simm.s32 @!p0 $0x0  }
0x12: {  	s1 =	sld [smem:$0x3F9D];
	s0 =	simm.s32 @p0 $0x1  }
0x13: {  	[smem:$0x3FB8] =	sst s0;
	s0 =	simm.s32 @!p1 $0x0  }
0x14: {  	s2 =	sld [smem:$0x3F9C];
	s0 =	simm.s32 @p1 $0x1  }
0x15: {  	[smem:$0x3FB9] =	sst s0;
	s0 =	simm.s32 @!p2 $0x0  }
0x16: {  	s3 =	sld [smem:$0x3FDB];
	s0 =	simm.s32 @p2 $0x1  }
0x17: {  	s4 =	simm.s32 $0x1BF5;
	[smem:$0x3FBB] =	sst s0  }
0x18: {  	s0 =	sld [smem:$0x3F9E];
	_ =	swait.ge [sflag:s4], $0x0  }
0x19: {  	s7 =	sld [smem:$0x3F9F]  }
0x1a: {  	s8 =	sadd.s32 $0xFFFFE003, lr  }
0x1b: {  	s9 =	sadd.s32 $0xFFFFFEF7, lr;
	s5 =	simm.s32 $0xFFFFFFFF;
	p2 =	slt.u32 s8, $0xFFFFF086  }
0x1c: {  	p1 =	slt.u32 s9, $0xF7A;
	s5 =	simm.s32 @!p2 $0x0  }
0x1d: {  	s5 =	simm.s32 @p1 $0x1;
	p0 =	seq.s32 s7, s2  }
0x1e: {  	s7 =	smul.u32 @!p0 $0xF7A, s2;
	p2 =	seq.s32 @!p0 s5, $0x0  }
0x1f: {  	s9 =	smul.u32 $0xF7A, s1;
	s8 =	simm.s32 @!p0 $0x1BF5;
	p2 =	por !p2, p0  }
0x20: {  	[sflag:s8] =	ssyncset.s32 @!p0 $0xFFFFF086;
	s6 =	sadd.s32 @!p0 s3, s7;
	s7 =	simm.s32 @!p0 $0x108  }
0x21: {  	s3 =	sadd.s32 s3, s9;
	s6 =	sadd.s32 @!p0 $0x88, s6;
	s7 =	simm.s32 @p2 $0x1082  }
0x22: {  	[simem:s7], [sflag:s8] =	dma.local @!p0 [hbm:s6], $0xF7A  }
0x23: {  	s9 =	sor.u32 $0xD0000000, s2;
	s6 =	simm.s32 $0x108;
	_ =	swait.ge @!p0 [sflag:s8], $0x0  }
0x24: {  	s3 =	sadd.s32 $0x88, s3;
	s6 =	simm.s32 @!p1 $0x1082;
	[sflag:s4] =	ssyncset.s32 $0xFFFFF086  }
0x25: {  	[simem:s6], [sflag:s4] =	dma.local [hbm:s3], $0xF7A  }
0x26: {  	[smem:$0x3F9F] =	sst s1;
	(tag) =	ssettag s2;
	_ =	strace s9  }
0x27: {  	s1 =	sld [smem:$0x3FAF]  }
0x28: {  	s2 =	sld [smem:$0x3FB0]  }
0x29: {  	s4 =	sld [smem:$0x3FB2]  }
0x2a: {  	p0 =	seq.s32 s5, $0x0;
	s5 =	sld [smem:$0x3FB3]  }
0x2b: {  	s6 =	sld [smem:$0x3FB4]  }
0x2c: {  	s7 =	sld [smem:$0x3FB5]  }
0x2d: {  	s3 =	simm.s32 $0x108;
	s8 =	sld [smem:$0x3FB6]  }
0x2e: {  	s3 =	simm.s32 @!p0 $0x1082;
	s9 =	sld [smem:$0x3FB7]  }
0x2f: {  	lr =	sadd.s32 s0, s3;
	s0 =	sld [smem:$0x3FAE]  }
0x30: {  	s3 =	sld [smem:$0x3FB1]  }
0x31: {  	[smem:$0x3FBA] =	sst s10  }
0x32: {  	s10 =	sld [smem:$0x3FB8];
	_ =	sdelay $0x3  }
0x33: {  	p0 =	seq.s32 s10, $0x1;
	s10 =	sld [smem:$0x3FBA];
	_ =	sdelay $0x3  }
0x34: {  	[smem:$0x3FBA] =	sst s10  }
0x35: {  	s10 =	sld [smem:$0x3FB9];
	_ =	sdelay $0x3  }
0x36: {  	p1 =	seq.s32 s10, $0x1;
	s10 =	sld [smem:$0x3FBA];
	_ =	sdelay $0x3  }
0x37: {  	[smem:$0x3FBA] =	sst s10  }
0x38: {  	s10 =	sld [smem:$0x3FBB]  }
0x39: {  	_ = 	snop;
	(pc) =	sbr.ind lr, $3  }
0x3a: {  	_ = 	snop  }
0x3b: {  	_ = 	snop  }
0x3c: {  	p2 =	seq.s32 s10, $0x1;
	s10 =	sld [smem:$0x3FBA]  }
0x3d: {  	_ =	shalt  }
0x3e: {  	_ =	shalt  }
0x3f: {  	_ =	shalt  }
0x40: {  	_ =	shalt  }
0x41: {  	_ =	shalt  }
0x42: {  	_ =	shalt  }
0x43: {  	_ =	shalt  }
0x44: {  	_ =	shalt  }
0x45: {  	_ =	shalt  }
0x46: {  	_ =	shalt  }
0x47: {  	_ =	shalt  }
0x48: {  	_ =	shalt  }
0x49: {  	_ =	shalt  }
0x4a: {  	_ =	shalt  }
0x4b: {  	_ =	shalt  }
0x4c: {  	_ =	shalt  }
0x4d: {  	_ =	shalt  }
0x4e: {  	_ =	shalt  }
0x4f: {  	_ =	shalt  }
0x50: {  	_ =	shalt  }
0x51: {  	_ =	shalt  }
0x52: {  	_ =	shalt  }
0x53: {  	_ =	shalt  }
0x54: {  	_ =	shalt  }
0x55: {  	_ =	shalt  }
0x56: {  	_ =	shalt  }
0x57: {  	_ =	shalt  }
0x58: {  	_ =	shalt  }
0x59: {  	_ =	shalt  }
0x5a: {  	_ =	shalt  }
0x5b: {  	_ =	shalt  }
0x5c: {  	_ =	shalt  }
0x5d: {  	_ =	shalt  }
0x5e: {  	_ =	shalt  }
0x5f: {  	_ =	shalt  }
0x60: {  	_ =	shalt  }
0x61: {  	_ =	shalt  }
0x62: {  	_ =	shalt  }
0x63: {  	_ =	shalt  }
0x64: {  	_ =	shalt  }
0x65: {  	_ =	shalt  }
0x66: {  	_ =	shalt  }
0x67: {  	_ =	shalt  }
0x68: {  	_ =	shalt  }
0x69: {  	_ =	shalt  }
0x6a: {  	_ =	shalt  }
0x6b: {  	_ =	shalt  }
0x6c: {  	_ =	shalt  }
0x6d: {  	_ =	shalt  }
0x6e: {  	_ =	shalt  }
0x6f: {  	_ =	shalt  }
0x70: {  	_ =	shalt  }
0x71: {  	_ =	shalt  }
0x72: {  	_ =	shalt  }
0x73: {  	_ =	shalt  }
0x74: {  	_ =	shalt  }
0x75: {  	_ =	shalt  }
0x76: {  	_ =	shalt  }
0x77: {  	_ =	shalt  }
0x78: {  	_ =	shalt  }
0x79: {  	_ =	shalt  }
0x7a: {  	_ =	shalt  }
0x7b: {  	_ =	shalt  }
0x7c: {  	_ =	shalt  }
0x7d: {  	_ =	shalt  }
0x7e: {  	_ =	shalt  }
0x7f: {  	_ =	shalt  }
0x80: {  	_ =	shalt  }
0x81: {  	_ =	shalt  }
0x82: {  	_ =	shalt  }
0x83: {  	_ =	shalt  }
0x84: {  	_ =	shalt  }
0x85: {  	_ =	shalt  }
0x86: {  	_ =	shalt  }
0x87: {  	_ =	shalt  }
.Lfunc_end0:
.L_simem_size_0:
called_computation_lowered:
.L_overlay_start_0:
0x88: {  	s2 =	sld [smem:$0x3FD9]  }
0x89: {  	s3 =	sld [smem:$0x3FFE];
	_ =	sdelay $0x1  }
0x8a: {  	s1 =	srdreg.scid  }
0x8b: {  	s0 =	sand.u32 $0x1, s1  }
0x8c: {  	s17 =	sshll.u32 s0, $0xA;
	s2 =	sadd.s32 s3, s2  }
0x8d: {  	s2 =	sadd.s32 s2, s17  }
0x8e: {  	[smem:$0x3FC6] =	sst s2  }
0x8f: {  	_ = 	snop  }
0x90: {  	s2 =	sld [smem:$0x3FD0];
	(tm) =	ssettm $0x1  }
0x91: {  	s18 =	sld [smem:$0x3FFB];
	_ =	sdelay $0x3  }
0x92: {  	_ =	strace s18  }
0x93: {  	s3 =	sld [smem:$0x3FFC];
	_ =	sdelay $0x3  }
0x94: {  	_ =	strace s3  }
0x95: {  	s3 =	sld [smem:$0x3FFD];
	_ =	sdelay $0x3  }
0x96: {  	_ =	strace s3  }
0x97: {  	_ =	strace $0x8FFFFFFF  }
0x98: {  	s19 =	sld [smem:$0x3FDB];
	_ =	sdelay $0x1  }
0x99: {  	s4 =	simm.s32 $_scs_section_size  }
0x9a: {  	s5 =	simm.s32 $_size__tile_overlayer_lowered;
	s6 =	simm.s32 $_tile_overlayer_lowered  }
0x9b: {  	s22 =	simm.s32 $0x1BFF;
	s21 =	sshll.u32 s6, $0x1;
	s3 =	sadd.s32 s4, s19  }
0x9c: {  	s7 =	simm.s32 $0x0;
	s20 =	sshll.u32 s5, $0x1;
	s5 =	sadd.s32 s21, s3  }
0x9d: {  	[timem:s7], [sflag:s22] =	dma.local [hbm:s5], s20  }
0x9e: {  	_ =	swait.ge [sflag:s22], s20  }
0x9f: {  	s4 =	ssub.s32 $0x0, s20;
	[sflag:s22] =	ssyncset.done $0x0  }
0xa0: {  	[sflag:s22] =	ssyncadd.s32 s4;
	_ =	sdelay $0x1  }
0xa1: {  	s23 =	simm.s32 $0x1B8B  }
0xa2: {  	_ =	swait.ge [sflag:s23], $0x1  }
0xa3: {  	[sflag:s23] =	ssyncset.done $0x0  }
0xa4: {  	s25 =	simm.s32 $0x1B8E;
	s24 =	sld [smem:$0x3FFE];
	[sflag:s23] =	ssyncadd.s32 $0xFFFFFFFF  }
0xa5: {  	s26 =	simm.s32 $execute0_lowered;
	[smem:$0x3FD2] =	sst s25  }
0xa6: {  	s5 =	sshll.u32 s26, $0x1;
	_ =	strace $0x80000046;
	[dreg:$0x1] =	wrdreg $0xFFFFFFFF  }
0xa7: {  	s28 =	simm.s32 $_size_execute0_lowered;
	s3 =	sadd.s32 s3, s5;
	[dreg:$0x0] =	wrdreg $0x0  }
0xa8: {  	s5 =	sshll.u32 s28, $0x1;
	[dreg:$0x2] =	wrdreg s3  }
0xa9: {  	[dreg:$0x3] =	wrdreg s5  }
0xaa: {  	[dreg:$0x4] =	wrdreg $0xC0  }
0xab: {  	_ =	task [dreg:s7], $0x5FFFF  }
0xac: {  	[dreg:$0x1] =	wrdreg $0xFFFFFFFF  }
0xad: {  	[dreg:$0x0] =	wrdreg $0x60  }
0xae: {  	[dreg:$0x2] =	wrdreg s24  }
0xaf: {  	[dreg:$0x3] =	wrdreg s2  }
0xb0: {  	[dreg:$0x4] =	wrdreg $0x9  }
0xb1: {  	_ =	task.clear_ibuf [dreg:s7], $0x5FFFF;
	_ =	strace $0x90000046  }
0xb2: {  	s29 =	simm.s32 $0x9;
	_ =	strace $0x80000048  }
0xb3: {  	_ =	swait.ge [sflag:s29], $0x1  }
0xb4: {  	[sflag:s29] =	ssyncadd.s32 $0xFFFFFFFF  }
0xb5: {  	_ =	strace $0x90000048  }
0xb6: {  	_ =	sfence  }
0xb7: {  	s30 =	sld [smem:$0x0];
	_ =	sdelay $0x2  }
0xb8: {  	s31 =	sshll.u32 s1, $0xD;
	s1 =	sshrl.u32 s1, $0x2  }
0xb9: {  	s3 =	sand.u32 $0x4000, s31;
	s1 =	sadd.s32 s1, s30  }
0xba: {  	s0 =	sor.u32 s3, s0;
	s1 =	sshll.u32 s1, $0x11  }
0xbb: {  	s0 =	sor.u32 s1, s0  }
0xbc: {  	s0 =	sadd.s32 $0x8F2B, s0  }
0xbd: {  	[sflag:s0] =	ssyncadd.remote.s32 $0x1  }
0xbe: {  	_ =	sfence.sel $0xFFFF  }
0xbf: {  	[dreg:$0x0] =	wrdreg $0xFFFFFFFF;
	(pc) =	sbr.abs _section_cstart, $3  }
0xc0: {  	[dreg:$0x1] =	wrdreg $0xFFFFFFFF  }
0xc1: {  	_ =	task.clear_ibuf [dreg:s7], $0x2FFFF;
	_ =	strace $0x9FFFFFFF  }
0xc2: {  	(tm) =	ssettm $0x7FFFFFFF  }
0xc3: {  	_ =	shalt  }
tec
execute0_lowered:
.L_overlay_start_1:
0x0: {  	(tag) =	ssettag $0x1  }
0x1: {  	s7 =	rddreg [dreg:$0x0]  }
0x2: {  	s2 =	rddreg [dreg:$0x1]  }
0x3: {  	s3 =	srdreg.scid;
	s1 =	stileid.u32  }
0x4: {  	s10 =	simm.s32 $0x5;
	s11 =	simm.s32 $0x1;
	s12 =	simm.s32 $0xA040  }
0x5: {  	s13 =	simm.s32 $0xA440;
	s14 =	simm.s32 $0x2;
	s15 =	simm.s32 $0x12440  }
0x6: {  	s16 =	simm.s32 $0x3;
	s17 =	simm.s32 $0x4;
	s18 =	simm.s32 $0x0  }
0x7: {  	s4 =	sand.u32 $0x1, s3;
	s3 =	simm.s32 $0x0;
	s5 =	sshll.u32 s1, $0x3  }
0x8: {  	s6 =	sshll.u32 s4, $0x2;
	[smem:$0x7FF] =	sst s3;
	s31 =	ssub.s32 $0x2, s4  }
0x9: {  	s4 =	sadd.s32 $0x400, s7;
	s5 =	sor.u32 s6, s5;
	s9 =	sshrl.u32 s31, $0x1  }
0xa: {  	_ =	strace $0x80000047;
	s6 =	smin.u32 s5, $0x79;
	s9 =	ssub.s32 s31, s9  }
0xb: {  	s8 =	sadd.s32 s6, s7;
	s6 =	sshll.u32 s6, $0xD;
	s7 =	sadd.s32 $0x500, s7  }
0xc: {  	s5 =	sadd.s32 $0x1E00, s8;
	s8 =	smax.u32 s9, $0x1;
	s9 =	simm.s32 $0x9C40  }
.LBB2_1:
0xd: {  	[tilespmem:s9], [sflag:$0x1] =	stream.linear.gather [hbm4b:s4+s3], $0x400, $0x38;
	[tilespmem:$0x1A440] =	vst v63  }
0xe: {  	s19 =	simm.s32 $0x7D  }
0xf: {  	s22 =	sadd.s32 $0x0, s5;
	s20 =	simm.s32 $0x28;
	s21 =	simm.s32 $0x0  }
.LBB2_2:
0x10: {  	[tilespmem:s21], [sflag:$0x5] =	stream.linear.gather [hbm4b:s22+s3], $0x20, $0x38;
	[tilespmem:$0x1A440] =	vst v63  }
0x11: {  	s22 =	smov.u32 s19;
	s21 =	smov.u32 s20;
	p0 =	sne.s32 s19, $0x1E7CB  }
.Ltmp0:
0x12: {  	s19 =	sadd.s32 $0x7D, s19;
	(pc) =	sbr.rel @p0 .LBB2_2-.Ltmp0, $2  }
0x13: {  	_ =	sdelay $0x2  }
0x14: {  	s20 =	sadd.s32 $0x28, s20;
	s22 =	sadd.s32 s22, s5  }
0x15: {  	[tilespmem:s21], [sflag:$0x5] =	stream.linear.gather [hbm4b:s22+s3], $0x20, $0x38;
	[tilespmem:$0x1A440] =	vst v63  }
0x16: {  	_ =	swait.ge [sflag:s10], $0x7D00  }
0x17: {  	[sflag:s10] =	ssyncset.done $0x0  }
0x18: {  	s19 =	simm.s32 $0x0;
	[sflag:s10] =	ssyncadd.s32 $0xFFFF8300  }
.LBB2_4:
0x19: {  	_ =	swait.ge [sflag:s11], $0x400;
	s20 =	sshllo.u32 s19, $0x1  }
0x1a: {  	[sflag:s11] =	ssyncset.done $0x0;
	s21 =	sshll.u32 s20, $0x7  }
0x1b: {  	p0 =	seq.s32 s19, $0x0;
	[sflag:s11] =	ssyncadd.s32 $0xFFFFFC00;
	s21 =	sadd.s32 s4, s21  }
0x1c: {  	[tilespmem:s12], [sflag:$0x2] =	stream.linear.gather [hbm4b:s21+s3], $0x400, $0x38;
	[tilespmem:$0x1A440] =	vst v63  }
0x1d: {  	s21 =	simm.s32 @!p0 $0x3  }
0x1e: {  	_ =	swait.ge @!p0 [sflag:s21], $0x8000  }
0x1f: {  	[sflag:s21] =	ssyncset.done @!p0 $0x0  }
0x20: {  	[sflag:s21] =	ssyncadd.s32 @!p0 $0xFFFF8000;
	s21 =	simm.s32 $0x0  }
.LBB2_5:
0x21: {  	s22 =	sshll.u32 s21, $0x4  }
0x22: {  	s23 =	sand.u32 $0x3FFFFFF0, s22  }
0x23: {  	v0 =	vld [tilespmem:s23+$0x9C40];
	_ =	sdelay $0x4  }
0x24: {  	v0 =	vmul.u32 $0x28, v0;
	_ =	sdelay $0x1  }
0x25: {  	v1 =	vor.u32 $0x1, v0  }
0x26: {  	v2 =	vor.u32 $0x2, v0  }
0x27: {  	v3 =	vor.u32 $0x3, v0  }
0x28: {  	v4 =	vor.u32 $0x4, v0  }
0x29: {  	v6 =	vor.u32 $0x5, v0;
	v5 =	vld.idx.msk [tilespmem:v0+s3+$0x0], $0xffff  }
0x2a: {  	v7 =	vor.u32 $0x6, v0;
	v1 =	vld.idx.msk [tilespmem:v1+s3+$0x0], $0xffff  }
0x2b: {  	v8 =	vor.u32 $0x7, v0;
	v2 =	vld.idx.msk [tilespmem:v2+s3+$0x0], $0xffff  }
0x2c: {  	v9 =	vadd.s32 $0x8, v0;
	v3 =	vld.idx.msk [tilespmem:v3+s3+$0x0], $0xffff  }
0x2d: {  	v10 =	vadd.s32 $0x9, v0;
	v4 =	vld.idx.msk [tilespmem:v4+s3+$0x0], $0xffff  }
0x2e: {  	v11 =	vadd.s32 $0xA, v0;
	v6 =	vld.idx.msk [tilespmem:v6+s3+$0x0], $0xffff  }
0x2f: {  	v12 =	vadd.s32 $0xB, v0;
	v7 =	vld.idx.msk [tilespmem:v7+s3+$0x0], $0xffff  }
0x30: {  	v13 =	vadd.s32 $0xC, v0;
	v8 =	vld.idx.msk [tilespmem:v8+s3+$0x0], $0xffff  }
0x31: {  	v14 =	vadd.s32 $0xD, v0;
	v9 =	vld.idx.msk [tilespmem:v9+s3+$0x0], $0xffff  }
0x32: {  	v15 =	vadd.s32 $0xE, v0;
	v10 =	vld.idx.msk [tilespmem:v10+s3+$0x0], $0xffff  }
0x33: {  	v16 =	vadd.s32 $0xF, v0;
	v11 =	vld.idx.msk [tilespmem:v11+s3+$0x0], $0xffff  }
0x34: {  	v17 =	vadd.s32 $0x10, v0;
	v12 =	vld.idx.msk [tilespmem:v12+s3+$0x0], $0xffff  }
0x35: {  	v18 =	vadd.s32 $0x11, v0;
	v13 =	vld.idx.msk [tilespmem:v13+s3+$0x0], $0xffff  }
0x36: {  	v19 =	vadd.s32 $0x12, v0;
	v14 =	vld.idx.msk [tilespmem:v14+s3+$0x0], $0xffff  }
0x37: {  	v20 =	vadd.s32 $0x13, v0;
	v15 =	vld.idx.msk [tilespmem:v15+s3+$0x0], $0xffff  }
0x38: {  	v21 =	vadd.s32 $0x14, v0;
	v16 =	vld.idx.msk [tilespmem:v16+s3+$0x0], $0xffff  }
0x39: {  	v22 =	vadd.s32 $0x15, v0;
	v17 =	vld.idx.msk [tilespmem:v17+s3+$0x0], $0xffff  }
0x3a: {  	v23 =	vadd.s32 $0x16, v0;
	v18 =	vld.idx.msk [tilespmem:v18+s3+$0x0], $0xffff  }
0x3b: {  	v24 =	vadd.s32 $0x17, v0;
	v19 =	vld.idx.msk [tilespmem:v19+s3+$0x0], $0xffff  }
0x3c: {  	v25 =	vadd.s32 $0x18, v0;
	v20 =	vld.idx.msk [tilespmem:v20+s3+$0x0], $0xffff  }
0x3d: {  	v26 =	vadd.s32 $0x19, v0;
	v21 =	vld.idx.msk [tilespmem:v21+s3+$0x0], $0xffff  }
0x3e: {  	v27 =	vadd.s32 $0x1A, v0;
	v22 =	vld.idx.msk [tilespmem:v22+s3+$0x0], $0xffff  }
0x3f: {  	v28 =	vadd.s32 $0x1B, v0;
	v23 =	vld.idx.msk [tilespmem:v23+s3+$0x0], $0xffff  }
0x40: {  	v29 =	vadd.s32 $0x1C, v0;
	v24 =	vld.idx.msk [tilespmem:v24+s3+$0x0], $0xffff  }
0x41: {  	v30 =	vadd.s32 $0x1D, v0;
	v25 =	vld.idx.msk [tilespmem:v25+s3+$0x0], $0xffff  }
0x42: {  	v31 =	vadd.s32 $0x1E, v0;
	v26 =	vld.idx.msk [tilespmem:v26+s3+$0x0], $0xffff  }
0x43: {  	v0 =	vadd.s32 $0x1F, v0;
	v27 =	vld.idx.msk [tilespmem:v27+s3+$0x0], $0xffff  }
0x44: {  	v28 =	vld.idx.msk [tilespmem:v28+s3+$0x0], $0xffff  }
0x45: {  	v29 =	vld.idx.msk [tilespmem:v29+s3+$0x0], $0xffff  }
0x46: {  	s31 =	sshll.u32 s21, $0x7;
	v30 =	vld.idx.msk [tilespmem:v30+s3+$0x0], $0xffff  }
0x47: {  	s22 =	sand.u32 $0x3FFFFF80, s31;
	v31 =	vld.idx.msk [tilespmem:v31+s3+$0x0], $0xffff  }
0x48: {  	v0 =	vld.idx.msk [tilespmem:v0+s3+$0x0], $0xffff;
	[tilespmem:s22+$0xA440] =	vst v5  }
0x49: {  	[tilespmem:s22+$0xA4C0] =	vst v1  }
0x4a: {  	[tilespmem:s22+$0xA540] =	vst v2  }
0x4b: {  	[tilespmem:s22+$0xA5C0] =	vst v3  }
0x4c: {  	[tilespmem:s22+$0xA640] =	vst v4  }
0x4d: {  	[tilespmem:s22+$0xA6C0] =	vst v6  }
0x4e: {  	[tilespmem:s22+$0xA740] =	vst v7  }
0x4f: {  	[tilespmem:s22+$0xA7C0] =	vst v8  }
0x50: {  	v49 =	vld [tilespmem:s23+$0x9C50]  }
0x51: {  	v45 =	vld [tilespmem:s23+$0x9C60];
	_ =	sdelay $0x3  }
0x52: {  	v1 =	vmul.u32 $0x28, v49  }
0x53: {  	[tilespmem:s22+$0xE6C0] =	vst v22;
	v22 =	vmul.u32 $0x28, v45;
	_ =	sdelay $0x1  }
0x54: {  	v50 =	vor.u32 $0x1, v1  }
0x55: {  	v51 =	vor.u32 $0x2, v1  }
0x56: {  	v52 =	vor.u32 $0x3, v1  }
0x57: {  	v53 =	vor.u32 $0x4, v1;
	v6 =	vld.idx.msk [tilespmem:v1+s3+$0x0], $0xffff  }
0x58: {  	[tilespmem:s22+$0x105C0] =	vst v28;
	v54 =	vor.u32 $0x5, v1;
	v28 =	vld.idx.msk [tilespmem:v22+s3+$0x0], $0xffff  }
0x59: {  	v55 =	vor.u32 $0x6, v1;
	v2 =	vld.idx.msk [tilespmem:v50+s3+$0x0], $0xffff  }
0x5a: {  	v32 =	vor.u32 $0x7, v1;
	v3 =	vld.idx.msk [tilespmem:v51+s3+$0x0], $0xffff  }
0x5b: {  	v33 =	vadd.s32 $0x8, v1;
	v4 =	vld.idx.msk [tilespmem:v52+s3+$0x0], $0xffff  }
0x5c: {  	v34 =	vadd.s32 $0x9, v1;
	v5 =	vld.idx.msk [tilespmem:v53+s3+$0x0], $0xffff  }
0x5d: {  	v35 =	vadd.s32 $0xA, v1;
	v7 =	vld.idx.msk [tilespmem:v54+s3+$0x0], $0xffff  }
0x5e: {  	v36 =	vadd.s32 $0xB, v1;
	v8 =	vld.idx.msk [tilespmem:v55+s3+$0x0], $0xffff  }
0x5f: {  	v37 =	vadd.s32 $0xC, v1;
	v32 =	vld.idx.msk [tilespmem:v32+s3+$0x0], $0xffff  }
0x60: {  	v38 =	vadd.s32 $0xD, v1;
	v33 =	vld.idx.msk [tilespmem:v33+s3+$0x0], $0xffff  }
0x61: {  	v39 =	vadd.s32 $0xE, v1;
	v34 =	vld.idx.msk [tilespmem:v34+s3+$0x0], $0xffff  }
0x62: {  	v40 =	vadd.s32 $0xF, v1;
	v35 =	vld.idx.msk [tilespmem:v35+s3+$0x0], $0xffff  }
0x63: {  	v41 =	vadd.s32 $0x10, v1;
	v36 =	vld.idx.msk [tilespmem:v36+s3+$0x0], $0xffff  }
0x64: {  	v42 =	vadd.s32 $0x11, v1;
	v37 =	vld.idx.msk [tilespmem:v37+s3+$0x0], $0xffff  }
0x65: {  	[tilespmem:s22+$0xC440] =	vst v9;
	v43 =	vadd.s32 $0x12, v1;
	v38 =	vld.idx.msk [tilespmem:v38+s3+$0x0], $0xffff  }
0x66: {  	[tilespmem:s22+$0xC4C0] =	vst v10;
	v56 =	vadd.s32 $0x13, v1;
	v9 =	vld.idx.msk [tilespmem:v39+s3+$0x0], $0xffff  }
0x67: {  	[tilespmem:s22+$0xC540] =	vst v11;
	v57 =	vadd.s32 $0x14, v1;
	v10 =	vld.idx.msk [tilespmem:v40+s3+$0x0], $0xffff  }
0x68: {  	[tilespmem:s22+$0xC5C0] =	vst v12;
	v58 =	vadd.s32 $0x15, v1;
	v11 =	vld.idx.msk [tilespmem:v41+s3+$0x0], $0xffff  }
0x69: {  	[tilespmem:s22+$0xC640] =	vst v13;
	v59 =	vadd.s32 $0x16, v1;
	v12 =	vld.idx.msk [tilespmem:v42+s3+$0x0], $0xffff  }
0x6a: {  	[tilespmem:s22+$0xC6C0] =	vst v14;
	v60 =	vadd.s32 $0x17, v1;
	v13 =	vld.idx.msk [tilespmem:v43+s3+$0x0], $0xffff  }
0x6b: {  	[tilespmem:s22+$0xC740] =	vst v15;
	v61 =	vadd.s32 $0x18, v1;
	v14 =	vld.idx.msk [tilespmem:v56+s3+$0x0], $0xffff  }
0x6c: {  	[tilespmem:s22+$0xC7C0] =	vst v16;
	v62 =	vadd.s32 $0x19, v1;
	v15 =	vld.idx.msk [tilespmem:v57+s3+$0x0], $0xffff  }
0x6d: {  	[tilespmem:s22+$0xE440] =	vst v17;
	v63 =	vadd.s32 $0x1A, v1;
	v16 =	vld.idx.msk [tilespmem:v58+s3+$0x0], $0xffff  }
0x6e: {  	[tilespmem:s22+$0xE4C0] =	vst v18;
	v46 =	vadd.s32 $0x1B, v1;
	v18 =	vld.idx.msk [tilespmem:v59+s3+$0x0], $0xffff  }
0x6f: {  	[tilespmem:s22+$0xE540] =	vst v19;
	v47 =	vadd.s32 $0x1C, v1;
	v19 =	vld.idx.msk [tilespmem:v60+s3+$0x0], $0xffff  }
0x70: {  	[tilespmem:s22+$0xE5C0] =	vst v20;
	v48 =	vadd.s32 $0x1D, v1;
	v20 =	vld.idx.msk [tilespmem:v61+s3+$0x0], $0xffff  }
0x71: {  	[tilespmem:s22+$0xE640] =	vst v21;
	v49 =	vadd.s32 $0x1E, v1;
	v21 =	vld.idx.msk [tilespmem:v62+s3+$0x0], $0xffff  }
0x72: {  	[tilespmem:s22+$0xE740] =	vst v23;
	v1 =	vadd.s32 $0x1F, v1;
	v17 =	vld.idx.msk [tilespmem:v63+s3+$0x0], $0xffff  }
0x73: {  	[tilespmem:s22+$0xE7C0] =	vst v24;
	v23 =	vld.idx.msk [tilespmem:v46+s3+$0x0], $0xffff;
	v50 =	vor.u32 $0x1, v22  }
0x74: {  	[tilespmem:s22+$0x10440] =	vst v25;
	v24 =	vld.idx.msk [tilespmem:v47+s3+$0x0], $0xffff;
	v51 =	vor.u32 $0x2, v22  }
0x75: {  	[tilespmem:s22+$0x104C0] =	vst v26;
	v25 =	vld.idx.msk [tilespmem:v48+s3+$0x0], $0xffff;
	v52 =	vor.u32 $0x3, v22  }
0x76: {  	[tilespmem:s22+$0x10540] =	vst v27;
	v26 =	vld.idx.msk [tilespmem:v49+s3+$0x0], $0xffff;
	v53 =	vor.u32 $0x4, v22  }
0x77: {  	[tilespmem:s22+$0x10640] =	vst v29;
	v54 =	vor.u32 $0x5, v22;
	v1 =	vld.idx.msk [tilespmem:v1+s3+$0x0], $0xffff  }
0x78: {  	[tilespmem:s22+$0x106C0] =	vst v30;
	v55 =	vor.u32 $0x6, v22;
	v29 =	vld.idx.msk [tilespmem:v50+s3+$0x0], $0xffff  }
0x79: {  	[tilespmem:s22+$0x10740] =	vst v31;
	v56 =	vor.u32 $0x7, v22;
	v30 =	vld.idx.msk [tilespmem:v51+s3+$0x0], $0xffff  }
0x7a: {  	[tilespmem:s22+$0x107C0] =	vst v0;
	v57 =	vadd.s32 $0x8, v22;
	v31 =	vld.idx.msk [tilespmem:v52+s3+$0x0], $0xffff  }
0x7b: {  	v58 =	vadd.s32 $0x9, v22;
	[tilespmem:s22+$0xA450] =	vst v6;
	v0 =	vld.idx.msk [tilespmem:v53+s3+$0x0], $0xffff  }
0x7c: {  	v59 =	vadd.s32 $0xA, v22;
	v6 =	vld.idx.msk [tilespmem:v54+s3+$0x0], $0xffff;
	[tilespmem:s22+$0xA4D0] =	vst v2  }
0x7d: {  	v60 =	vadd.s32 $0xB, v22;
	v2 =	vld.idx.msk [tilespmem:v55+s3+$0x0], $0xffff;
	[tilespmem:s22+$0xA550] =	vst v3  }
0x7e: {  	v61 =	vadd.s32 $0xC, v22;
	v3 =	vld.idx.msk [tilespmem:v56+s3+$0x0], $0xffff;
	[tilespmem:s22+$0xA5D0] =	vst v4  }
0x7f: {  	v62 =	vadd.s32 $0xD, v22;
	v4 =	vld.idx.msk [tilespmem:v57+s3+$0x0], $0xffff;
	[tilespmem:s22+$0xA650] =	vst v5  }
0x80: {  	v63 =	vadd.s32 $0xE, v22;
	v5 =	vld.idx.msk [tilespmem:v58+s3+$0x0], $0xffff;
	[tilespmem:s22+$0xA6D0] =	vst v7  }
0x81: {  	v45 =	vadd.s32 $0xF, v22;
	v7 =	vld.idx.msk [tilespmem:v59+s3+$0x0], $0xffff;
	[tilespmem:s22+$0xA750] =	vst v8  }
0x82: {  	v46 =	vadd.s32 $0x10, v22;
	v8 =	vld.idx.msk [tilespmem:v60+s3+$0x0], $0xffff;
	[tilespmem:s22+$0xA7D0] =	vst v32  }
0x83: {  	v47 =	vadd.s32 $0x11, v22;
	v32 =	vld.idx.msk [tilespmem:v61+s3+$0x0], $0xffff;
	[tilespmem:s22+$0xC450] =	vst v33  }
0x84: {  	v48 =	vadd.s32 $0x12, v22;
	v33 =	vld.idx.msk [tilespmem:v62+s3+$0x0], $0xffff;
	[tilespmem:s22+$0xC4D0] =	vst v34  }
0x85: {  	v49 =	vadd.s32 $0x13, v22;
	v27 =	vld.idx.msk [tilespmem:v63+s3+$0x0], $0xffff;
	[tilespmem:s22+$0xC550] =	vst v35  }
0x86: {  	v35 =	vld.idx.msk [tilespmem:v45+s3+$0x0], $0xffff;
	[tilespmem:s22+$0xC5D0] =	vst v36  }
0x87: {  	v50 =	vadd.s32 $0x14, v22;
	v36 =	vld.idx.msk [tilespmem:v46+s3+$0x0], $0xffff;
	[tilespmem:s22+$0xC650] =	vst v37  }
0x88: {  	v51 =	vadd.s32 $0x15, v22;
	v37 =	vld.idx.msk [tilespmem:v47+s3+$0x0], $0xffff;
	[tilespmem:s22+$0xC6D0] =	vst v38  }
0x89: {  	v38 =	vld.idx.msk [tilespmem:v48+s3+$0x0], $0xffff;
	v52 =	vadd.s32 $0x16, v22;
	[tilespmem:s22+$0xC750] =	vst v9  }
0x8a: {  	v9 =	vld.idx.msk [tilespmem:v49+s3+$0x0], $0xffff;
	v53 =	vadd.s32 $0x17, v22;
	[tilespmem:s22+$0xC7D0] =	vst v10  }
0x8b: {  	v54 =	vadd.s32 $0x18, v22;
	[tilespmem:s22+$0xE450] =	vst v11;
	v57 =	vld [tilespmem:s23+$0x9C70]  }
0x8c: {  	v55 =	vadd.s32 $0x19, v22;
	[tilespmem:s22+$0xE4D0] =	vst v12;
	v10 =	vld.idx.msk [tilespmem:v50+s3+$0x0], $0xffff  }
0x8d: {  	v56 =	vadd.s32 $0x1A, v22;
	[tilespmem:s22+$0xE550] =	vst v13;
	v11 =	vld.idx.msk [tilespmem:v51+s3+$0x0], $0xffff  }
0x8e: {  	v58 =	vadd.s32 $0x1B, v22;
	[tilespmem:s22+$0xE5D0] =	vst v14;
	v13 =	vld.idx.msk [tilespmem:v52+s3+$0x0], $0xffff  }
0x8f: {  	v59 =	vadd.s32 $0x1C, v22;
	[tilespmem:s22+$0xE650] =	vst v15;
	v14 =	vld.idx.msk [tilespmem:v53+s3+$0x0], $0xffff  }
0x90: {  	v60 =	vadd.s32 $0x1D, v22;
	[tilespmem:s22+$0xE6D0] =	vst v16;
	v15 =	vld.idx.msk [tilespmem:v54+s3+$0x0], $0xffff  }
0x91: {  	v61 =	vadd.s32 $0x1E, v22;
	[tilespmem:s22+$0xE750] =	vst v18;
	v16 =	vld.idx.msk [tilespmem:v55+s3+$0x0], $0xffff  }
0x92: {  	v62 =	vadd.s32 $0x1F, v22;
	[tilespmem:s22+$0xE7D0] =	vst v19;
	v12 =	vld.idx.msk [tilespmem:v56+s3+$0x0], $0xffff;
	v22 =	vmul.u32 $0x28, v57  }
0x93: {  	[tilespmem:s22+$0x10450] =	vst v20;
	v19 =	vld.idx.msk [tilespmem:v58+s3+$0x0], $0xffff  }
0x94: {  	[tilespmem:s22+$0x104D0] =	vst v21;
	v20 =	vld.idx.msk [tilespmem:v59+s3+$0x0], $0xffff;
	v63 =	vor.u32 $0x1, v22  }
0x95: {  	[tilespmem:s22+$0x10550] =	vst v17;
	v21 =	vld.idx.msk [tilespmem:v60+s3+$0x0], $0xffff;
	v44 =	vor.u32 $0x2, v22  }
0x96: {  	[tilespmem:s22+$0x105D0] =	vst v23;
	v17 =	vld.idx.msk [tilespmem:v61+s3+$0x0], $0xffff;
	v45 =	vor.u32 $0x3, v22  }
0x97: {  	[tilespmem:s22+$0x10650] =	vst v24;
	v18 =	vld.idx.msk [tilespmem:v62+s3+$0x0], $0xffff;
	v46 =	vor.u32 $0x4, v22  }
0x98: {  	[tilespmem:s22+$0x106D0] =	vst v25;
	v47 =	vor.u32 $0x5, v22;
	v24 =	vld.idx.msk [tilespmem:v22+s3+$0x0], $0xffff  }
0x99: {  	[tilespmem:s22+$0x10750] =	vst v26;
	v48 =	vor.u32 $0x6, v22;
	v25 =	vld.idx.msk [tilespmem:v63+s3+$0x0], $0xffff  }
0x9a: {  	[tilespmem:s22+$0x107D0] =	vst v1;
	v49 =	vor.u32 $0x7, v22;
	v26 =	vld.idx.msk [tilespmem:v44+s3+$0x0], $0xffff  }
0x9b: {  	[tilespmem:s22+$0xA460] =	vst v28;
	v50 =	vadd.s32 $0x8, v22;
	v1 =	vld.idx.msk [tilespmem:v45+s3+$0x0], $0xffff  }
0x9c: {  	[tilespmem:s22+$0xA4E0] =	vst v29;
	v51 =	vadd.s32 $0x9, v22;
	v23 =	vld.idx.msk [tilespmem:v46+s3+$0x0], $0xffff  }
0x9d: {  	[tilespmem:s22+$0xA560] =	vst v30;
	v52 =	vadd.s32 $0xA, v22;
	v29 =	vld.idx.msk [tilespmem:v47+s3+$0x0], $0xffff  }
0x9e: {  	[tilespmem:s22+$0xA5E0] =	vst v31;
	v53 =	vadd.s32 $0xB, v22;
	v30 =	vld.idx.msk [tilespmem:v48+s3+$0x0], $0xffff  }
0x9f: {  	[tilespmem:s22+$0xA660] =	vst v0;
	v54 =	vadd.s32 $0xC, v22;
	v31 =	vld.idx.msk [tilespmem:v49+s3+$0x0], $0xffff  }
0xa0: {  	[tilespmem:s22+$0xA6E0] =	vst v6;
	v55 =	vadd.s32 $0xD, v22;
	v0 =	vld.idx.msk [tilespmem:v50+s3+$0x0], $0xffff  }
0xa1: {  	[tilespmem:s22+$0xA760] =	vst v2;
	v56 =	vadd.s32 $0xE, v22;
	v6 =	vld.idx.msk [tilespmem:v51+s3+$0x0], $0xffff  }
0xa2: {  	[tilespmem:s22+$0xA7E0] =	vst v3;
	v57 =	vadd.s32 $0xF, v22;
	v2 =	vld.idx.msk [tilespmem:v52+s3+$0x0], $0xffff  }
0xa3: {  	[tilespmem:s22+$0xC460] =	vst v4;
	v58 =	vadd.s32 $0x10, v22;
	v3 =	vld.idx.msk [tilespmem:v53+s3+$0x0], $0xffff  }
0xa4: {  	[tilespmem:s22+$0xC4E0] =	vst v5;
	v59 =	vadd.s32 $0x11, v22;
	v4 =	vld.idx.msk [tilespmem:v54+s3+$0x0], $0xffff  }
0xa5: {  	[tilespmem:s22+$0xC560] =	vst v7;
	v60 =	vadd.s32 $0x12, v22;
	v5 =	vld.idx.msk [tilespmem:v55+s3+$0x0], $0xffff  }
0xa6: {  	[tilespmem:s22+$0xC5E0] =	vst v8;
	v61 =	vadd.s32 $0x13, v22;
	v7 =	vld.idx.msk [tilespmem:v56+s3+$0x0], $0xffff  }
0xa7: {  	[tilespmem:s22+$0xC660] =	vst v32;
	v62 =	vadd.s32 $0x14, v22;
	v8 =	vld.idx.msk [tilespmem:v57+s3+$0x0], $0xffff  }
0xa8: {  	[tilespmem:s22+$0xC6E0] =	vst v33;
	v32 =	vld.idx.msk [tilespmem:v58+s3+$0x0], $0xffff  }
0xa9: {  	[tilespmem:s22+$0xC760] =	vst v27;
	v63 =	vadd.s32 $0x15, v22;
	v33 =	vld.idx.msk [tilespmem:v59+s3+$0x0], $0xffff  }
0xaa: {  	[tilespmem:s22+$0xC7E0] =	vst v35;
	v27 =	vld.idx.msk [tilespmem:v60+s3+$0x0], $0xffff;
	v44 =	vadd.s32 $0x16, v22  }
0xab: {  	[tilespmem:s22+$0xE460] =	vst v36;
	v28 =	vld.idx.msk [tilespmem:v61+s3+$0x0], $0xffff;
	v45 =	vadd.s32 $0x17, v22  }
0xac: {  	[tilespmem:s22+$0xE4E0] =	vst v37;
	v36 =	vld.idx.msk [tilespmem:v62+s3+$0x0], $0xffff;
	v46 =	vadd.s32 $0x18, v22  }
0xad: {  	[tilespmem:s22+$0xE560] =	vst v38;
	v47 =	vadd.s32 $0x19, v22;
	v49 =	vld [tilespmem:s23+$0x9C80]  }
0xae: {  	[tilespmem:s22+$0xE5E0] =	vst v9;
	v48 =	vadd.s32 $0x1A, v22;
	v34 =	vld.idx.msk [tilespmem:v63+s3+$0x0], $0xffff  }
0xaf: {  	[tilespmem:s22+$0xE660] =	vst v10;
	v50 =	vadd.s32 $0x1B, v22;
	v9 =	vld.idx.msk [tilespmem:v44+s3+$0x0], $0xffff  }
0xb0: {  	[tilespmem:s22+$0xE6E0] =	vst v11;
	v51 =	vadd.s32 $0x1C, v22;
	v10 =	vld.idx.msk [tilespmem:v45+s3+$0x0], $0xffff  }
0xb1: {  	[tilespmem:s22+$0xE760] =	vst v13;
	v52 =	vadd.s32 $0x1D, v22;
	v11 =	vld.idx.msk [tilespmem:v46+s3+$0x0], $0xffff  }
0xb2: {  	[tilespmem:s22+$0xE7E0] =	vst v14;
	v53 =	vadd.s32 $0x1E, v22;
	v13 =	vld.idx.msk [tilespmem:v47+s3+$0x0], $0xffff  }
0xb3: {  	[tilespmem:s22+$0x10460] =	vst v15;
	v22 =	vadd.s32 $0x1F, v22;
	v14 =	vld.idx.msk [tilespmem:v48+s3+$0x0], $0xffff;
	v38 =	vmul.u32 $0x28, v49  }
0xb4: {  	[tilespmem:s22+$0x104E0] =	vst v16;
	v15 =	vld.idx.msk [tilespmem:v50+s3+$0x0], $0xffff  }
0xb5: {  	[tilespmem:s22+$0x10560] =	vst v12;
	v16 =	vld.idx.msk [tilespmem:v51+s3+$0x0], $0xffff;
	v54 =	vor.u32 $0x1, v38  }
0xb6: {  	[tilespmem:s22+$0x105E0] =	vst v19;
	v12 =	vld.idx.msk [tilespmem:v52+s3+$0x0], $0xffff;
	v55 =	vor.u32 $0x2, v38  }
0xb7: {  	[tilespmem:s22+$0x10660] =	vst v20;
	v19 =	vld.idx.msk [tilespmem:v53+s3+$0x0], $0xffff;
	v56 =	vor.u32 $0x3, v38  }
0xb8: {  	[tilespmem:s22+$0x106E0] =	vst v21;
	v20 =	vld.idx.msk [tilespmem:v22+s3+$0x0], $0xffff;
	v57 =	vor.u32 $0x4, v38  }
0xb9: {  	[tilespmem:s22+$0x10760] =	vst v17;
	v58 =	vor.u32 $0x5, v38;
	v21 =	vld.idx.msk [tilespmem:v38+s3+$0x0], $0xffff  }
0xba: {  	[tilespmem:s22+$0x107E0] =	vst v18;
	v59 =	vor.u32 $0x6, v38;
	v17 =	vld.idx.msk [tilespmem:v54+s3+$0x0], $0xffff  }
0xbb: {  	[tilespmem:s22+$0xA470] =	vst v24;
	v60 =	vor.u32 $0x7, v38;
	v18 =	vld.idx.msk [tilespmem:v55+s3+$0x0], $0xffff  }
0xbc: {  	[tilespmem:s22+$0xA4F0] =	vst v25;
	v61 =	vadd.s32 $0x8, v38;
	v24 =	vld.idx.msk [tilespmem:v56+s3+$0x0], $0xffff  }
0xbd: {  	[tilespmem:s22+$0xA570] =	vst v26;
	v62 =	vadd.s32 $0x9, v38;
	v22 =	vld.idx.msk [tilespmem:v57+s3+$0x0], $0xffff  }
0xbe: {  	[tilespmem:s22+$0xA5F0] =	vst v1;
	v63 =	vadd.s32 $0xA, v38;
	v26 =	vld.idx.msk [tilespmem:v58+s3+$0x0], $0xffff  }
0xbf: {  	[tilespmem:s22+$0xA670] =	vst v23;
	v44 =	vadd.s32 $0xB, v38;
	v1 =	vld.idx.msk [tilespmem:v59+s3+$0x0], $0xffff  }
0xc0: {  	[tilespmem:s22+$0xA6F0] =	vst v29;
	v45 =	vadd.s32 $0xC, v38;
	v23 =	vld.idx.msk [tilespmem:v60+s3+$0x0], $0xffff  }
0xc1: {  	[tilespmem:s22+$0xA770] =	vst v30;
	v46 =	vadd.s32 $0xD, v38;
	v29 =	vld.idx.msk [tilespmem:v61+s3+$0x0], $0xffff  }
0xc2: {  	[tilespmem:s22+$0xA7F0] =	vst v31;
	v47 =	vadd.s32 $0xE, v38;
	v25 =	vld.idx.msk [tilespmem:v62+s3+$0x0], $0xffff  }
0xc3: {  	[tilespmem:s22+$0xC470] =	vst v0;
	v48 =	vadd.s32 $0xF, v38;
	v31 =	vld.idx.msk [tilespmem:v63+s3+$0x0], $0xffff  }
0xc4: {  	[tilespmem:s22+$0xC4F0] =	vst v6;
	v49 =	vadd.s32 $0x10, v38;
	v0 =	vld.idx.msk [tilespmem:v44+s3+$0x0], $0xffff  }
0xc5: {  	[tilespmem:s22+$0xC570] =	vst v2;
	v50 =	vadd.s32 $0x11, v38;
	v6 =	vld.idx.msk [tilespmem:v45+s3+$0x0], $0xffff  }
0xc6: {  	[tilespmem:s22+$0xC5F0] =	vst v3;
	v51 =	vadd.s32 $0x12, v38;
	v2 =	vld.idx.msk [tilespmem:v46+s3+$0x0], $0xffff  }
0xc7: {  	[tilespmem:s22+$0xC670] =	vst v4;
	v52 =	vadd.s32 $0x13, v38;
	v3 =	vld.idx.msk [tilespmem:v47+s3+$0x0], $0xffff  }
0xc8: {  	[tilespmem:s22+$0xC6F0] =	vst v5;
	v53 =	vadd.s32 $0x14, v38;
	v4 =	vld.idx.msk [tilespmem:v48+s3+$0x0], $0xffff  }
0xc9: {  	[tilespmem:s22+$0xC770] =	vst v7;
	v5 =	vld.idx.msk [tilespmem:v49+s3+$0x0], $0xffff  }
0xca: {  	[tilespmem:s22+$0xC7F0] =	vst v8;
	v42 =	vadd.s32 $0x1E, v38;
	v7 =	vld.idx.msk [tilespmem:v50+s3+$0x0], $0xffff  }
0xcb: {  	[tilespmem:s22+$0xE470] =	vst v32;
	v43 =	vadd.s32 $0x1F, v38;
	v8 =	vld.idx.msk [tilespmem:v51+s3+$0x0], $0xffff  }
0xcc: {  	[tilespmem:s22+$0xE4F0] =	vst v33;
	v54 =	vadd.s32 $0x15, v38;
	v30 =	vld.idx.msk [tilespmem:v52+s3+$0x0], $0xffff  }
0xcd: {  	[tilespmem:s22+$0xE570] =	vst v27;
	v55 =	vadd.s32 $0x16, v38;
	v33 =	vld.idx.msk [tilespmem:v53+s3+$0x0], $0xffff  }
0xce: {  	[tilespmem:s22+$0xE5F0] =	vst v28;
	v56 =	vadd.s32 $0x17, v38;
	v60 =	vld [tilespmem:s23+$0x9C90]  }
0xcf: {  	[tilespmem:s22+$0x10670] =	vst v16;
	v57 =	vadd.s32 $0x18, v38;
	v16 =	vld.idx.msk [tilespmem:v42+s3+$0x0], $0xffff  }
0xd0: {  	[tilespmem:s22+$0x106F0] =	vst v12;
	v58 =	vadd.s32 $0x19, v38;
	v12 =	vld.idx.msk [tilespmem:v43+s3+$0x0], $0xffff  }
0xd1: {  	[tilespmem:s22+$0xE670] =	vst v36;
	v59 =	vadd.s32 $0x1A, v38;
	v27 =	vld.idx.msk [tilespmem:v54+s3+$0x0], $0xffff  }
0xd2: {  	[tilespmem:s22+$0xE6F0] =	vst v34;
	v61 =	vadd.s32 $0x1B, v38;
	v36 =	vld.idx.msk [tilespmem:v55+s3+$0x0], $0xffff  }
0xd3: {  	[tilespmem:s22+$0xE770] =	vst v9;
	v62 =	vadd.s32 $0x1C, v38;
	v32 =	vld.idx.msk [tilespmem:v56+s3+$0x0], $0xffff  }
0xd4: {  	[tilespmem:s22+$0xE7F0] =	vst v10;
	v63 =	vadd.s32 $0x1D, v38;
	v9 =	vld.idx.msk [tilespmem:v57+s3+$0x0], $0xffff;
	v38 =	vmul.u32 $0x28, v60  }
0xd5: {  	[tilespmem:s22+$0x10470] =	vst v11;
	v10 =	vld.idx.msk [tilespmem:v58+s3+$0x0], $0xffff  }
0xd6: {  	[tilespmem:s22+$0x104F0] =	vst v13;
	v11 =	vld.idx.msk [tilespmem:v59+s3+$0x0], $0xffff;
	v44 =	vor.u32 $0x1, v38  }
0xd7: {  	[tilespmem:s22+$0x10570] =	vst v14;
	v13 =	vld.idx.msk [tilespmem:v61+s3+$0x0], $0xffff;
	v45 =	vor.u32 $0x2, v38  }
0xd8: {  	[tilespmem:s22+$0x105F0] =	vst v15;
	v14 =	vld.idx.msk [tilespmem:v62+s3+$0x0], $0xffff;
	v46 =	vor.u32 $0x3, v38  }
0xd9: {  	[tilespmem:s22+$0x10770] =	vst v19;
	v15 =	vld.idx.msk [tilespmem:v63+s3+$0x0], $0xffff;
	v47 =	vor.u32 $0x4, v38  }
0xda: {  	[tilespmem:s22+$0x107F0] =	vst v20;
	v48 =	vor.u32 $0x5, v38;
	v19 =	vld.idx.msk [tilespmem:v38+s3+$0x0], $0xffff  }
0xdb: {  	[tilespmem:s22+$0xA480] =	vst v21;
	v49 =	vor.u32 $0x6, v38;
	v20 =	vld.idx.msk [tilespmem:v44+s3+$0x0], $0xffff  }
0xdc: {  	[tilespmem:s22+$0xA500] =	vst v17;
	v50 =	vor.u32 $0x7, v38;
	v21 =	vld.idx.msk [tilespmem:v45+s3+$0x0], $0xffff  }
0xdd: {  	[tilespmem:s22+$0xA580] =	vst v18;
	v51 =	vadd.s32 $0x8, v38;
	v17 =	vld.idx.msk [tilespmem:v46+s3+$0x0], $0xffff  }
0xde: {  	[tilespmem:s22+$0xA600] =	vst v24;
	v52 =	vadd.s32 $0x9, v38;
	v18 =	vld.idx.msk [tilespmem:v47+s3+$0x0], $0xffff  }
0xdf: {  	[tilespmem:s22+$0xA680] =	vst v22;
	v53 =	vadd.s32 $0xA, v38;
	v24 =	vld.idx.msk [tilespmem:v48+s3+$0x0], $0xffff  }
0xe0: {  	[tilespmem:s22+$0xA700] =	vst v26;
	v54 =	vadd.s32 $0xB, v38;
	v22 =	vld.idx.msk [tilespmem:v49+s3+$0x0], $0xffff  }
0xe1: {  	[tilespmem:s22+$0xA780] =	vst v1;
	v55 =	vadd.s32 $0xC, v38;
	v26 =	vld.idx.msk [tilespmem:v50+s3+$0x0], $0xffff  }
0xe2: {  	[tilespmem:s22+$0xA800] =	vst v23;
	v56 =	vadd.s32 $0xD, v38;
	v1 =	vld.idx.msk [tilespmem:v51+s3+$0x0], $0xffff  }
0xe3: {  	[tilespmem:s22+$0xC480] =	vst v29;
	v57 =	vadd.s32 $0xE, v38;
	v23 =	vld.idx.msk [tilespmem:v52+s3+$0x0], $0xffff  }
0xe4: {  	[tilespmem:s22+$0xC500] =	vst v25;
	v58 =	vadd.s32 $0xF, v38;
	v29 =	vld.idx.msk [tilespmem:v53+s3+$0x0], $0xffff  }
0xe5: {  	[tilespmem:s22+$0xC580] =	vst v31;
	v59 =	vadd.s32 $0x10, v38;
	v25 =	vld.idx.msk [tilespmem:v54+s3+$0x0], $0xffff  }
0xe6: {  	[tilespmem:s22+$0xC600] =	vst v0;
	v60 =	vadd.s32 $0x11, v38;
	v31 =	vld.idx.msk [tilespmem:v55+s3+$0x0], $0xffff  }
0xe7: {  	[tilespmem:s22+$0xC680] =	vst v6;
	v61 =	vadd.s32 $0x12, v38;
	v0 =	vld.idx.msk [tilespmem:v56+s3+$0x0], $0xffff  }
0xe8: {  	[tilespmem:s22+$0xC700] =	vst v2;
	v62 =	vadd.s32 $0x13, v38;
	v6 =	vld.idx.msk [tilespmem:v57+s3+$0x0], $0xffff  }
0xe9: {  	[tilespmem:s22+$0xC780] =	vst v3;
	v63 =	vadd.s32 $0x14, v38;
	v2 =	vld.idx.msk [tilespmem:v58+s3+$0x0], $0xffff  }
0xea: {  	[tilespmem:s22+$0xC800] =	vst v4;
	v41 =	vadd.s32 $0x15, v38;
	v3 =	vld.idx.msk [tilespmem:v59+s3+$0x0], $0xffff  }
0xeb: {  	[tilespmem:s22+$0xE480] =	vst v5;
	v4 =	vld.idx.msk [tilespmem:v60+s3+$0x0], $0xffff  }
0xec: {  	[tilespmem:s22+$0xE500] =	vst v7;
	v42 =	vadd.s32 $0x16, v38;
	v5 =	vld.idx.msk [tilespmem:v61+s3+$0x0], $0xffff  }
0xed: {  	[tilespmem:s22+$0xE580] =	vst v8;
	v43 =	vadd.s32 $0x17, v38;
	v7 =	vld.idx.msk [tilespmem:v62+s3+$0x0], $0xffff  }
0xee: {  	[tilespmem:s22+$0xE600] =	vst v30;
	v8 =	vld.idx.msk [tilespmem:v63+s3+$0x0], $0xffff;
	v44 =	vadd.s32 $0x18, v38  }
0xef: {  	[tilespmem:s22+$0xE680] =	vst v33;
	v30 =	vld.idx.msk [tilespmem:v41+s3+$0x0], $0xffff;
	v45 =	vadd.s32 $0x19, v38  }
0xf0: {  	[tilespmem:s22+$0x10780] =	vst v16;
	v46 =	vadd.s32 $0x1A, v38;
	v47 =	vld [tilespmem:s23+$0x9CA0]  }
0xf1: {  	[tilespmem:s22+$0xE700] =	vst v27;
	v27 =	vld.idx.msk [tilespmem:v42+s3+$0x0], $0xffff;
	v48 =	vadd.s32 $0x1B, v38  }
0xf2: {  	[tilespmem:s22+$0x10800] =	vst v12;
	v28 =	vld.idx.msk [tilespmem:v43+s3+$0x0], $0xffff;
	v49 =	vadd.s32 $0x1C, v38  }
0xf3: {  	[tilespmem:s22+$0xE800] =	vst v32;
	v50 =	vadd.s32 $0x1D, v38;
	v32 =	vld.idx.msk [tilespmem:v44+s3+$0x0], $0xffff  }
0xf4: {  	[tilespmem:s22+$0x10480] =	vst v9;
	v51 =	vadd.s32 $0x1E, v38;
	v9 =	vld.idx.msk [tilespmem:v45+s3+$0x0], $0xffff  }
0xf5: {  	[tilespmem:s22+$0x10500] =	vst v10;
	v52 =	vadd.s32 $0x1F, v38;
	v10 =	vld.idx.msk [tilespmem:v46+s3+$0x0], $0xffff;
	v38 =	vmul.u32 $0x28, v47  }
0xf6: {  	[tilespmem:s22+$0x10580] =	vst v11;
	v11 =	vld.idx.msk [tilespmem:v48+s3+$0x0], $0xffff  }
0xf7: {  	[tilespmem:s22+$0x10600] =	vst v13;
	v13 =	vld.idx.msk [tilespmem:v49+s3+$0x0], $0xffff;
	v53 =	vor.u32 $0x1, v38  }
0xf8: {  	[tilespmem:s22+$0x10680] =	vst v14;
	v14 =	vld.idx.msk [tilespmem:v50+s3+$0x0], $0xffff;
	v54 =	vor.u32 $0x2, v38  }
0xf9: {  	[tilespmem:s22+$0x10700] =	vst v15;
	v15 =	vld.idx.msk [tilespmem:v51+s3+$0x0], $0xffff;
	v55 =	vor.u32 $0x3, v38  }
0xfa: {  	[tilespmem:s22+$0xE780] =	vst v36;
	v16 =	vld.idx.msk [tilespmem:v52+s3+$0x0], $0xffff;
	v56 =	vor.u32 $0x4, v38  }
0xfb: {  	[tilespmem:s22+$0xA490] =	vst v19;
	v57 =	vor.u32 $0x5, v38;
	v12 =	vld.idx.msk [tilespmem:v38+s3+$0x0], $0xffff  }
0xfc: {  	[tilespmem:s22+$0xA510] =	vst v20;
	v58 =	vor.u32 $0x6, v38;
	v19 =	vld.idx.msk [tilespmem:v53+s3+$0x0], $0xffff  }
0xfd: {  	[tilespmem:s22+$0xA590] =	vst v21;
	v59 =	vor.u32 $0x7, v38;
	v20 =	vld.idx.msk [tilespmem:v54+s3+$0x0], $0xffff  }
0xfe: {  	[tilespmem:s22+$0xA610] =	vst v17;
	v60 =	vadd.s32 $0x8, v38;
	v21 =	vld.idx.msk [tilespmem:v55+s3+$0x0], $0xffff  }
0xff: {  	[tilespmem:s22+$0xA690] =	vst v18;
	v61 =	vadd.s32 $0x9, v38;
	v17 =	vld.idx.msk [tilespmem:v56+s3+$0x0], $0xffff  }
0x100: {  	[tilespmem:s22+$0xA710] =	vst v24;
	v62 =	vadd.s32 $0xA, v38;
	v18 =	vld.idx.msk [tilespmem:v57+s3+$0x0], $0xffff  }
0x101: {  	[tilespmem:s22+$0xA790] =	vst v22;
	v63 =	vadd.s32 $0xB, v38;
	v24 =	vld.idx.msk [tilespmem:v58+s3+$0x0], $0xffff  }
0x102: {  	[tilespmem:s22+$0xA810] =	vst v26;
	v40 =	vadd.s32 $0xC, v38;
	v22 =	vld.idx.msk [tilespmem:v59+s3+$0x0], $0xffff  }
0x103: {  	[tilespmem:s22+$0xC490] =	vst v1;
	v41 =	vadd.s32 $0xD, v38;
	v26 =	vld.idx.msk [tilespmem:v60+s3+$0x0], $0xffff  }
0x104: {  	[tilespmem:s22+$0xC510] =	vst v23;
	v42 =	vadd.s32 $0xE, v38;
	v1 =	vld.idx.msk [tilespmem:v61+s3+$0x0], $0xffff  }
0x105: {  	[tilespmem:s22+$0xC590] =	vst v29;
	v43 =	vadd.s32 $0xF, v38;
	v23 =	vld.idx.msk [tilespmem:v62+s3+$0x0], $0xffff  }
0x106: {  	[tilespmem:s22+$0xC610] =	vst v25;
	v44 =	vadd.s32 $0x10, v38;
	v29 =	vld.idx.msk [tilespmem:v63+s3+$0x0], $0xffff  }
0x107: {  	[tilespmem:s22+$0xC690] =	vst v31;
	v45 =	vadd.s32 $0x11, v38;
	v25 =	vld.idx.msk [tilespmem:v40+s3+$0x0], $0xffff  }
0x108: {  	[tilespmem:s22+$0xC710] =	vst v0;
	v46 =	vadd.s32 $0x12, v38;
	v31 =	vld.idx.msk [tilespmem:v41+s3+$0x0], $0xffff  }
0x109: {  	[tilespmem:s22+$0xC790] =	vst v6;
	v47 =	vadd.s32 $0x13, v38;
	v0 =	vld.idx.msk [tilespmem:v42+s3+$0x0], $0xffff  }
0x10a: {  	[tilespmem:s22+$0xC810] =	vst v2;
	v48 =	vadd.s32 $0x14, v38;
	v6 =	vld.idx.msk [tilespmem:v43+s3+$0x0], $0xffff  }
0x10b: {  	[tilespmem:s22+$0xE490] =	vst v3;
	v49 =	vadd.s32 $0x15, v38;
	v2 =	vld.idx.msk [tilespmem:v44+s3+$0x0], $0xffff  }
0x10c: {  	[tilespmem:s22+$0xE510] =	vst v4;
	v3 =	vld.idx.msk [tilespmem:v45+s3+$0x0], $0xffff  }
0x10d: {  	[tilespmem:s22+$0xE590] =	vst v5;
	v50 =	vadd.s32 $0x16, v38;
	v4 =	vld.idx.msk [tilespmem:v46+s3+$0x0], $0xffff  }
0x10e: {  	[tilespmem:s22+$0xE610] =	vst v7;
	v51 =	vadd.s32 $0x17, v38;
	v5 =	vld.idx.msk [tilespmem:v47+s3+$0x0], $0xffff  }
0x10f: {  	[tilespmem:s22+$0xE690] =	vst v8;
	v52 =	vadd.s32 $0x18, v38;
	v7 =	vld.idx.msk [tilespmem:v48+s3+$0x0], $0xffff  }
0x110: {  	[tilespmem:s22+$0xE710] =	vst v30;
	v8 =	vld.idx.msk [tilespmem:v49+s3+$0x0], $0xffff;
	v53 =	vadd.s32 $0x19, v38  }
0x111: {  	[tilespmem:s22+$0xE790] =	vst v27;
	v54 =	vadd.s32 $0x1A, v38;
	v55 =	vld [tilespmem:s23+$0x9CB0]  }
0x112: {  	[tilespmem:s22+$0xE810] =	vst v28;
	v27 =	vld.idx.msk [tilespmem:v50+s3+$0x0], $0xffff;
	v56 =	vadd.s32 $0x1B, v38  }
0x113: {  	[tilespmem:s22+$0x10490] =	vst v32;
	v28 =	vld.idx.msk [tilespmem:v51+s3+$0x0], $0xffff;
	v57 =	vadd.s32 $0x1C, v38  }
0x114: {  	[tilespmem:s22+$0x10510] =	vst v9;
	v32 =	vld.idx.msk [tilespmem:v52+s3+$0x0], $0xffff;
	v58 =	vadd.s32 $0x1D, v38  }
0x115: {  	[tilespmem:s22+$0x10590] =	vst v10;
	v59 =	vadd.s32 $0x1E, v38;
	v9 =	vld.idx.msk [tilespmem:v53+s3+$0x0], $0xffff  }
0x116: {  	[tilespmem:s22+$0x10610] =	vst v11;
	v60 =	vadd.s32 $0x1F, v38;
	v10 =	vld.idx.msk [tilespmem:v54+s3+$0x0], $0xffff;
	v37 =	vmul.u32 $0x28, v55  }
0x117: {  	[tilespmem:s22+$0x10690] =	vst v13;
	v11 =	vld.idx.msk [tilespmem:v56+s3+$0x0], $0xffff  }
0x118: {  	[tilespmem:s22+$0x10710] =	vst v14;
	v13 =	vld.idx.msk [tilespmem:v57+s3+$0x0], $0xffff;
	v61 =	vor.u32 $0x1, v37  }
0x119: {  	[tilespmem:s22+$0x10790] =	vst v15;
	v14 =	vld.idx.msk [tilespmem:v58+s3+$0x0], $0xffff;
	v62 =	vor.u32 $0x2, v37  }
0x11a: {  	[tilespmem:s22+$0x10810] =	vst v16;
	v15 =	vld.idx.msk [tilespmem:v59+s3+$0x0], $0xffff;
	v63 =	vor.u32 $0x3, v37  }
0x11b: {  	v16 =	vld.idx.msk [tilespmem:v60+s3+$0x0], $0xffff;
	[tilespmem:s22+$0xA4A0] =	vst v12;
	v40 =	vor.u32 $0x4, v37  }
0x11c: {  	[tilespmem:s22+$0xA520] =	vst v19;
	v41 =	vor.u32 $0x5, v37;
	v12 =	vld.idx.msk [tilespmem:v37+s3+$0x0], $0xffff  }
0x11d: {  	[tilespmem:s22+$0xA5A0] =	vst v20;
	v42 =	vor.u32 $0x6, v37;
	v19 =	vld.idx.msk [tilespmem:v61+s3+$0x0], $0xffff  }
0x11e: {  	[tilespmem:s22+$0xA620] =	vst v21;
	v43 =	vor.u32 $0x7, v37;
	v20 =	vld.idx.msk [tilespmem:v62+s3+$0x0], $0xffff  }
0x11f: {  	[tilespmem:s22+$0xA6A0] =	vst v17;
	v44 =	vadd.s32 $0x8, v37;
	v21 =	vld.idx.msk [tilespmem:v63+s3+$0x0], $0xffff  }
0x120: {  	[tilespmem:s22+$0xA720] =	vst v18;
	v45 =	vadd.s32 $0x9, v37;
	v17 =	vld.idx.msk [tilespmem:v40+s3+$0x0], $0xffff  }
0x121: {  	[tilespmem:s22+$0xA7A0] =	vst v24;
	v46 =	vadd.s32 $0xA, v37;
	v18 =	vld.idx.msk [tilespmem:v41+s3+$0x0], $0xffff  }
0x122: {  	[tilespmem:s22+$0xA820] =	vst v22;
	v47 =	vadd.s32 $0xB, v37;
	v24 =	vld.idx.msk [tilespmem:v42+s3+$0x0], $0xffff  }
0x123: {  	[tilespmem:s22+$0xC4A0] =	vst v26;
	v48 =	vadd.s32 $0xC, v37;
	v22 =	vld.idx.msk [tilespmem:v43+s3+$0x0], $0xffff  }
0x124: {  	[tilespmem:s22+$0xC520] =	vst v1;
	v49 =	vadd.s32 $0xD, v37;
	v26 =	vld.idx.msk [tilespmem:v44+s3+$0x0], $0xffff  }
0x125: {  	[tilespmem:s22+$0xC5A0] =	vst v23;
	v50 =	vadd.s32 $0xE, v37;
	v1 =	vld.idx.msk [tilespmem:v45+s3+$0x0], $0xffff  }
0x126: {  	[tilespmem:s22+$0xC620] =	vst v29;
	v51 =	vadd.s32 $0xF, v37;
	v23 =	vld.idx.msk [tilespmem:v46+s3+$0x0], $0xffff  }
0x127: {  	[tilespmem:s22+$0xC6A0] =	vst v25;
	v52 =	vadd.s32 $0x10, v37;
	v29 =	vld.idx.msk [tilespmem:v47+s3+$0x0], $0xffff  }
0x128: {  	[tilespmem:s22+$0xC720] =	vst v31;
	v53 =	vadd.s32 $0x11, v37;
	v25 =	vld.idx.msk [tilespmem:v48+s3+$0x0], $0xffff  }
0x129: {  	[tilespmem:s22+$0xC7A0] =	vst v0;
	v54 =	vadd.s32 $0x12, v37;
	v31 =	vld.idx.msk [tilespmem:v49+s3+$0x0], $0xffff  }
0x12a: {  	[tilespmem:s22+$0xC820] =	vst v6;
	v55 =	vadd.s32 $0x13, v37;
	v0 =	vld.idx.msk [tilespmem:v50+s3+$0x0], $0xffff  }
0x12b: {  	[tilespmem:s22+$0xE4A0] =	vst v2;
	v56 =	vadd.s32 $0x14, v37;
	v6 =	vld.idx.msk [tilespmem:v51+s3+$0x0], $0xffff  }
0x12c: {  	[tilespmem:s22+$0xE520] =	vst v3;
	v57 =	vadd.s32 $0x15, v37;
	v2 =	vld.idx.msk [tilespmem:v52+s3+$0x0], $0xffff  }
0x12d: {  	[tilespmem:s22+$0xE5A0] =	vst v4;
	v58 =	vadd.s32 $0x16, v37;
	v3 =	vld.idx.msk [tilespmem:v53+s3+$0x0], $0xffff  }
0x12e: {  	[tilespmem:s22+$0xE620] =	vst v5;
	v59 =	vadd.s32 $0x17, v37;
	v4 =	vld.idx.msk [tilespmem:v54+s3+$0x0], $0xffff  }
0x12f: {  	[tilespmem:s22+$0xE6A0] =	vst v7;
	v60 =	vadd.s32 $0x18, v37;
	v5 =	vld.idx.msk [tilespmem:v55+s3+$0x0], $0xffff  }
0x130: {  	[tilespmem:s22+$0xE720] =	vst v8;
	v7 =	vld.idx.msk [tilespmem:v56+s3+$0x0], $0xffff;
	v61 =	vadd.s32 $0x19, v37  }
0x131: {  	[tilespmem:s22+$0xE7A0] =	vst v27;
	v8 =	vld.idx.msk [tilespmem:v57+s3+$0x0], $0xffff;
	v62 =	vadd.s32 $0x1A, v37  }
0x132: {  	[tilespmem:s22+$0xE820] =	vst v28;
	v27 =	vld.idx.msk [tilespmem:v58+s3+$0x0], $0xffff;
	v63 =	vadd.s32 $0x1B, v37  }
0x133: {  	[tilespmem:s22+$0x104A0] =	vst v32;
	v40 =	vld.idx.msk [tilespmem:v59+s3+$0x0], $0xffff;
	v41 =	vadd.s32 $0x1C, v37  }
0x134: {  	[tilespmem:s22+$0x10520] =	vst v9;
	v30 =	vld.idx.msk [tilespmem:v60+s3+$0x0], $0xffff;
	v42 =	vadd.s32 $0x1D, v37  }
0x135: {  	[tilespmem:s22+$0x105A0] =	vst v10;
	v44 =	vadd.s32 $0x1E, v37;
	v43 =	vld.idx.msk [tilespmem:v61+s3+$0x0], $0xffff  }
0x136: {  	[tilespmem:s22+$0x10620] =	vst v11;
	v46 =	vadd.s32 $0x1F, v37;
	v45 =	vld.idx.msk [tilespmem:v62+s3+$0x0], $0xffff  }
0x137: {  	[tilespmem:s22+$0x106A0] =	vst v13;
	v47 =	vld.idx.msk [tilespmem:v63+s3+$0x0], $0xffff  }
0x138: {  	[tilespmem:s22+$0x10720] =	vst v14;
	v48 =	vld.idx.msk [tilespmem:v41+s3+$0x0], $0xffff  }
0x139: {  	[tilespmem:s22+$0x107A0] =	vst v15;
	v49 =	vld.idx.msk [tilespmem:v42+s3+$0x0], $0xffff  }
0x13a: {  	s30 =	sor.u32 $0x8, s21;
	[tilespmem:s22+$0x10820] =	vst v16;
	v50 =	vld.idx.msk [tilespmem:v44+s3+$0x0], $0xffff  }
0x13b: {  	s0 =	sshll.u32 s30, $0x4;
	v51 =	vld.idx.msk [tilespmem:v46+s3+$0x0], $0xffff;
	[tilespmem:s22+$0xA4B0] =	vst v12  }
0x13c: {  	s23 =	sand.u32 $0x3FFFFFF0, s0;
	[tilespmem:s22+$0xA530] =	vst v19  }
0x13d: {  	v52 =	vld [tilespmem:s23+$0x9C40];
	[tilespmem:s22+$0xA5B0] =	vst v20  }
0x13e: {  	[tilespmem:s22+$0xA630] =	vst v21  }
0x13f: {  	[tilespmem:s22+$0xA6B0] =	vst v17  }
0x140: {  	[tilespmem:s22+$0xA730] =	vst v18  }
0x141: {  	[tilespmem:s22+$0xA7B0] =	vst v24  }
0x142: {  	[tilespmem:s22+$0xA830] =	vst v22;
	v12 =	vmul.u32 $0x28, v52  }
0x143: {  	[tilespmem:s22+$0xC4B0] =	vst v26  }
0x144: {  	[tilespmem:s22+$0xC530] =	vst v1;
	v53 =	vor.u32 $0x1, v12  }
0x145: {  	[tilespmem:s22+$0xC5B0] =	vst v23;
	v54 =	vor.u32 $0x2, v12  }
0x146: {  	[tilespmem:s22+$0xC630] =	vst v29;
	v55 =	vor.u32 $0x3, v12  }
0x147: {  	[tilespmem:s22+$0xC6B0] =	vst v25;
	v56 =	vor.u32 $0x4, v12  }
0x148: {  	[tilespmem:s22+$0xC730] =	vst v31;
	v57 =	vor.u32 $0x5, v12;
	v20 =	vld.idx.msk [tilespmem:v12+s3+$0x0], $0xffff  }
0x149: {  	[tilespmem:s22+$0xC7B0] =	vst v0;
	v58 =	vor.u32 $0x6, v12;
	v22 =	vld.idx.msk [tilespmem:v53+s3+$0x0], $0xffff  }
0x14a: {  	[tilespmem:s22+$0xC830] =	vst v6;
	v59 =	vadd.s32 $0x8, v12;
	v6 =	vld.idx.msk [tilespmem:v54+s3+$0x0], $0xffff  }
0x14b: {  	[tilespmem:s22+$0xE4B0] =	vst v2;
	v60 =	vadd.s32 $0xA, v12;
	v17 =	vld.idx.msk [tilespmem:v55+s3+$0x0], $0xffff  }
0x14c: {  	[tilespmem:s22+$0xE530] =	vst v3;
	v61 =	vadd.s32 $0xB, v12;
	v18 =	vld.idx.msk [tilespmem:v56+s3+$0x0], $0xffff  }
0x14d: {  	[tilespmem:s22+$0xE5B0] =	vst v4;
	v62 =	vadd.s32 $0xC, v12;
	v19 =	vld.idx.msk [tilespmem:v57+s3+$0x0], $0xffff  }
0x14e: {  	[tilespmem:s22+$0xE630] =	vst v5;
	v32 =	vadd.s32 $0xF, v12;
	v63 =	vld.idx.msk [tilespmem:v58+s3+$0x0], $0xffff  }
0x14f: {  	[tilespmem:s22+$0xE6B0] =	vst v7;
	v33 =	vadd.s32 $0x10, v12;
	v7 =	vld.idx.msk [tilespmem:v59+s3+$0x0], $0xffff  }
0x150: {  	[tilespmem:s22+$0xE730] =	vst v8;
	v34 =	vadd.s32 $0xE, v12;
	v8 =	vld.idx.msk [tilespmem:v60+s3+$0x0], $0xffff  }
0x151: {  	[tilespmem:s22+$0xE7B0] =	vst v27;
	v35 =	vadd.s32 $0xD, v12;
	v23 =	vld.idx.msk [tilespmem:v61+s3+$0x0], $0xffff  }
0x152: {  	[tilespmem:s22+$0xE830] =	vst v40;
	v36 =	vadd.s32 $0x11, v12;
	v24 =	vld.idx.msk [tilespmem:v62+s3+$0x0], $0xffff  }
0x153: {  	[tilespmem:s22+$0x104B0] =	vst v30;
	v37 =	vadd.s32 $0x12, v12;
	v25 =	vld.idx.msk [tilespmem:v32+s3+$0x0], $0xffff  }
0x154: {  	v38 =	vadd.s32 $0x9, v12;
	[tilespmem:s22+$0x10530] =	vst v43;
	v9 =	vld.idx.msk [tilespmem:v33+s3+$0x0], $0xffff  }
0x155: {  	v39 =	vor.u32 $0x7, v12;
	[tilespmem:s22+$0x105B0] =	vst v45;
	v10 =	vld.idx.msk [tilespmem:v34+s3+$0x0], $0xffff  }
0x156: {  	v40 =	vadd.s32 $0x13, v12;
	[tilespmem:s22+$0x10630] =	vst v47;
	v11 =	vld.idx.msk [tilespmem:v35+s3+$0x0], $0xffff  }
0x157: {  	[tilespmem:s22+$0x106B0] =	vst v48;
	v13 =	vld.idx.msk [tilespmem:v36+s3+$0x0], $0xffff  }
0x158: {  	[tilespmem:s22+$0x10730] =	vst v49;
	v14 =	vld.idx.msk [tilespmem:v37+s3+$0x0], $0xffff  }
0x159: {  	s29 =	sor.u32 $0x9, s21;
	[tilespmem:s22+$0x107B0] =	vst v50;
	v15 =	vld.idx.msk [tilespmem:v38+s3+$0x0], $0xffff  }
0x15a: {  	s28 =	sor.u32 $0xA, s21;
	s24 =	sshll.u32 s29, $0x4;
	v42 =	vadd.s32 $0x14, v12;
	[tilespmem:s22+$0x10830] =	vst v51;
	v16 =	vld.idx.msk [tilespmem:v39+s3+$0x0], $0xffff  }
0x15b: {  	s26 =	sor.u32 $0xB, s21;
	s25 =	sshll.u32 s28, $0x4;
	v44 =	vadd.s32 $0x16, v12;
	s22 =	sand.u32 $0x3FFFFFF0, s24;
	v26 =	vld.idx.msk [tilespmem:v40+s3+$0x0], $0xffff  }
0x15c: {  	s31 =	sand.u32 $0x3FFFFFF0, s25;
	s0 =	sshll.u32 s26, $0x4;
	v46 =	vadd.s32 $0x18, v12;
	v41 =	vld [tilespmem:s22+$0x9C40]  }
0x15d: {  	s23 =	sand.u32 $0x3FFFFFF0, s0;
	v52 =	vadd.s32 $0x1E, v12;
	v5 =	vld [tilespmem:s31+$0x9C40]  }
0x15e: {  	v4 =	vld [tilespmem:s23+$0x9C40]  }
0x15f: {  	v28 =	vld.idx.msk [tilespmem:v42+s3+$0x0], $0xffff  }
0x160: {  	s25 =	sor.u32 $0xC, s21;
	v43 =	vadd.s32 $0x15, v12;
	v30 =	vld.idx.msk [tilespmem:v44+s3+$0x0], $0xffff  }
0x161: {  	s24 =	sor.u32 $0xD, s21;
	v45 =	vadd.s32 $0x17, v12;
	s31 =	sshll.u32 s25, $0x4;
	v32 =	vld.idx.msk [tilespmem:v46+s3+$0x0], $0xffff  }
0x162: {  	v47 =	vadd.s32 $0x19, v12;
	v38 =	vld.idx.msk [tilespmem:v52+s3+$0x0], $0xffff;
	s0 =	sand.u32 $0x3FFFFFF0, s31;
	s31 =	sshll.u32 s24, $0x4  }
0x163: {  	v48 =	vadd.s32 $0x1A, v12;
	v3 =	vld [tilespmem:s0+$0x9C40];
	s31 =	sand.u32 $0x3FFFFFF0, s31  }
0x164: {  	v49 =	vadd.s32 $0x1B, v12;
	v2 =	vld [tilespmem:s31+$0x9C40]  }
0x165: {  	v50 =	vadd.s32 $0x1C, v12;
	v29 =	vld.idx.msk [tilespmem:v43+s3+$0x0], $0xffff  }
0x166: {  	v51 =	vadd.s32 $0x1D, v12;
	v31 =	vld.idx.msk [tilespmem:v45+s3+$0x0], $0xffff  }
0x167: {  	v33 =	vld.idx.msk [tilespmem:v47+s3+$0x0], $0xffff  }
0x168: {  	v34 =	vld.idx.msk [tilespmem:v48+s3+$0x0], $0xffff  }
0x169: {  	v12 =	vadd.s32 $0x1F, v12;
	s22 =	sor.u32 $0xF, s21;
	v35 =	vld.idx.msk [tilespmem:v49+s3+$0x0], $0xffff;
	v27 =	vmul.u32 $0x28, v41  }
0x16a: {  	s23 =	sor.u32 $0xE, s21;
	s31 =	sshll.u32 s22, $0x4;
	v36 =	vld.idx.msk [tilespmem:v50+s3+$0x0], $0xffff  }
0x16b: {  	s0 =	sshll.u32 s23, $0x4;
	v37 =	vld.idx.msk [tilespmem:v51+s3+$0x0], $0xffff;
	s31 =	sand.u32 $0x3FFFFFF0, s31;
	v53 =	vor.u32 $0x1, v27  }
0x16c: {  	s0 =	sand.u32 $0x3FFFFFF0, s0;
	v0 =	vld [tilespmem:s31+$0x9C40];
	s31 =	sshll.u32 s30, $0x7;
	v54 =	vor.u32 $0x2, v27  }
0x16d: {  	v1 =	vld [tilespmem:s0+$0x9C40];
	s30 =	sand.u32 $0x3FFFFF80, s31;
	v55 =	vor.u32 $0x3, v27  }
0x16e: {  	v12 =	vld.idx.msk [tilespmem:v12+s3+$0x0], $0xffff;
	v56 =	vor.u32 $0x4, v27;
	[tilespmem:s30+$0xA440] =	vst v20  }
0x16f: {  	v57 =	vor.u32 $0x5, v27;
	[tilespmem:s30+$0xA4C0] =	vst v22;
	v20 =	vld.idx.msk [tilespmem:v27+s3+$0x0], $0xffff  }
0x170: {  	v58 =	vor.u32 $0x6, v27;
	[tilespmem:s30+$0xA540] =	vst v6;
	v22 =	vld.idx.msk [tilespmem:v53+s3+$0x0], $0xffff  }
0x171: {  	v59 =	vor.u32 $0x7, v27;
	[tilespmem:s30+$0xA5C0] =	vst v17;
	v6 =	vld.idx.msk [tilespmem:v54+s3+$0x0], $0xffff  }
0x172: {  	v60 =	vadd.s32 $0x8, v27;
	[tilespmem:s30+$0xA640] =	vst v18;
	v17 =	vld.idx.msk [tilespmem:v55+s3+$0x0], $0xffff  }
0x173: {  	v61 =	vadd.s32 $0x9, v27;
	[tilespmem:s30+$0xA6C0] =	vst v19;
	v18 =	vld.idx.msk [tilespmem:v56+s3+$0x0], $0xffff  }
0x174: {  	v62 =	vadd.s32 $0xA, v27;
	[tilespmem:s30+$0xA740] =	vst v63;
	v19 =	vld.idx.msk [tilespmem:v57+s3+$0x0], $0xffff  }
0x175: {  	v63 =	vadd.s32 $0xB, v27;
	[tilespmem:s30+$0xA7C0] =	vst v16;
	v21 =	vld.idx.msk [tilespmem:v58+s3+$0x0], $0xffff  }
0x176: {  	v45 =	vadd.s32 $0xC, v27;
	[tilespmem:s30+$0xC440] =	vst v7;
	v16 =	vld.idx.msk [tilespmem:v59+s3+$0x0], $0xffff  }
0x177: {  	v46 =	vadd.s32 $0xD, v27;
	[tilespmem:s30+$0xC4C0] =	vst v15;
	v7 =	vld.idx.msk [tilespmem:v60+s3+$0x0], $0xffff  }
0x178: {  	v47 =	vadd.s32 $0xE, v27;
	[tilespmem:s30+$0xC540] =	vst v8;
	v15 =	vld.idx.msk [tilespmem:v61+s3+$0x0], $0xffff  }
0x179: {  	v48 =	vadd.s32 $0xF, v27;
	[tilespmem:s30+$0xC5C0] =	vst v23;
	v8 =	vld.idx.msk [tilespmem:v62+s3+$0x0], $0xffff  }
0x17a: {  	v49 =	vadd.s32 $0x10, v27;
	[tilespmem:s30+$0xC640] =	vst v24;
	v23 =	vld.idx.msk [tilespmem:v63+s3+$0x0], $0xffff  }
0x17b: {  	v50 =	vadd.s32 $0x11, v27;
	[tilespmem:s30+$0xC6C0] =	vst v11;
	v24 =	vld.idx.msk [tilespmem:v45+s3+$0x0], $0xffff  }
0x17c: {  	v51 =	vadd.s32 $0x12, v27;
	[tilespmem:s30+$0xC740] =	vst v10;
	v11 =	vld.idx.msk [tilespmem:v46+s3+$0x0], $0xffff  }
0x17d: {  	v52 =	vadd.s32 $0x13, v27;
	[tilespmem:s30+$0xC7C0] =	vst v25;
	v10 =	vld.idx.msk [tilespmem:v47+s3+$0x0], $0xffff  }
0x17e: {  	[tilespmem:s30+$0xE440] =	vst v9;
	v25 =	vld.idx.msk [tilespmem:v48+s3+$0x0], $0xffff;
	v53 =	vadd.s32 $0x14, v27  }
0x17f: {  	[tilespmem:s30+$0xE4C0] =	vst v13;
	v9 =	vld.idx.msk [tilespmem:v49+s3+$0x0], $0xffff;
	v54 =	vadd.s32 $0x15, v27  }
0x180: {  	[tilespmem:s30+$0xE540] =	vst v14;
	v13 =	vld.idx.msk [tilespmem:v50+s3+$0x0], $0xffff;
	v55 =	vadd.s32 $0x16, v27  }
0x181: {  	[tilespmem:s30+$0xE5C0] =	vst v26;
	v14 =	vld.idx.msk [tilespmem:v51+s3+$0x0], $0xffff;
	v56 =	vadd.s32 $0x17, v27  }
0x182: {  	[tilespmem:s30+$0xE640] =	vst v28;
	v26 =	vld.idx.msk [tilespmem:v52+s3+$0x0], $0xffff;
	v57 =	vadd.s32 $0x18, v27  }
0x183: {  	[tilespmem:s30+$0xE740] =	vst v30;
	v58 =	vadd.s32 $0x19, v27;
	v28 =	vld.idx.msk [tilespmem:v53+s3+$0x0], $0xffff  }
0x184: {  	[tilespmem:s30+$0xE6C0] =	vst v29;
	v59 =	vadd.s32 $0x1A, v27;
	v29 =	vld.idx.msk [tilespmem:v54+s3+$0x0], $0xffff  }
0x185: {  	[tilespmem:s30+$0x10440] =	vst v32;
	v60 =	vadd.s32 $0x1B, v27;
	v30 =	vld.idx.msk [tilespmem:v55+s3+$0x0], $0xffff  }
0x186: {  	[tilespmem:s30+$0xE7C0] =	vst v31;
	v61 =	vadd.s32 $0x1C, v27;
	v31 =	vld.idx.msk [tilespmem:v56+s3+$0x0], $0xffff  }
0x187: {  	[tilespmem:s30+$0x10740] =	vst v38;
	v62 =	vadd.s32 $0x1D, v27;
	v32 =	vld.idx.msk [tilespmem:v57+s3+$0x0], $0xffff  }
0x188: {  	[tilespmem:s30+$0x104C0] =	vst v33;
	v63 =	vadd.s32 $0x1E, v27;
	v33 =	vld.idx.msk [tilespmem:v58+s3+$0x0], $0xffff  }
0x189: {  	v5 =	vmul.u32 $0x28, v5;
	[tilespmem:s30+$0x10540] =	vst v34;
	v27 =	vadd.s32 $0x1F, v27;
	v34 =	vld.idx.msk [tilespmem:v59+s3+$0x0], $0xffff  }
0x18a: {  	[tilespmem:s30+$0x105C0] =	vst v35;
	v35 =	vld.idx.msk [tilespmem:v60+s3+$0x0], $0xffff  }
0x18b: {  	[tilespmem:s30+$0x10640] =	vst v36;
	v45 =	vor.u32 $0x1, v5;
	v36 =	vld.idx.msk [tilespmem:v61+s3+$0x0], $0xffff  }
0x18c: {  	s29 =	sshll.u32 s29, $0x7;
	[tilespmem:s30+$0x106C0] =	vst v37;
	v46 =	vor.u32 $0x2, v5;
	v37 =	vld.idx.msk [tilespmem:v62+s3+$0x0], $0xffff  }
0x18d: {  	s29 =	sand.u32 $0x1C00, s29;
	[tilespmem:s30+$0x107C0] =	vst v12;
	v47 =	vor.u32 $0x3, v5;
	v38 =	vld.idx.msk [tilespmem:v63+s3+$0x0], $0xffff  }
0x18e: {  	v48 =	vor.u32 $0x4, v5;
	v12 =	vld.idx.msk [tilespmem:v27+s3+$0x0], $0xffff;
	[tilespmem:s29+$0xA450] =	vst v20  }
0x18f: {  	v49 =	vor.u32 $0x5, v5;
	v20 =	vld.idx.msk [tilespmem:v5+s3+$0x0], $0xffff;
	[tilespmem:s29+$0xA4D0] =	vst v22  }
0x190: {  	v50 =	vor.u32 $0x6, v5;
	v22 =	vld.idx.msk [tilespmem:v45+s3+$0x0], $0xffff;
	[tilespmem:s29+$0xA550] =	vst v6  }
0x191: {  	v51 =	vor.u32 $0x7, v5;
	v6 =	vld.idx.msk [tilespmem:v46+s3+$0x0], $0xffff;
	[tilespmem:s29+$0xA5D0] =	vst v17  }
0x192: {  	v52 =	vadd.s32 $0x8, v5;
	v17 =	vld.idx.msk [tilespmem:v47+s3+$0x0], $0xffff;
	[tilespmem:s29+$0xA650] =	vst v18  }
0x193: {  	v18 =	vld.idx.msk [tilespmem:v48+s3+$0x0], $0xffff;
	v53 =	vadd.s32 $0x9, v5;
	[tilespmem:s29+$0xA6D0] =	vst v19  }
0x194: {  	v19 =	vld.idx.msk [tilespmem:v49+s3+$0x0], $0xffff;
	v54 =	vadd.s32 $0xA, v5;
	[tilespmem:s29+$0xA750] =	vst v21  }
0x195: {  	v21 =	vld.idx.msk [tilespmem:v50+s3+$0x0], $0xffff;
	v55 =	vadd.s32 $0xB, v5;
	[tilespmem:s29+$0xA7D0] =	vst v16  }
0x196: {  	v16 =	vld.idx.msk [tilespmem:v51+s3+$0x0], $0xffff;
	v56 =	vadd.s32 $0xC, v5;
	[tilespmem:s29+$0xC450] =	vst v7  }
0x197: {  	v7 =	vld.idx.msk [tilespmem:v52+s3+$0x0], $0xffff;
	v57 =	vadd.s32 $0xD, v5;
	[tilespmem:s29+$0xC4D0] =	vst v15  }
0x198: {  	v58 =	vadd.s32 $0xE, v5;
	[tilespmem:s29+$0xC550] =	vst v8;
	v15 =	vld.idx.msk [tilespmem:v53+s3+$0x0], $0xffff  }
0x199: {  	v59 =	vadd.s32 $0xF, v5;
	[tilespmem:s29+$0xC5D0] =	vst v23;
	v8 =	vld.idx.msk [tilespmem:v54+s3+$0x0], $0xffff  }
0x19a: {  	v60 =	vadd.s32 $0x10, v5;
	[tilespmem:s29+$0xC650] =	vst v24;
	v23 =	vld.idx.msk [tilespmem:v55+s3+$0x0], $0xffff  }
0x19b: {  	v61 =	vadd.s32 $0x11, v5;
	[tilespmem:s29+$0xC6D0] =	vst v11;
	v24 =	vld.idx.msk [tilespmem:v56+s3+$0x0], $0xffff  }
0x19c: {  	v62 =	vadd.s32 $0x12, v5;
	[tilespmem:s29+$0xC750] =	vst v10;
	v11 =	vld.idx.msk [tilespmem:v57+s3+$0x0], $0xffff  }
0x19d: {  	v63 =	vadd.s32 $0x13, v5;
	[tilespmem:s29+$0xC7D0] =	vst v25;
	v10 =	vld.idx.msk [tilespmem:v58+s3+$0x0], $0xffff  }
0x19e: {  	v45 =	vadd.s32 $0x14, v5;
	[tilespmem:s29+$0xE450] =	vst v9;
	v25 =	vld.idx.msk [tilespmem:v59+s3+$0x0], $0xffff  }
0x19f: {  	v46 =	vadd.s32 $0x15, v5;
	[tilespmem:s29+$0xE4D0] =	vst v13;
	v9 =	vld.idx.msk [tilespmem:v60+s3+$0x0], $0xffff  }
0x1a0: {  	v47 =	vadd.s32 $0x16, v5;
	[tilespmem:s29+$0xE550] =	vst v14;
	v13 =	vld.idx.msk [tilespmem:v61+s3+$0x0], $0xffff  }
0x1a1: {  	v48 =	vadd.s32 $0x17, v5;
	[tilespmem:s29+$0xE5D0] =	vst v26;
	v14 =	vld.idx.msk [tilespmem:v62+s3+$0x0], $0xffff  }
0x1a2: {  	v49 =	vadd.s32 $0x18, v5;
	v26 =	vld.idx.msk [tilespmem:v63+s3+$0x0], $0xffff;
	[tilespmem:s29+$0xE650] =	vst v28  }
0x1a3: {  	v50 =	vadd.s32 $0x19, v5;
	v28 =	vld.idx.msk [tilespmem:v45+s3+$0x0], $0xffff;
	[tilespmem:s29+$0xE6D0] =	vst v29  }
0x1a4: {  	v51 =	vadd.s32 $0x1A, v5;
	v29 =	vld.idx.msk [tilespmem:v46+s3+$0x0], $0xffff;
	[tilespmem:s29+$0xE750] =	vst v30  }
0x1a5: {  	v52 =	vadd.s32 $0x1B, v5;
	v30 =	vld.idx.msk [tilespmem:v47+s3+$0x0], $0xffff;
	[tilespmem:s29+$0xE7D0] =	vst v31  }
0x1a6: {  	v31 =	vld.idx.msk [tilespmem:v48+s3+$0x0], $0xffff;
	v53 =	vadd.s32 $0x1C, v5;
	[tilespmem:s29+$0x10450] =	vst v32  }
0x1a7: {  	v27 =	vld.idx.msk [tilespmem:v49+s3+$0x0], $0xffff;
	v54 =	vadd.s32 $0x1D, v5;
	[tilespmem:s29+$0x104D0] =	vst v33  }
0x1a8: {  	v33 =	vld.idx.msk [tilespmem:v50+s3+$0x0], $0xffff;
	v55 =	vadd.s32 $0x1E, v5;
	[tilespmem:s29+$0x10550] =	vst v34  }
0x1a9: {  	v4 =	vmul.u32 $0x28, v4;
	v34 =	vld.idx.msk [tilespmem:v51+s3+$0x0], $0xffff;
	v5 =	vadd.s32 $0x1F, v5;
	[tilespmem:s29+$0x105D0] =	vst v35  }
0x1aa: {  	v35 =	vld.idx.msk [tilespmem:v52+s3+$0x0], $0xffff;
	[tilespmem:s29+$0x10650] =	vst v36  }
0x1ab: {  	v56 =	vor.u32 $0x1, v4;
	[tilespmem:s29+$0x106D0] =	vst v37;
	v36 =	vld.idx.msk [tilespmem:v53+s3+$0x0], $0xffff  }
0x1ac: {  	s31 =	sshll.u32 s28, $0x7;
	v57 =	vor.u32 $0x2, v4;
	[tilespmem:s29+$0x10750] =	vst v38;
	v32 =	vld.idx.msk [tilespmem:v54+s3+$0x0], $0xffff  }
0x1ad: {  	s28 =	sand.u32 $0x1C00, s31;
	v58 =	vor.u32 $0x3, v4;
	[tilespmem:s29+$0x107D0] =	vst v12;
	v38 =	vld.idx.msk [tilespmem:v55+s3+$0x0], $0xffff  }
0x1ae: {  	v59 =	vor.u32 $0x4, v4;
	v5 =	vld.idx.msk [tilespmem:v5+s3+$0x0], $0xffff;
	[tilespmem:s28+$0xA460] =	vst v20  }
0x1af: {  	v60 =	vor.u32 $0x5, v4;
	v20 =	vld.idx.msk [tilespmem:v4+s3+$0x0], $0xffff;
	[tilespmem:s28+$0xA4E0] =	vst v22  }
0x1b0: {  	v61 =	vor.u32 $0x6, v4;
	v22 =	vld.idx.msk [tilespmem:v56+s3+$0x0], $0xffff;
	[tilespmem:s28+$0xA560] =	vst v6  }
0x1b1: {  	v62 =	vor.u32 $0x7, v4;
	v6 =	vld.idx.msk [tilespmem:v57+s3+$0x0], $0xffff;
	[tilespmem:s28+$0xA5E0] =	vst v17  }
0x1b2: {  	v63 =	vadd.s32 $0x8, v4;
	v17 =	vld.idx.msk [tilespmem:v58+s3+$0x0], $0xffff;
	[tilespmem:s28+$0xA660] =	vst v18  }
0x1b3: {  	v44 =	vadd.s32 $0x9, v4;
	v12 =	vld.idx.msk [tilespmem:v59+s3+$0x0], $0xffff;
	[tilespmem:s28+$0xA6E0] =	vst v19  }
0x1b4: {  	v45 =	vadd.s32 $0xA, v4;
	v19 =	vld.idx.msk [tilespmem:v60+s3+$0x0], $0xffff;
	[tilespmem:s28+$0xA760] =	vst v21  }
0x1b5: {  	v46 =	vadd.s32 $0xB, v4;
	v21 =	vld.idx.msk [tilespmem:v61+s3+$0x0], $0xffff;
	[tilespmem:s28+$0xA7E0] =	vst v16  }
0x1b6: {  	v47 =	vadd.s32 $0xC, v4;
	v16 =	vld.idx.msk [tilespmem:v62+s3+$0x0], $0xffff;
	[tilespmem:s28+$0xC460] =	vst v7  }
0x1b7: {  	v48 =	vadd.s32 $0xD, v4;
	v7 =	vld.idx.msk [tilespmem:v63+s3+$0x0], $0xffff;
	[tilespmem:s28+$0xC4E0] =	vst v15  }
0x1b8: {  	v49 =	vadd.s32 $0xE, v4;
	v15 =	vld.idx.msk [tilespmem:v44+s3+$0x0], $0xffff;
	[tilespmem:s28+$0xC560] =	vst v8  }
0x1b9: {  	v50 =	vadd.s32 $0xF, v4;
	v8 =	vld.idx.msk [tilespmem:v45+s3+$0x0], $0xffff;
	[tilespmem:s28+$0xC5E0] =	vst v23  }
0x1ba: {  	v51 =	vadd.s32 $0x10, v4;
	v23 =	vld.idx.msk [tilespmem:v46+s3+$0x0], $0xffff;
	[tilespmem:s28+$0xC660] =	vst v24  }
0x1bb: {  	v52 =	vadd.s32 $0x11, v4;
	v24 =	vld.idx.msk [tilespmem:v47+s3+$0x0], $0xffff;
	[tilespmem:s28+$0xC6E0] =	vst v11  }
0x1bc: {  	v11 =	vld.idx.msk [tilespmem:v48+s3+$0x0], $0xffff;
	v53 =	vadd.s32 $0x12, v4;
	[tilespmem:s28+$0xC760] =	vst v10  }
0x1bd: {  	v10 =	vld.idx.msk [tilespmem:v49+s3+$0x0], $0xffff;
	v54 =	vadd.s32 $0x13, v4;
	[tilespmem:s28+$0xC7E0] =	vst v25  }
0x1be: {  	v25 =	vld.idx.msk [tilespmem:v50+s3+$0x0], $0xffff;
	v55 =	vadd.s32 $0x14, v4;
	[tilespmem:s28+$0xE460] =	vst v9  }
0x1bf: {  	v9 =	vld.idx.msk [tilespmem:v51+s3+$0x0], $0xffff;
	v56 =	vadd.s32 $0x15, v4;
	[tilespmem:s28+$0xE4E0] =	vst v13  }
0x1c0: {  	v13 =	vld.idx.msk [tilespmem:v52+s3+$0x0], $0xffff;
	v57 =	vadd.s32 $0x16, v4;
	[tilespmem:s28+$0xE560] =	vst v14  }
0x1c1: {  	v58 =	vadd.s32 $0x17, v4;
	[tilespmem:s28+$0xE5E0] =	vst v26;
	v14 =	vld.idx.msk [tilespmem:v53+s3+$0x0], $0xffff  }
0x1c2: {  	v59 =	vadd.s32 $0x18, v4;
	[tilespmem:s28+$0xE660] =	vst v28;
	v18 =	vld.idx.msk [tilespmem:v54+s3+$0x0], $0xffff  }
0x1c3: {  	v60 =	vadd.s32 $0x19, v4;
	[tilespmem:s28+$0xE6E0] =	vst v29;
	v28 =	vld.idx.msk [tilespmem:v55+s3+$0x0], $0xffff  }
0x1c4: {  	v61 =	vadd.s32 $0x1A, v4;
	[tilespmem:s28+$0xE760] =	vst v30;
	v29 =	vld.idx.msk [tilespmem:v56+s3+$0x0], $0xffff  }
0x1c5: {  	v62 =	vadd.s32 $0x1B, v4;
	[tilespmem:s28+$0xE7E0] =	vst v31;
	v30 =	vld.idx.msk [tilespmem:v57+s3+$0x0], $0xffff  }
0x1c6: {  	v63 =	vadd.s32 $0x1C, v4;
	[tilespmem:s28+$0x10460] =	vst v27;
	v31 =	vld.idx.msk [tilespmem:v58+s3+$0x0], $0xffff  }
0x1c7: {  	v44 =	vadd.s32 $0x1D, v4;
	[tilespmem:s28+$0x104E0] =	vst v33;
	v26 =	vld.idx.msk [tilespmem:v59+s3+$0x0], $0xffff  }
0x1c8: {  	v45 =	vadd.s32 $0x1E, v4;
	[tilespmem:s28+$0x10560] =	vst v34;
	v33 =	vld.idx.msk [tilespmem:v60+s3+$0x0], $0xffff  }
0x1c9: {  	v3 =	vmul.u32 $0x28, v3;
	v4 =	vadd.s32 $0x1F, v4;
	[tilespmem:s28+$0x105E0] =	vst v35;
	v34 =	vld.idx.msk [tilespmem:v61+s3+$0x0], $0xffff  }
0x1ca: {  	v35 =	vld.idx.msk [tilespmem:v62+s3+$0x0], $0xffff;
	[tilespmem:s28+$0x10660] =	vst v36  }
0x1cb: {  	v46 =	vor.u32 $0x1, v3;
	v36 =	vld.idx.msk [tilespmem:v63+s3+$0x0], $0xffff;
	[tilespmem:s28+$0x106E0] =	vst v32  }
0x1cc: {  	s26 =	sshll.u32 s26, $0x7;
	v47 =	vor.u32 $0x2, v3;
	v27 =	vld.idx.msk [tilespmem:v44+s3+$0x0], $0xffff;
	[tilespmem:s28+$0x10760] =	vst v38  }
0x1cd: {  	s26 =	sand.u32 $0x1C00, s26;
	v48 =	vor.u32 $0x3, v3;
	v38 =	vld.idx.msk [tilespmem:v45+s3+$0x0], $0xffff;
	[tilespmem:s28+$0x107E0] =	vst v5  }
0x1ce: {  	v49 =	vor.u32 $0x4, v3;
	v4 =	vld.idx.msk [tilespmem:v4+s3+$0x0], $0xffff;
	[tilespmem:s26+$0xA470] =	vst v20  }
0x1cf: {  	v50 =	vor.u32 $0x5, v3;
	v20 =	vld.idx.msk [tilespmem:v3+s3+$0x0], $0xffff;
	[tilespmem:s26+$0xA4F0] =	vst v22  }
0x1d0: {  	v51 =	vor.u32 $0x6, v3;
	v22 =	vld.idx.msk [tilespmem:v46+s3+$0x0], $0xffff;
	[tilespmem:s26+$0xA570] =	vst v6  }
0x1d1: {  	v52 =	vor.u32 $0x7, v3;
	v6 =	vld.idx.msk [tilespmem:v47+s3+$0x0], $0xffff;
	[tilespmem:s26+$0xA5F0] =	vst v17  }
0x1d2: {  	v17 =	vld.idx.msk [tilespmem:v48+s3+$0x0], $0xffff;
	v53 =	vadd.s32 $0x8, v3;
	[tilespmem:s26+$0xA670] =	vst v12  }
0x1d3: {  	v5 =	vld.idx.msk [tilespmem:v49+s3+$0x0], $0xffff;
	v54 =	vadd.s32 $0x9, v3;
	[tilespmem:s26+$0xA6F0] =	vst v19  }
0x1d4: {  	v19 =	vld.idx.msk [tilespmem:v50+s3+$0x0], $0xffff;
	v55 =	vadd.s32 $0xA, v3;
	[tilespmem:s26+$0xA770] =	vst v21  }
0x1d5: {  	v21 =	vld.idx.msk [tilespmem:v51+s3+$0x0], $0xffff;
	v56 =	vadd.s32 $0xB, v3;
	[tilespmem:s26+$0xA7F0] =	vst v16  }
0x1d6: {  	v16 =	vld.idx.msk [tilespmem:v52+s3+$0x0], $0xffff;
	v57 =	vadd.s32 $0xC, v3;
	[tilespmem:s26+$0xC470] =	vst v7  }
0x1d7: {  	v58 =	vadd.s32 $0xD, v3;
	[tilespmem:s26+$0xC4F0] =	vst v15;
	v7 =	vld.idx.msk [tilespmem:v53+s3+$0x0], $0xffff  }
0x1d8: {  	v59 =	vadd.s32 $0xE, v3;
	[tilespmem:s26+$0xC570] =	vst v8;
	v12 =	vld.idx.msk [tilespmem:v54+s3+$0x0], $0xffff  }
0x1d9: {  	v60 =	vadd.s32 $0xF, v3;
	[tilespmem:s26+$0xC5F0] =	vst v23;
	v8 =	vld.idx.msk [tilespmem:v55+s3+$0x0], $0xffff  }
0x1da: {  	v61 =	vadd.s32 $0x10, v3;
	[tilespmem:s26+$0xC670] =	vst v24;
	v23 =	vld.idx.msk [tilespmem:v56+s3+$0x0], $0xffff  }
0x1db: {  	v62 =	vadd.s32 $0x11, v3;
	[tilespmem:s26+$0xC6F0] =	vst v11;
	v24 =	vld.idx.msk [tilespmem:v57+s3+$0x0], $0xffff  }
0x1dc: {  	v63 =	vadd.s32 $0x12, v3;
	[tilespmem:s26+$0xC770] =	vst v10;
	v11 =	vld.idx.msk [tilespmem:v58+s3+$0x0], $0xffff  }
0x1dd: {  	v44 =	vadd.s32 $0x13, v3;
	[tilespmem:s26+$0xC7F0] =	vst v25;
	v10 =	vld.idx.msk [tilespmem:v59+s3+$0x0], $0xffff  }
0x1de: {  	v45 =	vadd.s32 $0x14, v3;
	[tilespmem:s26+$0xE470] =	vst v9;
	v25 =	vld.idx.msk [tilespmem:v60+s3+$0x0], $0xffff  }
0x1df: {  	v46 =	vadd.s32 $0x15, v3;
	[tilespmem:s26+$0xE4F0] =	vst v13;
	v9 =	vld.idx.msk [tilespmem:v61+s3+$0x0], $0xffff  }
0x1e0: {  	v47 =	vadd.s32 $0x16, v3;
	v13 =	vld.idx.msk [tilespmem:v62+s3+$0x0], $0xffff;
	[tilespmem:s26+$0xE570] =	vst v14  }
0x1e1: {  	v48 =	vadd.s32 $0x17, v3;
	v14 =	vld.idx.msk [tilespmem:v63+s3+$0x0], $0xffff;
	[tilespmem:s26+$0xE5F0] =	vst v18  }
0x1e2: {  	v49 =	vadd.s32 $0x18, v3;
	v15 =	vld.idx.msk [tilespmem:v44+s3+$0x0], $0xffff;
	[tilespmem:s26+$0xE670] =	vst v28  }
0x1e3: {  	v50 =	vadd.s32 $0x19, v3;
	v28 =	vld.idx.msk [tilespmem:v45+s3+$0x0], $0xffff;
	[tilespmem:s26+$0xE6F0] =	vst v29  }
0x1e4: {  	v51 =	vadd.s32 $0x1A, v3;
	v29 =	vld.idx.msk [tilespmem:v46+s3+$0x0], $0xffff;
	[tilespmem:s26+$0xE770] =	vst v30  }
0x1e5: {  	v52 =	vadd.s32 $0x1B, v3;
	v30 =	vld.idx.msk [tilespmem:v47+s3+$0x0], $0xffff;
	[tilespmem:s26+$0xE7F0] =	vst v31  }
0x1e6: {  	v31 =	vld.idx.msk [tilespmem:v48+s3+$0x0], $0xffff;
	v53 =	vadd.s32 $0x1C, v3;
	[tilespmem:s26+$0x10470] =	vst v26  }
0x1e7: {  	v18 =	vld.idx.msk [tilespmem:v49+s3+$0x0], $0xffff;
	v54 =	vadd.s32 $0x1D, v3;
	[tilespmem:s26+$0x104F0] =	vst v33  }
0x1e8: {  	v33 =	vld.idx.msk [tilespmem:v50+s3+$0x0], $0xffff;
	v55 =	vadd.s32 $0x1E, v3;
	[tilespmem:s26+$0x10570] =	vst v34  }
0x1e9: {  	v2 =	vmul.u32 $0x28, v2;
	v34 =	vld.idx.msk [tilespmem:v51+s3+$0x0], $0xffff;
	v3 =	vadd.s32 $0x1F, v3;
	[tilespmem:s26+$0x105F0] =	vst v35  }
0x1ea: {  	v32 =	vld.idx.msk [tilespmem:v52+s3+$0x0], $0xffff;
	[tilespmem:s26+$0x10670] =	vst v36  }
0x1eb: {  	v56 =	vor.u32 $0x1, v2;
	[tilespmem:s26+$0x106F0] =	vst v27;
	v35 =	vld.idx.msk [tilespmem:v53+s3+$0x0], $0xffff  }
0x1ec: {  	s28 =	sshll.u32 s25, $0x7;
	v57 =	vor.u32 $0x2, v2;
	[tilespmem:s26+$0x10770] =	vst v38;
	v26 =	vld.idx.msk [tilespmem:v54+s3+$0x0], $0xffff  }
0x1ed: {  	s25 =	sand.u32 $0x1C00, s28;
	v58 =	vor.u32 $0x3, v2;
	[tilespmem:s26+$0x107F0] =	vst v4;
	v37 =	vld.idx.msk [tilespmem:v55+s3+$0x0], $0xffff  }
0x1ee: {  	v59 =	vor.u32 $0x4, v2;
	v3 =	vld.idx.msk [tilespmem:v3+s3+$0x0], $0xffff;
	[tilespmem:s25+$0xA480] =	vst v20  }
0x1ef: {  	v60 =	vor.u32 $0x5, v2;
	v20 =	vld.idx.msk [tilespmem:v2+s3+$0x0], $0xffff;
	[tilespmem:s25+$0xA500] =	vst v22  }
0x1f0: {  	v61 =	vor.u32 $0x6, v2;
	v22 =	vld.idx.msk [tilespmem:v56+s3+$0x0], $0xffff;
	[tilespmem:s25+$0xA580] =	vst v6  }
0x1f1: {  	v62 =	vor.u32 $0x7, v2;
	v6 =	vld.idx.msk [tilespmem:v57+s3+$0x0], $0xffff;
	[tilespmem:s25+$0xA600] =	vst v17  }
0x1f2: {  	v63 =	vadd.s32 $0x8, v2;
	v17 =	vld.idx.msk [tilespmem:v58+s3+$0x0], $0xffff;
	[tilespmem:s25+$0xA680] =	vst v5  }
0x1f3: {  	v42 =	vadd.s32 $0x9, v2;
	v4 =	vld.idx.msk [tilespmem:v59+s3+$0x0], $0xffff;
	[tilespmem:s25+$0xA700] =	vst v19  }
0x1f4: {  	v43 =	vadd.s32 $0xA, v2;
	v19 =	vld.idx.msk [tilespmem:v60+s3+$0x0], $0xffff;
	[tilespmem:s25+$0xA780] =	vst v21  }
0x1f5: {  	v44 =	vadd.s32 $0xB, v2;
	v21 =	vld.idx.msk [tilespmem:v61+s3+$0x0], $0xffff;
	[tilespmem:s25+$0xA800] =	vst v16  }
0x1f6: {  	v45 =	vadd.s32 $0xC, v2;
	v16 =	vld.idx.msk [tilespmem:v62+s3+$0x0], $0xffff;
	[tilespmem:s25+$0xC480] =	vst v7  }
0x1f7: {  	v46 =	vadd.s32 $0xD, v2;
	v7 =	vld.idx.msk [tilespmem:v63+s3+$0x0], $0xffff;
	[tilespmem:s25+$0xC500] =	vst v12  }
0x1f8: {  	v47 =	vadd.s32 $0xE, v2;
	v5 =	vld.idx.msk [tilespmem:v42+s3+$0x0], $0xffff;
	[tilespmem:s25+$0xC580] =	vst v8  }
0x1f9: {  	v48 =	vadd.s32 $0xF, v2;
	v8 =	vld.idx.msk [tilespmem:v43+s3+$0x0], $0xffff;
	[tilespmem:s25+$0xC600] =	vst v23  }
0x1fa: {  	v49 =	vadd.s32 $0x10, v2;
	v23 =	vld.idx.msk [tilespmem:v44+s3+$0x0], $0xffff;
	[tilespmem:s25+$0xC680] =	vst v24  }
0x1fb: {  	v50 =	vadd.s32 $0x11, v2;
	v24 =	vld.idx.msk [tilespmem:v45+s3+$0x0], $0xffff;
	[tilespmem:s25+$0xC700] =	vst v11  }
0x1fc: {  	v51 =	vadd.s32 $0x12, v2;
	v11 =	vld.idx.msk [tilespmem:v46+s3+$0x0], $0xffff;
	[tilespmem:s25+$0xC780] =	vst v10  }
0x1fd: {  	v52 =	vadd.s32 $0x13, v2;
	v10 =	vld.idx.msk [tilespmem:v47+s3+$0x0], $0xffff;
	[tilespmem:s25+$0xC800] =	vst v25  }
0x1fe: {  	v25 =	vld.idx.msk [tilespmem:v48+s3+$0x0], $0xffff;
	v53 =	vadd.s32 $0x14, v2;
	[tilespmem:s25+$0xE480] =	vst v9  }
0x1ff: {  	v9 =	vld.idx.msk [tilespmem:v49+s3+$0x0], $0xffff;
	v54 =	vadd.s32 $0x15, v2;
	[tilespmem:s25+$0xE500] =	vst v13  }
0x200: {  	v13 =	vld.idx.msk [tilespmem:v50+s3+$0x0], $0xffff;
	v55 =	vadd.s32 $0x16, v2;
	[tilespmem:s25+$0xE580] =	vst v14  }
0x201: {  	v14 =	vld.idx.msk [tilespmem:v51+s3+$0x0], $0xffff;
	v56 =	vadd.s32 $0x17, v2;
	[tilespmem:s25+$0xE600] =	vst v15  }
0x202: {  	v12 =	vld.idx.msk [tilespmem:v52+s3+$0x0], $0xffff;
	v57 =	vadd.s32 $0x18, v2;
	[tilespmem:s25+$0xE680] =	vst v28  }
0x203: {  	v58 =	vadd.s32 $0x19, v2;
	[tilespmem:s25+$0xE700] =	vst v29;
	v28 =	vld.idx.msk [tilespmem:v53+s3+$0x0], $0xffff  }
0x204: {  	v59 =	vadd.s32 $0x1A, v2;
	[tilespmem:s25+$0xE780] =	vst v30;
	v29 =	vld.idx.msk [tilespmem:v54+s3+$0x0], $0xffff  }
0x205: {  	v60 =	vadd.s32 $0x1B, v2;
	[tilespmem:s25+$0xE800] =	vst v31;
	v27 =	vld.idx.msk [tilespmem:v55+s3+$0x0], $0xffff  }
0x206: {  	v61 =	vadd.s32 $0x1C, v2;
	[tilespmem:s25+$0x10480] =	vst v18;
	v31 =	vld.idx.msk [tilespmem:v56+s3+$0x0], $0xffff  }
0x207: {  	v62 =	vadd.s32 $0x1D, v2;
	[tilespmem:s25+$0x10500] =	vst v33;
	v15 =	vld.idx.msk [tilespmem:v57+s3+$0x0], $0xffff  }
0x208: {  	v63 =	vadd.s32 $0x1E, v2;
	[tilespmem:s25+$0x10580] =	vst v34;
	v33 =	vld.idx.msk [tilespmem:v58+s3+$0x0], $0xffff  }
0x209: {  	v1 =	vmul.u32 $0x28, v1;
	v2 =	vadd.s32 $0x1F, v2;
	[tilespmem:s25+$0x10600] =	vst v32;
	v34 =	vld.idx.msk [tilespmem:v59+s3+$0x0], $0xffff  }
0x20a: {  	v30 =	vld.idx.msk [tilespmem:v60+s3+$0x0], $0xffff;
	[tilespmem:s25+$0x10680] =	vst v35  }
0x20b: {  	v41 =	vor.u32 $0x1, v1;
	v32 =	vld.idx.msk [tilespmem:v61+s3+$0x0], $0xffff;
	[tilespmem:s25+$0x10700] =	vst v26  }
0x20c: {  	s29 =	sshll.u32 s24, $0x7;
	v42 =	vor.u32 $0x2, v1;
	v18 =	vld.idx.msk [tilespmem:v62+s3+$0x0], $0xffff;
	[tilespmem:s25+$0x10780] =	vst v37  }
0x20d: {  	s24 =	sand.u32 $0x1C00, s29;
	v43 =	vor.u32 $0x3, v1;
	v36 =	vld.idx.msk [tilespmem:v63+s3+$0x0], $0xffff;
	[tilespmem:s25+$0x10800] =	vst v3  }
0x20e: {  	v44 =	vor.u32 $0x4, v1;
	v2 =	vld.idx.msk [tilespmem:v2+s3+$0x0], $0xffff;
	[tilespmem:s24+$0xA490] =	vst v20  }
0x20f: {  	v45 =	vor.u32 $0x5, v1;
	v20 =	vld.idx.msk [tilespmem:v1+s3+$0x0], $0xffff;
	[tilespmem:s24+$0xA510] =	vst v22  }
0x210: {  	v46 =	vor.u32 $0x6, v1;
	v22 =	vld.idx.msk [tilespmem:v41+s3+$0x0], $0xffff;
	[tilespmem:s24+$0xA590] =	vst v6  }
0x211: {  	v47 =	vor.u32 $0x7, v1;
	v6 =	vld.idx.msk [tilespmem:v42+s3+$0x0], $0xffff;
	[tilespmem:s24+$0xA610] =	vst v17  }
0x212: {  	v48 =	vadd.s32 $0x8, v1;
	v17 =	vld.idx.msk [tilespmem:v43+s3+$0x0], $0xffff;
	[tilespmem:s24+$0xA690] =	vst v4  }
0x213: {  	v49 =	vadd.s32 $0x9, v1;
	v3 =	vld.idx.msk [tilespmem:v44+s3+$0x0], $0xffff;
	[tilespmem:s24+$0xA710] =	vst v19  }
0x214: {  	v50 =	vadd.s32 $0xA, v1;
	v19 =	vld.idx.msk [tilespmem:v45+s3+$0x0], $0xffff;
	[tilespmem:s24+$0xA790] =	vst v21  }
0x215: {  	v51 =	vadd.s32 $0xB, v1;
	v21 =	vld.idx.msk [tilespmem:v46+s3+$0x0], $0xffff;
	[tilespmem:s24+$0xA810] =	vst v16  }
0x216: {  	v52 =	vadd.s32 $0xC, v1;
	v16 =	vld.idx.msk [tilespmem:v47+s3+$0x0], $0xffff;
	[tilespmem:s24+$0xC490] =	vst v7  }
0x217: {  	v40 =	vadd.s32 $0x18, v1;
	v7 =	vld.idx.msk [tilespmem:v48+s3+$0x0], $0xffff;
	[tilespmem:s24+$0xC510] =	vst v5  }
0x218: {  	v53 =	vadd.s32 $0xD, v1;
	v4 =	vld.idx.msk [tilespmem:v49+s3+$0x0], $0xffff;
	[tilespmem:s24+$0xC590] =	vst v8  }
0x219: {  	v54 =	vadd.s32 $0xE, v1;
	v8 =	vld.idx.msk [tilespmem:v50+s3+$0x0], $0xffff;
	[tilespmem:s24+$0xC610] =	vst v23  }
0x21a: {  	v55 =	vadd.s32 $0xF, v1;
	v23 =	vld.idx.msk [tilespmem:v51+s3+$0x0], $0xffff;
	[tilespmem:s24+$0xC690] =	vst v24  }
0x21b: {  	v56 =	vadd.s32 $0x10, v1;
	v24 =	vld.idx.msk [tilespmem:v52+s3+$0x0], $0xffff;
	[tilespmem:s24+$0xC710] =	vst v11  }
0x21c: {  	v57 =	vadd.s32 $0x11, v1;
	[tilespmem:s24+$0xE610] =	vst v12;
	v12 =	vld.idx.msk [tilespmem:v40+s3+$0x0], $0xffff  }
0x21d: {  	v58 =	vadd.s32 $0x12, v1;
	[tilespmem:s24+$0xC790] =	vst v10;
	v11 =	vld.idx.msk [tilespmem:v53+s3+$0x0], $0xffff  }
0x21e: {  	v59 =	vadd.s32 $0x13, v1;
	[tilespmem:s24+$0xC810] =	vst v25;
	v5 =	vld.idx.msk [tilespmem:v54+s3+$0x0], $0xffff  }
0x21f: {  	v60 =	vadd.s32 $0x14, v1;
	[tilespmem:s24+$0xE490] =	vst v9;
	v25 =	vld.idx.msk [tilespmem:v55+s3+$0x0], $0xffff  }
0x220: {  	v61 =	vadd.s32 $0x15, v1;
	[tilespmem:s24+$0xE510] =	vst v13;
	v9 =	vld.idx.msk [tilespmem:v56+s3+$0x0], $0xffff  }
0x221: {  	v62 =	vadd.s32 $0x16, v1;
	[tilespmem:s24+$0xE590] =	vst v14;
	v13 =	vld.idx.msk [tilespmem:v57+s3+$0x0], $0xffff  }
0x222: {  	v63 =	vadd.s32 $0x17, v1;
	v14 =	vld.idx.msk [tilespmem:v58+s3+$0x0], $0xffff;
	[tilespmem:s24+$0xE690] =	vst v28  }
0x223: {  	v41 =	vadd.s32 $0x19, v1;
	v10 =	vld.idx.msk [tilespmem:v59+s3+$0x0], $0xffff;
	[tilespmem:s24+$0xE710] =	vst v29  }
0x224: {  	v42 =	vadd.s32 $0x1A, v1;
	v28 =	vld.idx.msk [tilespmem:v60+s3+$0x0], $0xffff;
	[tilespmem:s24+$0xE790] =	vst v27  }
0x225: {  	v43 =	vadd.s32 $0x1B, v1;
	v29 =	vld.idx.msk [tilespmem:v61+s3+$0x0], $0xffff;
	[tilespmem:s24+$0xE810] =	vst v31  }
0x226: {  	v44 =	vadd.s32 $0x1C, v1;
	v26 =	vld.idx.msk [tilespmem:v62+s3+$0x0], $0xffff;
	[tilespmem:s24+$0x10490] =	vst v15  }
0x227: {  	v45 =	vadd.s32 $0x1D, v1;
	v31 =	vld.idx.msk [tilespmem:v63+s3+$0x0], $0xffff;
	[tilespmem:s24+$0x10510] =	vst v33  }
0x228: {  	v46 =	vadd.s32 $0x1E, v1;
	v33 =	vld.idx.msk [tilespmem:v41+s3+$0x0], $0xffff;
	[tilespmem:s24+$0x10590] =	vst v34  }
0x229: {  	v0 =	vmul.u32 $0x28, v0;
	v1 =	vadd.s32 $0x1F, v1;
	v34 =	vld.idx.msk [tilespmem:v42+s3+$0x0], $0xffff;
	[tilespmem:s24+$0x10610] =	vst v30  }
0x22a: {  	v27 =	vld.idx.msk [tilespmem:v43+s3+$0x0], $0xffff;
	[tilespmem:s24+$0x10690] =	vst v32  }
0x22b: {  	v47 =	vor.u32 $0x1, v0;
	v30 =	vld.idx.msk [tilespmem:v44+s3+$0x0], $0xffff;
	[tilespmem:s24+$0x10710] =	vst v18  }
0x22c: {  	s30 =	sshll.u32 s23, $0x7;
	v48 =	vor.u32 $0x2, v0;
	v15 =	vld.idx.msk [tilespmem:v45+s3+$0x0], $0xffff;
	[tilespmem:s24+$0x10790] =	vst v36  }
0x22d: {  	s23 =	sand.u32 $0x1C00, s30;
	v49 =	vor.u32 $0x3, v0;
	v35 =	vld.idx.msk [tilespmem:v46+s3+$0x0], $0xffff;
	[tilespmem:s24+$0x10810] =	vst v2  }
0x22e: {  	v50 =	vor.u32 $0x4, v0;
	v1 =	vld.idx.msk [tilespmem:v1+s3+$0x0], $0xffff;
	[tilespmem:s23+$0xA4A0] =	vst v20  }
0x22f: {  	v51 =	vor.u32 $0x5, v0;
	v20 =	vld.idx.msk [tilespmem:v0+s3+$0x0], $0xffff;
	[tilespmem:s23+$0xA520] =	vst v22  }
0x230: {  	v52 =	vor.u32 $0x6, v0;
	v22 =	vld.idx.msk [tilespmem:v47+s3+$0x0], $0xffff;
	[tilespmem:s23+$0xA5A0] =	vst v6  }
0x231: {  	v6 =	vld.idx.msk [tilespmem:v48+s3+$0x0], $0xffff;
	v53 =	vor.u32 $0x7, v0;
	[tilespmem:s23+$0xA620] =	vst v17  }
0x232: {  	v17 =	vld.idx.msk [tilespmem:v49+s3+$0x0], $0xffff;
	v54 =	vadd.s32 $0x8, v0;
	[tilespmem:s23+$0xA6A0] =	vst v3  }
0x233: {  	v2 =	vld.idx.msk [tilespmem:v50+s3+$0x0], $0xffff;
	v55 =	vadd.s32 $0x9, v0;
	[tilespmem:s23+$0xA720] =	vst v19  }
0x234: {  	v19 =	vld.idx.msk [tilespmem:v51+s3+$0x0], $0xffff;
	v56 =	vadd.s32 $0xA, v0;
	[tilespmem:s23+$0xA7A0] =	vst v21  }
0x235: {  	v21 =	vld.idx.msk [tilespmem:v52+s3+$0x0], $0xffff;
	v57 =	vadd.s32 $0xB, v0;
	[tilespmem:s23+$0xA820] =	vst v16  }
0x236: {  	v58 =	vadd.s32 $0xC, v0;
	[tilespmem:s23+$0xC4A0] =	vst v7;
	v16 =	vld.idx.msk [tilespmem:v53+s3+$0x0], $0xffff  }
0x237: {  	v59 =	vadd.s32 $0xD, v0;
	[tilespmem:s23+$0xC520] =	vst v4;
	v7 =	vld.idx.msk [tilespmem:v54+s3+$0x0], $0xffff  }
0x238: {  	v60 =	vadd.s32 $0xE, v0;
	[tilespmem:s23+$0xC5A0] =	vst v8;
	v3 =	vld.idx.msk [tilespmem:v55+s3+$0x0], $0xffff  }
0x239: {  	v61 =	vadd.s32 $0xF, v0;
	[tilespmem:s23+$0xC620] =	vst v23;
	v8 =	vld.idx.msk [tilespmem:v56+s3+$0x0], $0xffff  }
0x23a: {  	v62 =	vadd.s32 $0x10, v0;
	[tilespmem:s23+$0xC6A0] =	vst v24;
	v23 =	vld.idx.msk [tilespmem:v57+s3+$0x0], $0xffff  }
0x23b: {  	v63 =	vadd.s32 $0x11, v0;
	[tilespmem:s23+$0x104A0] =	vst v12;
	v18 =	vld.idx.msk [tilespmem:v58+s3+$0x0], $0xffff  }
0x23c: {  	v41 =	vadd.s32 $0x12, v0;
	[tilespmem:s23+$0xC720] =	vst v11;
	v40 =	vld.idx.msk [tilespmem:v59+s3+$0x0], $0xffff  }
0x23d: {  	v42 =	vadd.s32 $0x13, v0;
	[tilespmem:s23+$0xC7A0] =	vst v5;
	v4 =	vld.idx.msk [tilespmem:v60+s3+$0x0], $0xffff  }
0x23e: {  	v44 =	vadd.s32 $0x14, v0;
	[tilespmem:s23+$0xC820] =	vst v25;
	v43 =	vld.idx.msk [tilespmem:v61+s3+$0x0], $0xffff  }
0x23f: {  	v46 =	vadd.s32 $0x15, v0;
	[tilespmem:s23+$0xE4A0] =	vst v9;
	v45 =	vld.idx.msk [tilespmem:v62+s3+$0x0], $0xffff  }
0x240: {  	v48 =	vadd.s32 $0x16, v0;
	[tilespmem:s23+$0xE520] =	vst v13;
	v47 =	vld.idx.msk [tilespmem:v63+s3+$0x0], $0xffff  }
0x241: {  	v50 =	vadd.s32 $0x17, v0;
	[tilespmem:s23+$0xE5A0] =	vst v14;
	v49 =	vld.idx.msk [tilespmem:v41+s3+$0x0], $0xffff  }
0x242: {  	v51 =	vadd.s32 $0x18, v0;
	[tilespmem:s23+$0xE620] =	vst v10;
	v5 =	vld.idx.msk [tilespmem:v42+s3+$0x0], $0xffff  }
0x243: {  	[tilespmem:s23+$0xE6A0] =	vst v28;
	v52 =	vld.idx.msk [tilespmem:v44+s3+$0x0], $0xffff;
	v53 =	vadd.s32 $0x19, v0  }
0x244: {  	[tilespmem:s23+$0xE720] =	vst v29;
	v54 =	vld.idx.msk [tilespmem:v46+s3+$0x0], $0xffff;
	v55 =	vadd.s32 $0x1A, v0  }
0x245: {  	[tilespmem:s23+$0xE7A0] =	vst v26;
	v24 =	vld.idx.msk [tilespmem:v48+s3+$0x0], $0xffff;
	v56 =	vadd.s32 $0x1B, v0  }
0x246: {  	[tilespmem:s23+$0xE820] =	vst v31;
	v57 =	vld.idx.msk [tilespmem:v50+s3+$0x0], $0xffff;
	v58 =	vadd.s32 $0x1C, v0  }
0x247: {  	v10 =	vld.idx.msk [tilespmem:v51+s3+$0x0], $0xffff;
	v59 =	vadd.s32 $0x1D, v0;
	[tilespmem:s23+$0x10520] =	vst v33  }
0x248: {  	v61 =	vadd.s32 $0x1E, v0;
	[tilespmem:s23+$0x105A0] =	vst v34;
	v60 =	vld.idx.msk [tilespmem:v53+s3+$0x0], $0xffff  }
0x249: {  	v0 =	vadd.s32 $0x1F, v0;
	[tilespmem:s23+$0x10620] =	vst v27;
	v32 =	vld.idx.msk [tilespmem:v55+s3+$0x0], $0xffff  }
0x24a: {  	[tilespmem:s23+$0x106A0] =	vst v30;
	v26 =	vld.idx.msk [tilespmem:v56+s3+$0x0], $0xffff  }
0x24b: {  	[tilespmem:s23+$0x10720] =	vst v15;
	v62 =	vld.idx.msk [tilespmem:v58+s3+$0x0], $0xffff  }
0x24c: {  	s31 =	sshll.u32 s22, $0x7;
	[tilespmem:s23+$0x107A0] =	vst v35;
	v12 =	vld.idx.msk [tilespmem:v59+s3+$0x0], $0xffff  }
0x24d: {  	s0 =	sand.u32 $0x1C00, s31;
	[tilespmem:s23+$0x10820] =	vst v1;
	v63 =	vld.idx.msk [tilespmem:v61+s3+$0x0], $0xffff  }
0x24e: {  	v0 =	vld.idx.msk [tilespmem:v0+s3+$0x0], $0xffff;
	[tilespmem:s0+$0xA4B0] =	vst v20  }
0x24f: {  	[tilespmem:s0+$0xA530] =	vst v22  }
0x250: {  	[tilespmem:s0+$0xA5B0] =	vst v6  }
0x251: {  	[tilespmem:s0+$0xA630] =	vst v17  }
0x252: {  	[tilespmem:s0+$0xA6B0] =	vst v2  }
0x253: {  	[tilespmem:s0+$0xA730] =	vst v19  }
0x254: {  	[tilespmem:s0+$0xA7B0] =	vst v21  }
0x255: {  	[tilespmem:s0+$0xA830] =	vst v16  }
0x256: {  	[tilespmem:s0+$0xC4B0] =	vst v7  }
0x257: {  	[tilespmem:s0+$0xC530] =	vst v3  }
0x258: {  	[tilespmem:s0+$0xC5B0] =	vst v8  }
0x259: {  	[tilespmem:s0+$0xC630] =	vst v23  }
0x25a: {  	[tilespmem:s0+$0xC6B0] =	vst v18  }
0x25b: {  	[tilespmem:s0+$0xC730] =	vst v40  }
0x25c: {  	[tilespmem:s0+$0xC7B0] =	vst v4  }
0x25d: {  	[tilespmem:s0+$0xC830] =	vst v43  }
0x25e: {  	[tilespmem:s0+$0xE4B0] =	vst v45  }
0x25f: {  	[tilespmem:s0+$0xE530] =	vst v47  }
0x260: {  	[tilespmem:s0+$0xE5B0] =	vst v49  }
0x261: {  	[tilespmem:s0+$0xE630] =	vst v5  }
0x262: {  	[tilespmem:s0+$0xE6B0] =	vst v52  }
0x263: {  	[tilespmem:s0+$0xE730] =	vst v54  }
0x264: {  	[tilespmem:s0+$0xE7B0] =	vst v24  }
0x265: {  	[tilespmem:s0+$0xE830] =	vst v57  }
0x266: {  	[tilespmem:s0+$0x104B0] =	vst v10  }
0x267: {  	[tilespmem:s0+$0x10530] =	vst v60  }
0x268: {  	p0 =	slt.u32 s21, $0x30;
	[tilespmem:s0+$0x105B0] =	vst v32  }
.Ltmp1:
0x269: {  	[tilespmem:s0+$0x10630] =	vst v26;
	(pc) =	sbr.rel @p0 .LBB2_5-.Ltmp1, $4  }
0x26a: {  	[tilespmem:s0+$0x106B0] =	vst v62  }
0x26b: {  	[tilespmem:s0+$0x10730] =	vst v12  }
0x26c: {  	[tilespmem:s0+$0x107B0] =	vst v63  }
0x26d: {  	s21 =	sadd.s32 $0x10, s21;
	[tilespmem:s0+$0x10830] =	vst v0  }
0x26e: {  	s0 =	smul.u32 $0x1F4000, s19;
	_ =	sdelay $0x1  }
0x26f: {  	s0 =	sadd.s32 s6, s0  }
0x270: {  	s0 =	sshrl.u32 s0, $0x3  }
0x271: {  	p0 =	seq.s32 s19, $0x18;
	s0 =	sadd.s32 s2, s0  }
0x272: {  	[hbm4b:s0+s3] =	stream.linear.scatter [tilespmem:s13], [sflag:$0x3], $0x8000, $0x38;
	[tilespmem:$0x1A440] =	vst v63  }
0x273: {  	p1 =	seq.s32 @!p0 s19, $0x0;
	_ =	swait.ge [sflag:s14], $0x400  }
0x274: {  	s21 =	simm.s32 @!p0 $0x0;
	s0 =	sshll.u32 @!p0 s19, $0x8;
	[sflag:s14] =	ssyncset.done $0x0  }
0x275: {  	s22 =	simm.s32 @!p0 $0x9C40;
	s0 =	sadd.s32 @!p0 s0, s7;
	[sflag:s14] =	ssyncadd.s32 $0xFFFFFC00  }
0x276: {  	[tilespmem:s22], [sflag:$0x1] =	stream.linear.gather @!p0 [hbm4b:s0+s21], $0x400, $0x38;
	[tilespmem:$0x1A440] =	vst v63  }
0x277: {  	p0 =	por p0, !p1  }
0x278: {  	_ =	swait.ge @p0 [sflag:s17], $0x8000  }
0x279: {  	[sflag:s17] =	ssyncset.done @p0 $0x0  }
0x27a: {  	s21 =	simm.s32 $0x0;
	[sflag:s17] =	ssyncadd.s32 @p0 $0xFFFF8000  }
.LBB2_7:
0x27b: {  	s0 =	sshll.u32 s21, $0x4  }
0x27c: {  	s23 =	sand.u32 $0x3FFFFFF0, s0  }
0x27d: {  	v0 =	vld [tilespmem:s23+$0xA040];
	_ =	sdelay $0x4  }
0x27e: {  	v0 =	vmul.u32 $0x28, v0;
	_ =	sdelay $0x1  }
0x27f: {  	v1 =	vor.u32 $0x1, v0  }
0x280: {  	v2 =	vor.u32 $0x2, v0  }
0x281: {  	v3 =	vor.u32 $0x3, v0  }
0x282: {  	v4 =	vor.u32 $0x4, v0  }
0x283: {  	v6 =	vor.u32 $0x5, v0;
	v5 =	vld.idx.msk [tilespmem:v0+s3+$0x0], $0xffff  }
0x284: {  	v7 =	vor.u32 $0x6, v0;
	v1 =	vld.idx.msk [tilespmem:v1+s3+$0x0], $0xffff  }
0x285: {  	v8 =	vor.u32 $0x7, v0;
	v2 =	vld.idx.msk [tilespmem:v2+s3+$0x0], $0xffff  }
0x286: {  	v9 =	vadd.s32 $0x8, v0;
	v3 =	vld.idx.msk [tilespmem:v3+s3+$0x0], $0xffff  }
0x287: {  	v10 =	vadd.s32 $0x9, v0;
	v4 =	vld.idx.msk [tilespmem:v4+s3+$0x0], $0xffff  }
0x288: {  	v11 =	vadd.s32 $0xA, v0;
	v6 =	vld.idx.msk [tilespmem:v6+s3+$0x0], $0xffff  }
0x289: {  	v12 =	vadd.s32 $0xB, v0;
	v7 =	vld.idx.msk [tilespmem:v7+s3+$0x0], $0xffff  }
0x28a: {  	v13 =	vadd.s32 $0xC, v0;
	v8 =	vld.idx.msk [tilespmem:v8+s3+$0x0], $0xffff  }
0x28b: {  	v14 =	vadd.s32 $0xD, v0;
	v9 =	vld.idx.msk [tilespmem:v9+s3+$0x0], $0xffff  }
0x28c: {  	v15 =	vadd.s32 $0xE, v0;
	v10 =	vld.idx.msk [tilespmem:v10+s3+$0x0], $0xffff  }
0x28d: {  	v16 =	vadd.s32 $0xF, v0;
	v11 =	vld.idx.msk [tilespmem:v11+s3+$0x0], $0xffff  }
0x28e: {  	v17 =	vadd.s32 $0x10, v0;
	v12 =	vld.idx.msk [tilespmem:v12+s3+$0x0], $0xffff  }
0x28f: {  	v18 =	vadd.s32 $0x11, v0;
	v13 =	vld.idx.msk [tilespmem:v13+s3+$0x0], $0xffff  }
0x290: {  	v19 =	vadd.s32 $0x12, v0;
	v14 =	vld.idx.msk [tilespmem:v14+s3+$0x0], $0xffff  }
0x291: {  	v20 =	vadd.s32 $0x13, v0;
	v15 =	vld.idx.msk [tilespmem:v15+s3+$0x0], $0xffff  }
0x292: {  	v21 =	vadd.s32 $0x14, v0;
	v16 =	vld.idx.msk [tilespmem:v16+s3+$0x0], $0xffff  }
0x293: {  	v22 =	vadd.s32 $0x15, v0;
	v17 =	vld.idx.msk [tilespmem:v17+s3+$0x0], $0xffff  }
0x294: {  	v23 =	vadd.s32 $0x16, v0;
	v18 =	vld.idx.msk [tilespmem:v18+s3+$0x0], $0xffff  }
0x295: {  	v24 =	vadd.s32 $0x17, v0;
	v19 =	vld.idx.msk [tilespmem:v19+s3+$0x0], $0xffff  }
0x296: {  	v25 =	vadd.s32 $0x18, v0;
	v20 =	vld.idx.msk [tilespmem:v20+s3+$0x0], $0xffff  }
0x297: {  	v26 =	vadd.s32 $0x19, v0;
	v21 =	vld.idx.msk [tilespmem:v21+s3+$0x0], $0xffff  }
0x298: {  	v27 =	vadd.s32 $0x1A, v0;
	v22 =	vld.idx.msk [tilespmem:v22+s3+$0x0], $0xffff  }
0x299: {  	v28 =	vadd.s32 $0x1B, v0;
	v23 =	vld.idx.msk [tilespmem:v23+s3+$0x0], $0xffff  }
0x29a: {  	v29 =	vadd.s32 $0x1C, v0;
	v24 =	vld.idx.msk [tilespmem:v24+s3+$0x0], $0xffff  }
0x29b: {  	v30 =	vadd.s32 $0x1D, v0;
	v25 =	vld.idx.msk [tilespmem:v25+s3+$0x0], $0xffff  }
0x29c: {  	v31 =	vadd.s32 $0x1E, v0;
	v26 =	vld.idx.msk [tilespmem:v26+s3+$0x0], $0xffff  }
0x29d: {  	v0 =	vadd.s32 $0x1F, v0;
	v27 =	vld.idx.msk [tilespmem:v27+s3+$0x0], $0xffff  }
0x29e: {  	v28 =	vld.idx.msk [tilespmem:v28+s3+$0x0], $0xffff  }
0x29f: {  	v29 =	vld.idx.msk [tilespmem:v29+s3+$0x0], $0xffff  }
0x2a0: {  	s30 =	sshll.u32 s21, $0x7;
	v30 =	vld.idx.msk [tilespmem:v30+s3+$0x0], $0xffff  }
0x2a1: {  	s22 =	sand.u32 $0x3FFFFF80, s30;
	v31 =	vld.idx.msk [tilespmem:v31+s3+$0x0], $0xffff  }
0x2a2: {  	v0 =	vld.idx.msk [tilespmem:v0+s3+$0x0], $0xffff;
	[tilespmem:s22+$0x12440] =	vst v5  }
0x2a3: {  	[tilespmem:s22+$0x124C0] =	vst v1  }
0x2a4: {  	[tilespmem:s22+$0x12540] =	vst v2  }
0x2a5: {  	[tilespmem:s22+$0x125C0] =	vst v3  }
0x2a6: {  	[tilespmem:s22+$0x12640] =	vst v4  }
0x2a7: {  	[tilespmem:s22+$0x126C0] =	vst v6  }
0x2a8: {  	[tilespmem:s22+$0x12740] =	vst v7  }
0x2a9: {  	[tilespmem:s22+$0x127C0] =	vst v8  }
0x2aa: {  	v49 =	vld [tilespmem:s23+$0xA050]  }
0x2ab: {  	v45 =	vld [tilespmem:s23+$0xA060];
	_ =	sdelay $0x3  }
0x2ac: {  	v1 =	vmul.u32 $0x28, v49  }
0x2ad: {  	[tilespmem:s22+$0x166C0] =	vst v22;
	v22 =	vmul.u32 $0x28, v45;
	_ =	sdelay $0x1  }
0x2ae: {  	v50 =	vor.u32 $0x1, v1  }
0x2af: {  	v51 =	vor.u32 $0x2, v1  }
0x2b0: {  	v52 =	vor.u32 $0x3, v1  }
0x2b1: {  	v53 =	vor.u32 $0x4, v1;
	v6 =	vld.idx.msk [tilespmem:v1+s3+$0x0], $0xffff  }
0x2b2: {  	[tilespmem:s22+$0x185C0] =	vst v28;
	v54 =	vor.u32 $0x5, v1;
	v28 =	vld.idx.msk [tilespmem:v22+s3+$0x0], $0xffff  }
0x2b3: {  	v55 =	vor.u32 $0x6, v1;
	v2 =	vld.idx.msk [tilespmem:v50+s3+$0x0], $0xffff  }
0x2b4: {  	v32 =	vor.u32 $0x7, v1;
	v3 =	vld.idx.msk [tilespmem:v51+s3+$0x0], $0xffff  }
0x2b5: {  	v33 =	vadd.s32 $0x8, v1;
	v4 =	vld.idx.msk [tilespmem:v52+s3+$0x0], $0xffff  }
0x2b6: {  	v34 =	vadd.s32 $0x9, v1;
	v5 =	vld.idx.msk [tilespmem:v53+s3+$0x0], $0xffff  }
0x2b7: {  	v35 =	vadd.s32 $0xA, v1;
	v7 =	vld.idx.msk [tilespmem:v54+s3+$0x0], $0xffff  }
0x2b8: {  	v36 =	vadd.s32 $0xB, v1;
	v8 =	vld.idx.msk [tilespmem:v55+s3+$0x0], $0xffff  }
0x2b9: {  	v37 =	vadd.s32 $0xC, v1;
	v32 =	vld.idx.msk [tilespmem:v32+s3+$0x0], $0xffff  }
0x2ba: {  	v38 =	vadd.s32 $0xD, v1;
	v33 =	vld.idx.msk [tilespmem:v33+s3+$0x0], $0xffff  }
0x2bb: {  	v39 =	vadd.s32 $0xE, v1;
	v34 =	vld.idx.msk [tilespmem:v34+s3+$0x0], $0xffff  }
0x2bc: {  	v40 =	vadd.s32 $0xF, v1;
	v35 =	vld.idx.msk [tilespmem:v35+s3+$0x0], $0xffff  }
0x2bd: {  	v41 =	vadd.s32 $0x10, v1;
	v36 =	vld.idx.msk [tilespmem:v36+s3+$0x0], $0xffff  }
0x2be: {  	v42 =	vadd.s32 $0x11, v1;
	v37 =	vld.idx.msk [tilespmem:v37+s3+$0x0], $0xffff  }
0x2bf: {  	[tilespmem:s22+$0x14440] =	vst v9;
	v43 =	vadd.s32 $0x12, v1;
	v38 =	vld.idx.msk [tilespmem:v38+s3+$0x0], $0xffff  }
0x2c0: {  	[tilespmem:s22+$0x144C0] =	vst v10;
	v56 =	vadd.s32 $0x13, v1;
	v9 =	vld.idx.msk [tilespmem:v39+s3+$0x0], $0xffff  }
0x2c1: {  	[tilespmem:s22+$0x14540] =	vst v11;
	v57 =	vadd.s32 $0x14, v1;
	v10 =	vld.idx.msk [tilespmem:v40+s3+$0x0], $0xffff  }
0x2c2: {  	[tilespmem:s22+$0x145C0] =	vst v12;
	v58 =	vadd.s32 $0x15, v1;
	v11 =	vld.idx.msk [tilespmem:v41+s3+$0x0], $0xffff  }
0x2c3: {  	[tilespmem:s22+$0x14640] =	vst v13;
	v59 =	vadd.s32 $0x16, v1;
	v12 =	vld.idx.msk [tilespmem:v42+s3+$0x0], $0xffff  }
0x2c4: {  	[tilespmem:s22+$0x146C0] =	vst v14;
	v60 =	vadd.s32 $0x17, v1;
	v13 =	vld.idx.msk [tilespmem:v43+s3+$0x0], $0xffff  }
0x2c5: {  	[tilespmem:s22+$0x14740] =	vst v15;
	v61 =	vadd.s32 $0x18, v1;
	v14 =	vld.idx.msk [tilespmem:v56+s3+$0x0], $0xffff  }
0x2c6: {  	[tilespmem:s22+$0x147C0] =	vst v16;
	v62 =	vadd.s32 $0x19, v1;
	v15 =	vld.idx.msk [tilespmem:v57+s3+$0x0], $0xffff  }
0x2c7: {  	[tilespmem:s22+$0x16440] =	vst v17;
	v63 =	vadd.s32 $0x1A, v1;
	v16 =	vld.idx.msk [tilespmem:v58+s3+$0x0], $0xffff  }
0x2c8: {  	[tilespmem:s22+$0x164C0] =	vst v18;
	v46 =	vadd.s32 $0x1B, v1;
	v18 =	vld.idx.msk [tilespmem:v59+s3+$0x0], $0xffff  }
0x2c9: {  	[tilespmem:s22+$0x16540] =	vst v19;
	v47 =	vadd.s32 $0x1C, v1;
	v19 =	vld.idx.msk [tilespmem:v60+s3+$0x0], $0xffff  }
0x2ca: {  	[tilespmem:s22+$0x165C0] =	vst v20;
	v48 =	vadd.s32 $0x1D, v1;
	v20 =	vld.idx.msk [tilespmem:v61+s3+$0x0], $0xffff  }
0x2cb: {  	[tilespmem:s22+$0x16640] =	vst v21;
	v49 =	vadd.s32 $0x1E, v1;
	v21 =	vld.idx.msk [tilespmem:v62+s3+$0x0], $0xffff  }
0x2cc: {  	[tilespmem:s22+$0x16740] =	vst v23;
	v1 =	vadd.s32 $0x1F, v1;
	v17 =	vld.idx.msk [tilespmem:v63+s3+$0x0], $0xffff  }
0x2cd: {  	[tilespmem:s22+$0x167C0] =	vst v24;
	v23 =	vld.idx.msk [tilespmem:v46+s3+$0x0], $0xffff;
	v50 =	vor.u32 $0x1, v22  }
0x2ce: {  	[tilespmem:s22+$0x18440] =	vst v25;
	v24 =	vld.idx.msk [tilespmem:v47+s3+$0x0], $0xffff;
	v51 =	vor.u32 $0x2, v22  }
0x2cf: {  	[tilespmem:s22+$0x184C0] =	vst v26;
	v25 =	vld.idx.msk [tilespmem:v48+s3+$0x0], $0xffff;
	v52 =	vor.u32 $0x3, v22  }
0x2d0: {  	[tilespmem:s22+$0x18540] =	vst v27;
	v26 =	vld.idx.msk [tilespmem:v49+s3+$0x0], $0xffff;
	v53 =	vor.u32 $0x4, v22  }
0x2d1: {  	[tilespmem:s22+$0x18640] =	vst v29;
	v54 =	vor.u32 $0x5, v22;
	v1 =	vld.idx.msk [tilespmem:v1+s3+$0x0], $0xffff  }
0x2d2: {  	[tilespmem:s22+$0x186C0] =	vst v30;
	v55 =	vor.u32 $0x6, v22;
	v29 =	vld.idx.msk [tilespmem:v50+s3+$0x0], $0xffff  }
0x2d3: {  	[tilespmem:s22+$0x18740] =	vst v31;
	v56 =	vor.u32 $0x7, v22;
	v30 =	vld.idx.msk [tilespmem:v51+s3+$0x0], $0xffff  }
0x2d4: {  	[tilespmem:s22+$0x187C0] =	vst v0;
	v57 =	vadd.s32 $0x8, v22;
	v31 =	vld.idx.msk [tilespmem:v52+s3+$0x0], $0xffff  }
0x2d5: {  	v58 =	vadd.s32 $0x9, v22;
	[tilespmem:s22+$0x12450] =	vst v6;
	v0 =	vld.idx.msk [tilespmem:v53+s3+$0x0], $0xffff  }
0x2d6: {  	v59 =	vadd.s32 $0xA, v22;
	v6 =	vld.idx.msk [tilespmem:v54+s3+$0x0], $0xffff;
	[tilespmem:s22+$0x124D0] =	vst v2  }
0x2d7: {  	v60 =	vadd.s32 $0xB, v22;
	v2 =	vld.idx.msk [tilespmem:v55+s3+$0x0], $0xffff;
	[tilespmem:s22+$0x12550] =	vst v3  }
0x2d8: {  	v61 =	vadd.s32 $0xC, v22;
	v3 =	vld.idx.msk [tilespmem:v56+s3+$0x0], $0xffff;
	[tilespmem:s22+$0x125D0] =	vst v4  }
0x2d9: {  	v62 =	vadd.s32 $0xD, v22;
	v4 =	vld.idx.msk [tilespmem:v57+s3+$0x0], $0xffff;
	[tilespmem:s22+$0x12650] =	vst v5  }
0x2da: {  	v63 =	vadd.s32 $0xE, v22;
	v5 =	vld.idx.msk [tilespmem:v58+s3+$0x0], $0xffff;
	[tilespmem:s22+$0x126D0] =	vst v7  }
0x2db: {  	v45 =	vadd.s32 $0xF, v22;
	v7 =	vld.idx.msk [tilespmem:v59+s3+$0x0], $0xffff;
	[tilespmem:s22+$0x12750] =	vst v8  }
0x2dc: {  	v46 =	vadd.s32 $0x10, v22;
	v8 =	vld.idx.msk [tilespmem:v60+s3+$0x0], $0xffff;
	[tilespmem:s22+$0x127D0] =	vst v32  }
0x2dd: {  	v47 =	vadd.s32 $0x11, v22;
	v32 =	vld.idx.msk [tilespmem:v61+s3+$0x0], $0xffff;
	[tilespmem:s22+$0x14450] =	vst v33  }
0x2de: {  	v48 =	vadd.s32 $0x12, v22;
	v33 =	vld.idx.msk [tilespmem:v62+s3+$0x0], $0xffff;
	[tilespmem:s22+$0x144D0] =	vst v34  }
0x2df: {  	v49 =	vadd.s32 $0x13, v22;
	v27 =	vld.idx.msk [tilespmem:v63+s3+$0x0], $0xffff;
	[tilespmem:s22+$0x14550] =	vst v35  }
0x2e0: {  	v35 =	vld.idx.msk [tilespmem:v45+s3+$0x0], $0xffff;
	[tilespmem:s22+$0x145D0] =	vst v36  }
0x2e1: {  	v50 =	vadd.s32 $0x14, v22;
	v36 =	vld.idx.msk [tilespmem:v46+s3+$0x0], $0xffff;
	[tilespmem:s22+$0x14650] =	vst v37  }
0x2e2: {  	v51 =	vadd.s32 $0x15, v22;
	v37 =	vld.idx.msk [tilespmem:v47+s3+$0x0], $0xffff;
	[tilespmem:s22+$0x146D0] =	vst v38  }
0x2e3: {  	v38 =	vld.idx.msk [tilespmem:v48+s3+$0x0], $0xffff;
	v52 =	vadd.s32 $0x16, v22;
	[tilespmem:s22+$0x14750] =	vst v9  }
0x2e4: {  	v9 =	vld.idx.msk [tilespmem:v49+s3+$0x0], $0xffff;
	v53 =	vadd.s32 $0x17, v22;
	[tilespmem:s22+$0x147D0] =	vst v10  }
0x2e5: {  	v54 =	vadd.s32 $0x18, v22;
	[tilespmem:s22+$0x16450] =	vst v11;
	v57 =	vld [tilespmem:s23+$0xA070]  }
0x2e6: {  	v55 =	vadd.s32 $0x19, v22;
	[tilespmem:s22+$0x164D0] =	vst v12;
	v10 =	vld.idx.msk [tilespmem:v50+s3+$0x0], $0xffff  }
0x2e7: {  	v56 =	vadd.s32 $0x1A, v22;
	[tilespmem:s22+$0x16550] =	vst v13;
	v11 =	vld.idx.msk [tilespmem:v51+s3+$0x0], $0xffff  }
0x2e8: {  	v58 =	vadd.s32 $0x1B, v22;
	[tilespmem:s22+$0x165D0] =	vst v14;
	v13 =	vld.idx.msk [tilespmem:v52+s3+$0x0], $0xffff  }
0x2e9: {  	v59 =	vadd.s32 $0x1C, v22;
	[tilespmem:s22+$0x16650] =	vst v15;
	v14 =	vld.idx.msk [tilespmem:v53+s3+$0x0], $0xffff  }
0x2ea: {  	v60 =	vadd.s32 $0x1D, v22;
	[tilespmem:s22+$0x166D0] =	vst v16;
	v15 =	vld.idx.msk [tilespmem:v54+s3+$0x0], $0xffff  }
0x2eb: {  	v61 =	vadd.s32 $0x1E, v22;
	[tilespmem:s22+$0x16750] =	vst v18;
	v16 =	vld.idx.msk [tilespmem:v55+s3+$0x0], $0xffff  }
0x2ec: {  	v62 =	vadd.s32 $0x1F, v22;
	[tilespmem:s22+$0x167D0] =	vst v19;
	v12 =	vld.idx.msk [tilespmem:v56+s3+$0x0], $0xffff;
	v22 =	vmul.u32 $0x28, v57  }
0x2ed: {  	[tilespmem:s22+$0x18450] =	vst v20;
	v19 =	vld.idx.msk [tilespmem:v58+s3+$0x0], $0xffff  }
0x2ee: {  	[tilespmem:s22+$0x184D0] =	vst v21;
	v20 =	vld.idx.msk [tilespmem:v59+s3+$0x0], $0xffff;
	v63 =	vor.u32 $0x1, v22  }
0x2ef: {  	[tilespmem:s22+$0x18550] =	vst v17;
	v21 =	vld.idx.msk [tilespmem:v60+s3+$0x0], $0xffff;
	v44 =	vor.u32 $0x2, v22  }
0x2f0: {  	[tilespmem:s22+$0x185D0] =	vst v23;
	v17 =	vld.idx.msk [tilespmem:v61+s3+$0x0], $0xffff;
	v45 =	vor.u32 $0x3, v22  }
0x2f1: {  	[tilespmem:s22+$0x18650] =	vst v24;
	v18 =	vld.idx.msk [tilespmem:v62+s3+$0x0], $0xffff;
	v46 =	vor.u32 $0x4, v22  }
0x2f2: {  	[tilespmem:s22+$0x186D0] =	vst v25;
	v47 =	vor.u32 $0x5, v22;
	v24 =	vld.idx.msk [tilespmem:v22+s3+$0x0], $0xffff  }
0x2f3: {  	[tilespmem:s22+$0x18750] =	vst v26;
	v48 =	vor.u32 $0x6, v22;
	v25 =	vld.idx.msk [tilespmem:v63+s3+$0x0], $0xffff  }
0x2f4: {  	[tilespmem:s22+$0x187D0] =	vst v1;
	v49 =	vor.u32 $0x7, v22;
	v26 =	vld.idx.msk [tilespmem:v44+s3+$0x0], $0xffff  }
0x2f5: {  	[tilespmem:s22+$0x12460] =	vst v28;
	v50 =	vadd.s32 $0x8, v22;
	v1 =	vld.idx.msk [tilespmem:v45+s3+$0x0], $0xffff  }
0x2f6: {  	[tilespmem:s22+$0x124E0] =	vst v29;
	v51 =	vadd.s32 $0x9, v22;
	v23 =	vld.idx.msk [tilespmem:v46+s3+$0x0], $0xffff  }
0x2f7: {  	[tilespmem:s22+$0x12560] =	vst v30;
	v52 =	vadd.s32 $0xA, v22;
	v29 =	vld.idx.msk [tilespmem:v47+s3+$0x0], $0xffff  }
0x2f8: {  	[tilespmem:s22+$0x125E0] =	vst v31;
	v53 =	vadd.s32 $0xB, v22;
	v30 =	vld.idx.msk [tilespmem:v48+s3+$0x0], $0xffff  }
0x2f9: {  	[tilespmem:s22+$0x12660] =	vst v0;
	v54 =	vadd.s32 $0xC, v22;
	v31 =	vld.idx.msk [tilespmem:v49+s3+$0x0], $0xffff  }
0x2fa: {  	[tilespmem:s22+$0x126E0] =	vst v6;
	v55 =	vadd.s32 $0xD, v22;
	v0 =	vld.idx.msk [tilespmem:v50+s3+$0x0], $0xffff  }
0x2fb: {  	[tilespmem:s22+$0x12760] =	vst v2;
	v56 =	vadd.s32 $0xE, v22;
	v6 =	vld.idx.msk [tilespmem:v51+s3+$0x0], $0xffff  }
0x2fc: {  	[tilespmem:s22+$0x127E0] =	vst v3;
	v57 =	vadd.s32 $0xF, v22;
	v2 =	vld.idx.msk [tilespmem:v52+s3+$0x0], $0xffff  }
0x2fd: {  	[tilespmem:s22+$0x14460] =	vst v4;
	v58 =	vadd.s32 $0x10, v22;
	v3 =	vld.idx.msk [tilespmem:v53+s3+$0x0], $0xffff  }
0x2fe: {  	[tilespmem:s22+$0x144E0] =	vst v5;
	v59 =	vadd.s32 $0x11, v22;
	v4 =	vld.idx.msk [tilespmem:v54+s3+$0x0], $0xffff  }
0x2ff: {  	[tilespmem:s22+$0x14560] =	vst v7;
	v60 =	vadd.s32 $0x12, v22;
	v5 =	vld.idx.msk [tilespmem:v55+s3+$0x0], $0xffff  }
0x300: {  	[tilespmem:s22+$0x145E0] =	vst v8;
	v61 =	vadd.s32 $0x13, v22;
	v7 =	vld.idx.msk [tilespmem:v56+s3+$0x0], $0xffff  }
0x301: {  	[tilespmem:s22+$0x14660] =	vst v32;
	v62 =	vadd.s32 $0x14, v22;
	v8 =	vld.idx.msk [tilespmem:v57+s3+$0x0], $0xffff  }
0x302: {  	[tilespmem:s22+$0x146E0] =	vst v33;
	v32 =	vld.idx.msk [tilespmem:v58+s3+$0x0], $0xffff  }
0x303: {  	[tilespmem:s22+$0x14760] =	vst v27;
	v63 =	vadd.s32 $0x15, v22;
	v33 =	vld.idx.msk [tilespmem:v59+s3+$0x0], $0xffff  }
0x304: {  	[tilespmem:s22+$0x147E0] =	vst v35;
	v27 =	vld.idx.msk [tilespmem:v60+s3+$0x0], $0xffff;
	v44 =	vadd.s32 $0x16, v22  }
0x305: {  	[tilespmem:s22+$0x16460] =	vst v36;
	v28 =	vld.idx.msk [tilespmem:v61+s3+$0x0], $0xffff;
	v45 =	vadd.s32 $0x17, v22  }
0x306: {  	[tilespmem:s22+$0x164E0] =	vst v37;
	v36 =	vld.idx.msk [tilespmem:v62+s3+$0x0], $0xffff;
	v46 =	vadd.s32 $0x18, v22  }
0x307: {  	[tilespmem:s22+$0x16560] =	vst v38;
	v47 =	vadd.s32 $0x19, v22;
	v49 =	vld [tilespmem:s23+$0xA080]  }
0x308: {  	[tilespmem:s22+$0x165E0] =	vst v9;
	v48 =	vadd.s32 $0x1A, v22;
	v34 =	vld.idx.msk [tilespmem:v63+s3+$0x0], $0xffff  }
0x309: {  	[tilespmem:s22+$0x16660] =	vst v10;
	v50 =	vadd.s32 $0x1B, v22;
	v9 =	vld.idx.msk [tilespmem:v44+s3+$0x0], $0xffff  }
0x30a: {  	[tilespmem:s22+$0x166E0] =	vst v11;
	v51 =	vadd.s32 $0x1C, v22;
	v10 =	vld.idx.msk [tilespmem:v45+s3+$0x0], $0xffff  }
0x30b: {  	[tilespmem:s22+$0x16760] =	vst v13;
	v52 =	vadd.s32 $0x1D, v22;
	v11 =	vld.idx.msk [tilespmem:v46+s3+$0x0], $0xffff  }
0x30c: {  	[tilespmem:s22+$0x167E0] =	vst v14;
	v53 =	vadd.s32 $0x1E, v22;
	v13 =	vld.idx.msk [tilespmem:v47+s3+$0x0], $0xffff  }
0x30d: {  	[tilespmem:s22+$0x18460] =	vst v15;
	v22 =	vadd.s32 $0x1F, v22;
	v14 =	vld.idx.msk [tilespmem:v48+s3+$0x0], $0xffff;
	v38 =	vmul.u32 $0x28, v49  }
0x30e: {  	[tilespmem:s22+$0x184E0] =	vst v16;
	v15 =	vld.idx.msk [tilespmem:v50+s3+$0x0], $0xffff  }
0x30f: {  	[tilespmem:s22+$0x18560] =	vst v12;
	v16 =	vld.idx.msk [tilespmem:v51+s3+$0x0], $0xffff;
	v54 =	vor.u32 $0x1, v38  }
0x310: {  	[tilespmem:s22+$0x185E0] =	vst v19;
	v12 =	vld.idx.msk [tilespmem:v52+s3+$0x0], $0xffff;
	v55 =	vor.u32 $0x2, v38  }
0x311: {  	[tilespmem:s22+$0x18660] =	vst v20;
	v19 =	vld.idx.msk [tilespmem:v53+s3+$0x0], $0xffff;
	v56 =	vor.u32 $0x3, v38  }
0x312: {  	[tilespmem:s22+$0x186E0] =	vst v21;
	v20 =	vld.idx.msk [tilespmem:v22+s3+$0x0], $0xffff;
	v57 =	vor.u32 $0x4, v38  }
0x313: {  	[tilespmem:s22+$0x18760] =	vst v17;
	v58 =	vor.u32 $0x5, v38;
	v21 =	vld.idx.msk [tilespmem:v38+s3+$0x0], $0xffff  }
0x314: {  	[tilespmem:s22+$0x187E0] =	vst v18;
	v59 =	vor.u32 $0x6, v38;
	v17 =	vld.idx.msk [tilespmem:v54+s3+$0x0], $0xffff  }
0x315: {  	[tilespmem:s22+$0x12470] =	vst v24;
	v60 =	vor.u32 $0x7, v38;
	v18 =	vld.idx.msk [tilespmem:v55+s3+$0x0], $0xffff  }
0x316: {  	[tilespmem:s22+$0x124F0] =	vst v25;
	v61 =	vadd.s32 $0x8, v38;
	v24 =	vld.idx.msk [tilespmem:v56+s3+$0x0], $0xffff  }
0x317: {  	[tilespmem:s22+$0x12570] =	vst v26;
	v62 =	vadd.s32 $0x9, v38;
	v22 =	vld.idx.msk [tilespmem:v57+s3+$0x0], $0xffff  }
0x318: {  	[tilespmem:s22+$0x125F0] =	vst v1;
	v63 =	vadd.s32 $0xA, v38;
	v26 =	vld.idx.msk [tilespmem:v58+s3+$0x0], $0xffff  }
0x319: {  	[tilespmem:s22+$0x12670] =	vst v23;
	v44 =	vadd.s32 $0xB, v38;
	v1 =	vld.idx.msk [tilespmem:v59+s3+$0x0], $0xffff  }
0x31a: {  	[tilespmem:s22+$0x126F0] =	vst v29;
	v45 =	vadd.s32 $0xC, v38;
	v23 =	vld.idx.msk [tilespmem:v60+s3+$0x0], $0xffff  }
0x31b: {  	[tilespmem:s22+$0x12770] =	vst v30;
	v46 =	vadd.s32 $0xD, v38;
	v29 =	vld.idx.msk [tilespmem:v61+s3+$0x0], $0xffff  }
0x31c: {  	[tilespmem:s22+$0x127F0] =	vst v31;
	v47 =	vadd.s32 $0xE, v38;
	v25 =	vld.idx.msk [tilespmem:v62+s3+$0x0], $0xffff  }
0x31d: {  	[tilespmem:s22+$0x14470] =	vst v0;
	v48 =	vadd.s32 $0xF, v38;
	v31 =	vld.idx.msk [tilespmem:v63+s3+$0x0], $0xffff  }
0x31e: {  	[tilespmem:s22+$0x144F0] =	vst v6;
	v49 =	vadd.s32 $0x10, v38;
	v0 =	vld.idx.msk [tilespmem:v44+s3+$0x0], $0xffff  }
0x31f: {  	[tilespmem:s22+$0x14570] =	vst v2;
	v50 =	vadd.s32 $0x11, v38;
	v6 =	vld.idx.msk [tilespmem:v45+s3+$0x0], $0xffff  }
0x320: {  	[tilespmem:s22+$0x145F0] =	vst v3;
	v51 =	vadd.s32 $0x12, v38;
	v2 =	vld.idx.msk [tilespmem:v46+s3+$0x0], $0xffff  }
0x321: {  	[tilespmem:s22+$0x14670] =	vst v4;
	v52 =	vadd.s32 $0x13, v38;
	v3 =	vld.idx.msk [tilespmem:v47+s3+$0x0], $0xffff  }
0x322: {  	[tilespmem:s22+$0x146F0] =	vst v5;
	v53 =	vadd.s32 $0x14, v38;
	v4 =	vld.idx.msk [tilespmem:v48+s3+$0x0], $0xffff  }
0x323: {  	[tilespmem:s22+$0x14770] =	vst v7;
	v5 =	vld.idx.msk [tilespmem:v49+s3+$0x0], $0xffff  }
0x324: {  	[tilespmem:s22+$0x147F0] =	vst v8;
	v42 =	vadd.s32 $0x1E, v38;
	v7 =	vld.idx.msk [tilespmem:v50+s3+$0x0], $0xffff  }
0x325: {  	[tilespmem:s22+$0x16470] =	vst v32;
	v43 =	vadd.s32 $0x1F, v38;
	v8 =	vld.idx.msk [tilespmem:v51+s3+$0x0], $0xffff  }
0x326: {  	[tilespmem:s22+$0x164F0] =	vst v33;
	v54 =	vadd.s32 $0x15, v38;
	v30 =	vld.idx.msk [tilespmem:v52+s3+$0x0], $0xffff  }
0x327: {  	[tilespmem:s22+$0x16570] =	vst v27;
	v55 =	vadd.s32 $0x16, v38;
	v33 =	vld.idx.msk [tilespmem:v53+s3+$0x0], $0xffff  }
0x328: {  	[tilespmem:s22+$0x165F0] =	vst v28;
	v56 =	vadd.s32 $0x17, v38;
	v60 =	vld [tilespmem:s23+$0xA090]  }
0x329: {  	[tilespmem:s22+$0x18670] =	vst v16;
	v57 =	vadd.s32 $0x18, v38;
	v16 =	vld.idx.msk [tilespmem:v42+s3+$0x0], $0xffff  }
0x32a: {  	[tilespmem:s22+$0x186F0] =	vst v12;
	v58 =	vadd.s32 $0x19, v38;
	v12 =	vld.idx.msk [tilespmem:v43+s3+$0x0], $0xffff  }
0x32b: {  	[tilespmem:s22+$0x16670] =	vst v36;
	v59 =	vadd.s32 $0x1A, v38;
	v27 =	vld.idx.msk [tilespmem:v54+s3+$0x0], $0xffff  }
0x32c: {  	[tilespmem:s22+$0x166F0] =	vst v34;
	v61 =	vadd.s32 $0x1B, v38;
	v36 =	vld.idx.msk [tilespmem:v55+s3+$0x0], $0xffff  }
0x32d: {  	[tilespmem:s22+$0x16770] =	vst v9;
	v62 =	vadd.s32 $0x1C, v38;
	v32 =	vld.idx.msk [tilespmem:v56+s3+$0x0], $0xffff  }
0x32e: {  	[tilespmem:s22+$0x167F0] =	vst v10;
	v63 =	vadd.s32 $0x1D, v38;
	v9 =	vld.idx.msk [tilespmem:v57+s3+$0x0], $0xffff;
	v38 =	vmul.u32 $0x28, v60  }
0x32f: {  	[tilespmem:s22+$0x18470] =	vst v11;
	v10 =	vld.idx.msk [tilespmem:v58+s3+$0x0], $0xffff  }
0x330: {  	[tilespmem:s22+$0x184F0] =	vst v13;
	v11 =	vld.idx.msk [tilespmem:v59+s3+$0x0], $0xffff;
	v44 =	vor.u32 $0x1, v38  }
0x331: {  	[tilespmem:s22+$0x18570] =	vst v14;
	v13 =	vld.idx.msk [tilespmem:v61+s3+$0x0], $0xffff;
	v45 =	vor.u32 $0x2, v38  }
0x332: {  	[tilespmem:s22+$0x185F0] =	vst v15;
	v14 =	vld.idx.msk [tilespmem:v62+s3+$0x0], $0xffff;
	v46 =	vor.u32 $0x3, v38  }
0x333: {  	[tilespmem:s22+$0x18770] =	vst v19;
	v15 =	vld.idx.msk [tilespmem:v63+s3+$0x0], $0xffff;
	v47 =	vor.u32 $0x4, v38  }
0x334: {  	[tilespmem:s22+$0x187F0] =	vst v20;
	v48 =	vor.u32 $0x5, v38;
	v19 =	vld.idx.msk [tilespmem:v38+s3+$0x0], $0xffff  }
0x335: {  	[tilespmem:s22+$0x12480] =	vst v21;
	v49 =	vor.u32 $0x6, v38;
	v20 =	vld.idx.msk [tilespmem:v44+s3+$0x0], $0xffff  }
0x336: {  	[tilespmem:s22+$0x12500] =	vst v17;
	v50 =	vor.u32 $0x7, v38;
	v21 =	vld.idx.msk [tilespmem:v45+s3+$0x0], $0xffff  }
0x337: {  	[tilespmem:s22+$0x12580] =	vst v18;
	v51 =	vadd.s32 $0x8, v38;
	v17 =	vld.idx.msk [tilespmem:v46+s3+$0x0], $0xffff  }
0x338: {  	[tilespmem:s22+$0x12600] =	vst v24;
	v52 =	vadd.s32 $0x9, v38;
	v18 =	vld.idx.msk [tilespmem:v47+s3+$0x0], $0xffff  }
0x339: {  	[tilespmem:s22+$0x12680] =	vst v22;
	v53 =	vadd.s32 $0xA, v38;
	v24 =	vld.idx.msk [tilespmem:v48+s3+$0x0], $0xffff  }
0x33a: {  	[tilespmem:s22+$0x12700] =	vst v26;
	v54 =	vadd.s32 $0xB, v38;
	v22 =	vld.idx.msk [tilespmem:v49+s3+$0x0], $0xffff  }
0x33b: {  	[tilespmem:s22+$0x12780] =	vst v1;
	v55 =	vadd.s32 $0xC, v38;
	v26 =	vld.idx.msk [tilespmem:v50+s3+$0x0], $0xffff  }
0x33c: {  	[tilespmem:s22+$0x12800] =	vst v23;
	v56 =	vadd.s32 $0xD, v38;
	v1 =	vld.idx.msk [tilespmem:v51+s3+$0x0], $0xffff  }
0x33d: {  	[tilespmem:s22+$0x14480] =	vst v29;
	v57 =	vadd.s32 $0xE, v38;
	v23 =	vld.idx.msk [tilespmem:v52+s3+$0x0], $0xffff  }
0x33e: {  	[tilespmem:s22+$0x14500] =	vst v25;
	v58 =	vadd.s32 $0xF, v38;
	v29 =	vld.idx.msk [tilespmem:v53+s3+$0x0], $0xffff  }
0x33f: {  	[tilespmem:s22+$0x14580] =	vst v31;
	v59 =	vadd.s32 $0x10, v38;
	v25 =	vld.idx.msk [tilespmem:v54+s3+$0x0], $0xffff  }
0x340: {  	[tilespmem:s22+$0x14600] =	vst v0;
	v60 =	vadd.s32 $0x11, v38;
	v31 =	vld.idx.msk [tilespmem:v55+s3+$0x0], $0xffff  }
0x341: {  	[tilespmem:s22+$0x14680] =	vst v6;
	v61 =	vadd.s32 $0x12, v38;
	v0 =	vld.idx.msk [tilespmem:v56+s3+$0x0], $0xffff  }
0x342: {  	[tilespmem:s22+$0x14700] =	vst v2;
	v62 =	vadd.s32 $0x13, v38;
	v6 =	vld.idx.msk [tilespmem:v57+s3+$0x0], $0xffff  }
0x343: {  	[tilespmem:s22+$0x14780] =	vst v3;
	v63 =	vadd.s32 $0x14, v38;
	v2 =	vld.idx.msk [tilespmem:v58+s3+$0x0], $0xffff  }
0x344: {  	[tilespmem:s22+$0x14800] =	vst v4;
	v41 =	vadd.s32 $0x15, v38;
	v3 =	vld.idx.msk [tilespmem:v59+s3+$0x0], $0xffff  }
0x345: {  	[tilespmem:s22+$0x16480] =	vst v5;
	v4 =	vld.idx.msk [tilespmem:v60+s3+$0x0], $0xffff  }
0x346: {  	[tilespmem:s22+$0x16500] =	vst v7;
	v42 =	vadd.s32 $0x16, v38;
	v5 =	vld.idx.msk [tilespmem:v61+s3+$0x0], $0xffff  }
0x347: {  	[tilespmem:s22+$0x16580] =	vst v8;
	v43 =	vadd.s32 $0x17, v38;
	v7 =	vld.idx.msk [tilespmem:v62+s3+$0x0], $0xffff  }
0x348: {  	[tilespmem:s22+$0x16600] =	vst v30;
	v8 =	vld.idx.msk [tilespmem:v63+s3+$0x0], $0xffff;
	v44 =	vadd.s32 $0x18, v38  }
0x349: {  	[tilespmem:s22+$0x16680] =	vst v33;
	v30 =	vld.idx.msk [tilespmem:v41+s3+$0x0], $0xffff;
	v45 =	vadd.s32 $0x19, v38  }
0x34a: {  	[tilespmem:s22+$0x18780] =	vst v16;
	v46 =	vadd.s32 $0x1A, v38;
	v47 =	vld [tilespmem:s23+$0xA0A0]  }
0x34b: {  	[tilespmem:s22+$0x16700] =	vst v27;
	v27 =	vld.idx.msk [tilespmem:v42+s3+$0x0], $0xffff;
	v48 =	vadd.s32 $0x1B, v38  }
0x34c: {  	[tilespmem:s22+$0x18800] =	vst v12;
	v28 =	vld.idx.msk [tilespmem:v43+s3+$0x0], $0xffff;
	v49 =	vadd.s32 $0x1C, v38  }
0x34d: {  	[tilespmem:s22+$0x16800] =	vst v32;
	v50 =	vadd.s32 $0x1D, v38;
	v32 =	vld.idx.msk [tilespmem:v44+s3+$0x0], $0xffff  }
0x34e: {  	[tilespmem:s22+$0x18480] =	vst v9;
	v51 =	vadd.s32 $0x1E, v38;
	v9 =	vld.idx.msk [tilespmem:v45+s3+$0x0], $0xffff  }
0x34f: {  	[tilespmem:s22+$0x18500] =	vst v10;
	v52 =	vadd.s32 $0x1F, v38;
	v10 =	vld.idx.msk [tilespmem:v46+s3+$0x0], $0xffff;
	v38 =	vmul.u32 $0x28, v47  }
0x350: {  	[tilespmem:s22+$0x18580] =	vst v11;
	v11 =	vld.idx.msk [tilespmem:v48+s3+$0x0], $0xffff  }
0x351: {  	[tilespmem:s22+$0x18600] =	vst v13;
	v13 =	vld.idx.msk [tilespmem:v49+s3+$0x0], $0xffff;
	v53 =	vor.u32 $0x1, v38  }
0x352: {  	[tilespmem:s22+$0x18680] =	vst v14;
	v14 =	vld.idx.msk [tilespmem:v50+s3+$0x0], $0xffff;
	v54 =	vor.u32 $0x2, v38  }
0x353: {  	[tilespmem:s22+$0x18700] =	vst v15;
	v15 =	vld.idx.msk [tilespmem:v51+s3+$0x0], $0xffff;
	v55 =	vor.u32 $0x3, v38  }
0x354: {  	[tilespmem:s22+$0x16780] =	vst v36;
	v16 =	vld.idx.msk [tilespmem:v52+s3+$0x0], $0xffff;
	v56 =	vor.u32 $0x4, v38  }
0x355: {  	[tilespmem:s22+$0x12490] =	vst v19;
	v57 =	vor.u32 $0x5, v38;
	v12 =	vld.idx.msk [tilespmem:v38+s3+$0x0], $0xffff  }
0x356: {  	[tilespmem:s22+$0x12510] =	vst v20;
	v58 =	vor.u32 $0x6, v38;
	v19 =	vld.idx.msk [tilespmem:v53+s3+$0x0], $0xffff  }
0x357: {  	[tilespmem:s22+$0x12590] =	vst v21;
	v59 =	vor.u32 $0x7, v38;
	v20 =	vld.idx.msk [tilespmem:v54+s3+$0x0], $0xffff  }
0x358: {  	[tilespmem:s22+$0x12610] =	vst v17;
	v60 =	vadd.s32 $0x8, v38;
	v21 =	vld.idx.msk [tilespmem:v55+s3+$0x0], $0xffff  }
0x359: {  	[tilespmem:s22+$0x12690] =	vst v18;
	v61 =	vadd.s32 $0x9, v38;
	v17 =	vld.idx.msk [tilespmem:v56+s3+$0x0], $0xffff  }
0x35a: {  	[tilespmem:s22+$0x12710] =	vst v24;
	v62 =	vadd.s32 $0xA, v38;
	v18 =	vld.idx.msk [tilespmem:v57+s3+$0x0], $0xffff  }
0x35b: {  	[tilespmem:s22+$0x12790] =	vst v22;
	v63 =	vadd.s32 $0xB, v38;
	v24 =	vld.idx.msk [tilespmem:v58+s3+$0x0], $0xffff  }
0x35c: {  	[tilespmem:s22+$0x12810] =	vst v26;
	v40 =	vadd.s32 $0xC, v38;
	v22 =	vld.idx.msk [tilespmem:v59+s3+$0x0], $0xffff  }
0x35d: {  	[tilespmem:s22+$0x14490] =	vst v1;
	v41 =	vadd.s32 $0xD, v38;
	v26 =	vld.idx.msk [tilespmem:v60+s3+$0x0], $0xffff  }
0x35e: {  	[tilespmem:s22+$0x14510] =	vst v23;
	v42 =	vadd.s32 $0xE, v38;
	v1 =	vld.idx.msk [tilespmem:v61+s3+$0x0], $0xffff  }
0x35f: {  	[tilespmem:s22+$0x14590] =	vst v29;
	v43 =	vadd.s32 $0xF, v38;
	v23 =	vld.idx.msk [tilespmem:v62+s3+$0x0], $0xffff  }
0x360: {  	[tilespmem:s22+$0x14610] =	vst v25;
	v44 =	vadd.s32 $0x10, v38;
	v29 =	vld.idx.msk [tilespmem:v63+s3+$0x0], $0xffff  }
0x361: {  	[tilespmem:s22+$0x14690] =	vst v31;
	v45 =	vadd.s32 $0x11, v38;
	v25 =	vld.idx.msk [tilespmem:v40+s3+$0x0], $0xffff  }
0x362: {  	[tilespmem:s22+$0x14710] =	vst v0;
	v46 =	vadd.s32 $0x12, v38;
	v31 =	vld.idx.msk [tilespmem:v41+s3+$0x0], $0xffff  }
0x363: {  	[tilespmem:s22+$0x14790] =	vst v6;
	v47 =	vadd.s32 $0x13, v38;
	v0 =	vld.idx.msk [tilespmem:v42+s3+$0x0], $0xffff  }
0x364: {  	[tilespmem:s22+$0x14810] =	vst v2;
	v48 =	vadd.s32 $0x14, v38;
	v6 =	vld.idx.msk [tilespmem:v43+s3+$0x0], $0xffff  }
0x365: {  	[tilespmem:s22+$0x16490] =	vst v3;
	v49 =	vadd.s32 $0x15, v38;
	v2 =	vld.idx.msk [tilespmem:v44+s3+$0x0], $0xffff  }
0x366: {  	[tilespmem:s22+$0x16510] =	vst v4;
	v3 =	vld.idx.msk [tilespmem:v45+s3+$0x0], $0xffff  }
0x367: {  	[tilespmem:s22+$0x16590] =	vst v5;
	v50 =	vadd.s32 $0x16, v38;
	v4 =	vld.idx.msk [tilespmem:v46+s3+$0x0], $0xffff  }
0x368: {  	[tilespmem:s22+$0x16610] =	vst v7;
	v51 =	vadd.s32 $0x17, v38;
	v5 =	vld.idx.msk [tilespmem:v47+s3+$0x0], $0xffff  }
0x369: {  	[tilespmem:s22+$0x16690] =	vst v8;
	v52 =	vadd.s32 $0x18, v38;
	v7 =	vld.idx.msk [tilespmem:v48+s3+$0x0], $0xffff  }
0x36a: {  	[tilespmem:s22+$0x16710] =	vst v30;
	v8 =	vld.idx.msk [tilespmem:v49+s3+$0x0], $0xffff;
	v53 =	vadd.s32 $0x19, v38  }
0x36b: {  	[tilespmem:s22+$0x16790] =	vst v27;
	v54 =	vadd.s32 $0x1A, v38;
	v55 =	vld [tilespmem:s23+$0xA0B0]  }
0x36c: {  	[tilespmem:s22+$0x16810] =	vst v28;
	v27 =	vld.idx.msk [tilespmem:v50+s3+$0x0], $0xffff;
	v56 =	vadd.s32 $0x1B, v38  }
0x36d: {  	[tilespmem:s22+$0x18490] =	vst v32;
	v28 =	vld.idx.msk [tilespmem:v51+s3+$0x0], $0xffff;
	v57 =	vadd.s32 $0x1C, v38  }
0x36e: {  	[tilespmem:s22+$0x18510] =	vst v9;
	v32 =	vld.idx.msk [tilespmem:v52+s3+$0x0], $0xffff;
	v58 =	vadd.s32 $0x1D, v38  }
0x36f: {  	[tilespmem:s22+$0x18590] =	vst v10;
	v59 =	vadd.s32 $0x1E, v38;
	v9 =	vld.idx.msk [tilespmem:v53+s3+$0x0], $0xffff  }
0x370: {  	[tilespmem:s22+$0x18610] =	vst v11;
	v60 =	vadd.s32 $0x1F, v38;
	v10 =	vld.idx.msk [tilespmem:v54+s3+$0x0], $0xffff;
	v37 =	vmul.u32 $0x28, v55  }
0x371: {  	[tilespmem:s22+$0x18690] =	vst v13;
	v11 =	vld.idx.msk [tilespmem:v56+s3+$0x0], $0xffff  }
0x372: {  	[tilespmem:s22+$0x18710] =	vst v14;
	v13 =	vld.idx.msk [tilespmem:v57+s3+$0x0], $0xffff;
	v61 =	vor.u32 $0x1, v37  }
0x373: {  	[tilespmem:s22+$0x18790] =	vst v15;
	v14 =	vld.idx.msk [tilespmem:v58+s3+$0x0], $0xffff;
	v62 =	vor.u32 $0x2, v37  }
0x374: {  	[tilespmem:s22+$0x18810] =	vst v16;
	v15 =	vld.idx.msk [tilespmem:v59+s3+$0x0], $0xffff;
	v63 =	vor.u32 $0x3, v37  }
0x375: {  	v16 =	vld.idx.msk [tilespmem:v60+s3+$0x0], $0xffff;
	[tilespmem:s22+$0x124A0] =	vst v12;
	v40 =	vor.u32 $0x4, v37  }
0x376: {  	[tilespmem:s22+$0x12520] =	vst v19;
	v41 =	vor.u32 $0x5, v37;
	v12 =	vld.idx.msk [tilespmem:v37+s3+$0x0], $0xffff  }
0x377: {  	[tilespmem:s22+$0x125A0] =	vst v20;
	v42 =	vor.u32 $0x6, v37;
	v19 =	vld.idx.msk [tilespmem:v61+s3+$0x0], $0xffff  }
0x378: {  	[tilespmem:s22+$0x12620] =	vst v21;
	v43 =	vor.u32 $0x7, v37;
	v20 =	vld.idx.msk [tilespmem:v62+s3+$0x0], $0xffff  }
0x379: {  	[tilespmem:s22+$0x126A0] =	vst v17;
	v44 =	vadd.s32 $0x8, v37;
	v21 =	vld.idx.msk [tilespmem:v63+s3+$0x0], $0xffff  }
0x37a: {  	[tilespmem:s22+$0x12720] =	vst v18;
	v45 =	vadd.s32 $0x9, v37;
	v17 =	vld.idx.msk [tilespmem:v40+s3+$0x0], $0xffff  }
0x37b: {  	[tilespmem:s22+$0x127A0] =	vst v24;
	v46 =	vadd.s32 $0xA, v37;
	v18 =	vld.idx.msk [tilespmem:v41+s3+$0x0], $0xffff  }
0x37c: {  	[tilespmem:s22+$0x12820] =	vst v22;
	v47 =	vadd.s32 $0xB, v37;
	v24 =	vld.idx.msk [tilespmem:v42+s3+$0x0], $0xffff  }
0x37d: {  	[tilespmem:s22+$0x144A0] =	vst v26;
	v48 =	vadd.s32 $0xC, v37;
	v22 =	vld.idx.msk [tilespmem:v43+s3+$0x0], $0xffff  }
0x37e: {  	[tilespmem:s22+$0x14520] =	vst v1;
	v49 =	vadd.s32 $0xD, v37;
	v26 =	vld.idx.msk [tilespmem:v44+s3+$0x0], $0xffff  }
0x37f: {  	[tilespmem:s22+$0x145A0] =	vst v23;
	v50 =	vadd.s32 $0xE, v37;
	v1 =	vld.idx.msk [tilespmem:v45+s3+$0x0], $0xffff  }
0x380: {  	[tilespmem:s22+$0x14620] =	vst v29;
	v51 =	vadd.s32 $0xF, v37;
	v23 =	vld.idx.msk [tilespmem:v46+s3+$0x0], $0xffff  }
0x381: {  	[tilespmem:s22+$0x146A0] =	vst v25;
	v52 =	vadd.s32 $0x10, v37;
	v29 =	vld.idx.msk [tilespmem:v47+s3+$0x0], $0xffff  }
0x382: {  	[tilespmem:s22+$0x14720] =	vst v31;
	v53 =	vadd.s32 $0x11, v37;
	v25 =	vld.idx.msk [tilespmem:v48+s3+$0x0], $0xffff  }
0x383: {  	[tilespmem:s22+$0x147A0] =	vst v0;
	v54 =	vadd.s32 $0x12, v37;
	v31 =	vld.idx.msk [tilespmem:v49+s3+$0x0], $0xffff  }
0x384: {  	[tilespmem:s22+$0x14820] =	vst v6;
	v55 =	vadd.s32 $0x13, v37;
	v0 =	vld.idx.msk [tilespmem:v50+s3+$0x0], $0xffff  }
0x385: {  	[tilespmem:s22+$0x164A0] =	vst v2;
	v56 =	vadd.s32 $0x14, v37;
	v6 =	vld.idx.msk [tilespmem:v51+s3+$0x0], $0xffff  }
0x386: {  	[tilespmem:s22+$0x16520] =	vst v3;
	v57 =	vadd.s32 $0x15, v37;
	v2 =	vld.idx.msk [tilespmem:v52+s3+$0x0], $0xffff  }
0x387: {  	[tilespmem:s22+$0x165A0] =	vst v4;
	v58 =	vadd.s32 $0x16, v37;
	v3 =	vld.idx.msk [tilespmem:v53+s3+$0x0], $0xffff  }
0x388: {  	[tilespmem:s22+$0x16620] =	vst v5;
	v59 =	vadd.s32 $0x17, v37;
	v4 =	vld.idx.msk [tilespmem:v54+s3+$0x0], $0xffff  }
0x389: {  	[tilespmem:s22+$0x166A0] =	vst v7;
	v60 =	vadd.s32 $0x18, v37;
	v5 =	vld.idx.msk [tilespmem:v55+s3+$0x0], $0xffff  }
0x38a: {  	[tilespmem:s22+$0x16720] =	vst v8;
	v7 =	vld.idx.msk [tilespmem:v56+s3+$0x0], $0xffff;
	v61 =	vadd.s32 $0x19, v37  }
0x38b: {  	[tilespmem:s22+$0x167A0] =	vst v27;
	v8 =	vld.idx.msk [tilespmem:v57+s3+$0x0], $0xffff;
	v62 =	vadd.s32 $0x1A, v37  }
0x38c: {  	[tilespmem:s22+$0x16820] =	vst v28;
	v27 =	vld.idx.msk [tilespmem:v58+s3+$0x0], $0xffff;
	v63 =	vadd.s32 $0x1B, v37  }
0x38d: {  	[tilespmem:s22+$0x184A0] =	vst v32;
	v40 =	vld.idx.msk [tilespmem:v59+s3+$0x0], $0xffff;
	v41 =	vadd.s32 $0x1C, v37  }
0x38e: {  	[tilespmem:s22+$0x18520] =	vst v9;
	v30 =	vld.idx.msk [tilespmem:v60+s3+$0x0], $0xffff;
	v42 =	vadd.s32 $0x1D, v37  }
0x38f: {  	[tilespmem:s22+$0x185A0] =	vst v10;
	v44 =	vadd.s32 $0x1E, v37;
	v43 =	vld.idx.msk [tilespmem:v61+s3+$0x0], $0xffff  }
0x390: {  	[tilespmem:s22+$0x18620] =	vst v11;
	v46 =	vadd.s32 $0x1F, v37;
	v45 =	vld.idx.msk [tilespmem:v62+s3+$0x0], $0xffff  }
0x391: {  	[tilespmem:s22+$0x186A0] =	vst v13;
	v47 =	vld.idx.msk [tilespmem:v63+s3+$0x0], $0xffff  }
0x392: {  	[tilespmem:s22+$0x18720] =	vst v14;
	v48 =	vld.idx.msk [tilespmem:v41+s3+$0x0], $0xffff  }
0x393: {  	[tilespmem:s22+$0x187A0] =	vst v15;
	v49 =	vld.idx.msk [tilespmem:v42+s3+$0x0], $0xffff  }
0x394: {  	s30 =	sor.u32 $0x8, s21;
	[tilespmem:s22+$0x18820] =	vst v16;
	v50 =	vld.idx.msk [tilespmem:v44+s3+$0x0], $0xffff  }
0x395: {  	s31 =	sshll.u32 s30, $0x4;
	v51 =	vld.idx.msk [tilespmem:v46+s3+$0x0], $0xffff;
	[tilespmem:s22+$0x124B0] =	vst v12  }
0x396: {  	s0 =	sand.u32 $0x3FFFFFF0, s31;
	[tilespmem:s22+$0x12530] =	vst v19  }
0x397: {  	v52 =	vld [tilespmem:s0+$0xA040];
	[tilespmem:s22+$0x125B0] =	vst v20  }
0x398: {  	[tilespmem:s22+$0x12630] =	vst v21  }
0x399: {  	[tilespmem:s22+$0x126B0] =	vst v17  }
0x39a: {  	[tilespmem:s22+$0x12730] =	vst v18  }
0x39b: {  	[tilespmem:s22+$0x127B0] =	vst v24  }
0x39c: {  	[tilespmem:s22+$0x12830] =	vst v22;
	v12 =	vmul.u32 $0x28, v52  }
0x39d: {  	[tilespmem:s22+$0x144B0] =	vst v26  }
0x39e: {  	[tilespmem:s22+$0x14530] =	vst v1;
	v53 =	vor.u32 $0x1, v12  }
0x39f: {  	[tilespmem:s22+$0x145B0] =	vst v23;
	v54 =	vor.u32 $0x2, v12  }
0x3a0: {  	[tilespmem:s22+$0x14630] =	vst v29;
	v55 =	vor.u32 $0x3, v12  }
0x3a1: {  	[tilespmem:s22+$0x146B0] =	vst v25;
	v56 =	vor.u32 $0x4, v12  }
0x3a2: {  	[tilespmem:s22+$0x14730] =	vst v31;
	v57 =	vor.u32 $0x5, v12;
	v20 =	vld.idx.msk [tilespmem:v12+s3+$0x0], $0xffff  }
0x3a3: {  	[tilespmem:s22+$0x147B0] =	vst v0;
	v58 =	vor.u32 $0x6, v12;
	v22 =	vld.idx.msk [tilespmem:v53+s3+$0x0], $0xffff  }
0x3a4: {  	[tilespmem:s22+$0x14830] =	vst v6;
	v59 =	vadd.s32 $0x8, v12;
	v6 =	vld.idx.msk [tilespmem:v54+s3+$0x0], $0xffff  }
0x3a5: {  	[tilespmem:s22+$0x164B0] =	vst v2;
	v60 =	vadd.s32 $0xA, v12;
	v17 =	vld.idx.msk [tilespmem:v55+s3+$0x0], $0xffff  }
0x3a6: {  	[tilespmem:s22+$0x16530] =	vst v3;
	v61 =	vadd.s32 $0xB, v12;
	v18 =	vld.idx.msk [tilespmem:v56+s3+$0x0], $0xffff  }
0x3a7: {  	[tilespmem:s22+$0x165B0] =	vst v4;
	v62 =	vadd.s32 $0xC, v12;
	v19 =	vld.idx.msk [tilespmem:v57+s3+$0x0], $0xffff  }
0x3a8: {  	[tilespmem:s22+$0x16630] =	vst v5;
	v32 =	vadd.s32 $0xF, v12;
	v63 =	vld.idx.msk [tilespmem:v58+s3+$0x0], $0xffff  }
0x3a9: {  	[tilespmem:s22+$0x166B0] =	vst v7;
	v33 =	vadd.s32 $0x10, v12;
	v7 =	vld.idx.msk [tilespmem:v59+s3+$0x0], $0xffff  }
0x3aa: {  	[tilespmem:s22+$0x16730] =	vst v8;
	v34 =	vadd.s32 $0xE, v12;
	v8 =	vld.idx.msk [tilespmem:v60+s3+$0x0], $0xffff  }
0x3ab: {  	[tilespmem:s22+$0x167B0] =	vst v27;
	v35 =	vadd.s32 $0xD, v12;
	v23 =	vld.idx.msk [tilespmem:v61+s3+$0x0], $0xffff  }
0x3ac: {  	[tilespmem:s22+$0x16830] =	vst v40;
	v36 =	vadd.s32 $0x11, v12;
	v24 =	vld.idx.msk [tilespmem:v62+s3+$0x0], $0xffff  }
0x3ad: {  	[tilespmem:s22+$0x184B0] =	vst v30;
	v37 =	vadd.s32 $0x12, v12;
	v25 =	vld.idx.msk [tilespmem:v32+s3+$0x0], $0xffff  }
0x3ae: {  	v38 =	vadd.s32 $0x9, v12;
	[tilespmem:s22+$0x18530] =	vst v43;
	v9 =	vld.idx.msk [tilespmem:v33+s3+$0x0], $0xffff  }
0x3af: {  	v39 =	vor.u32 $0x7, v12;
	[tilespmem:s22+$0x185B0] =	vst v45;
	v10 =	vld.idx.msk [tilespmem:v34+s3+$0x0], $0xffff  }
0x3b0: {  	v40 =	vadd.s32 $0x13, v12;
	[tilespmem:s22+$0x18630] =	vst v47;
	v11 =	vld.idx.msk [tilespmem:v35+s3+$0x0], $0xffff  }
0x3b1: {  	[tilespmem:s22+$0x186B0] =	vst v48;
	v13 =	vld.idx.msk [tilespmem:v36+s3+$0x0], $0xffff  }
0x3b2: {  	[tilespmem:s22+$0x18730] =	vst v49;
	v14 =	vld.idx.msk [tilespmem:v37+s3+$0x0], $0xffff  }
0x3b3: {  	s29 =	sor.u32 $0x9, s21;
	[tilespmem:s22+$0x187B0] =	vst v50;
	v15 =	vld.idx.msk [tilespmem:v38+s3+$0x0], $0xffff  }
0x3b4: {  	s28 =	sor.u32 $0xA, s21;
	[tilespmem:s22+$0x18830] =	vst v51;
	s22 =	sshll.u32 s29, $0x4;
	v16 =	vld.idx.msk [tilespmem:v39+s3+$0x0], $0xffff  }
0x3b5: {  	s26 =	sor.u32 $0xB, s21;
	s23 =	sshll.u32 s28, $0x4;
	v42 =	vadd.s32 $0x14, v12;
	s0 =	sand.u32 $0x3FFFFFF0, s22;
	v26 =	vld.idx.msk [tilespmem:v40+s3+$0x0], $0xffff  }
0x3b6: {  	s25 =	sor.u32 $0xC, s21;
	s31 =	sshll.u32 s26, $0x4;
	s24 =	sand.u32 $0x3FFFFFF0, s23;
	v44 =	vadd.s32 $0x16, v12;
	v41 =	vld [tilespmem:s0+$0xA040]  }
0x3b7: {  	s23 =	sand.u32 $0x3FFFFFF0, s31;
	s31 =	sshll.u32 s25, $0x4;
	v46 =	vadd.s32 $0x18, v12;
	v5 =	vld [tilespmem:s24+$0xA040]  }
0x3b8: {  	v52 =	vadd.s32 $0x1E, v12;
	s22 =	sand.u32 $0x3FFFFFF0, s31;
	v4 =	vld [tilespmem:s23+$0xA040]  }
0x3b9: {  	v3 =	vld [tilespmem:s22+$0xA040]  }
0x3ba: {  	v43 =	vadd.s32 $0x15, v12;
	v28 =	vld.idx.msk [tilespmem:v42+s3+$0x0], $0xffff  }
0x3bb: {  	v45 =	vadd.s32 $0x17, v12;
	s24 =	sor.u32 $0xD, s21;
	v30 =	vld.idx.msk [tilespmem:v44+s3+$0x0], $0xffff  }
0x3bc: {  	v47 =	vadd.s32 $0x19, v12;
	v32 =	vld.idx.msk [tilespmem:v46+s3+$0x0], $0xffff;
	s31 =	sshll.u32 s24, $0x4  }
0x3bd: {  	v48 =	vadd.s32 $0x1A, v12;
	v38 =	vld.idx.msk [tilespmem:v52+s3+$0x0], $0xffff;
	s0 =	sand.u32 $0x3FFFFFF0, s31  }
0x3be: {  	v49 =	vadd.s32 $0x1B, v12;
	v2 =	vld [tilespmem:s0+$0xA040]  }
0x3bf: {  	v50 =	vadd.s32 $0x1C, v12;
	v29 =	vld.idx.msk [tilespmem:v43+s3+$0x0], $0xffff  }
0x3c0: {  	v51 =	vadd.s32 $0x1D, v12;
	v31 =	vld.idx.msk [tilespmem:v45+s3+$0x0], $0xffff  }
0x3c1: {  	v33 =	vld.idx.msk [tilespmem:v47+s3+$0x0], $0xffff  }
0x3c2: {  	s23 =	sor.u32 $0xE, s21;
	v34 =	vld.idx.msk [tilespmem:v48+s3+$0x0], $0xffff  }
0x3c3: {  	v12 =	vadd.s32 $0x1F, v12;
	s22 =	sor.u32 $0xF, s21;
	s31 =	sshll.u32 s23, $0x4;
	v35 =	vld.idx.msk [tilespmem:v49+s3+$0x0], $0xffff;
	v27 =	vmul.u32 $0x28, v41  }
0x3c4: {  	s0 =	sand.u32 $0x3FFFFFF0, s31;
	s31 =	sshll.u32 s22, $0x4;
	v36 =	vld.idx.msk [tilespmem:v50+s3+$0x0], $0xffff  }
0x3c5: {  	v37 =	vld.idx.msk [tilespmem:v51+s3+$0x0], $0xffff;
	s31 =	sand.u32 $0x3FFFFFF0, s31;
	v53 =	vor.u32 $0x1, v27  }
0x3c6: {  	v0 =	vld [tilespmem:s31+$0xA040];
	s31 =	sshll.u32 s30, $0x7;
	v54 =	vor.u32 $0x2, v27  }
0x3c7: {  	v1 =	vld [tilespmem:s0+$0xA040];
	s30 =	sand.u32 $0x3FFFFF80, s31;
	v55 =	vor.u32 $0x3, v27  }
0x3c8: {  	v12 =	vld.idx.msk [tilespmem:v12+s3+$0x0], $0xffff;
	v56 =	vor.u32 $0x4, v27;
	[tilespmem:s30+$0x12440] =	vst v20  }
0x3c9: {  	v57 =	vor.u32 $0x5, v27;
	[tilespmem:s30+$0x124C0] =	vst v22;
	v20 =	vld.idx.msk [tilespmem:v27+s3+$0x0], $0xffff  }
0x3ca: {  	v58 =	vor.u32 $0x6, v27;
	[tilespmem:s30+$0x12540] =	vst v6;
	v22 =	vld.idx.msk [tilespmem:v53+s3+$0x0], $0xffff  }
0x3cb: {  	v59 =	vor.u32 $0x7, v27;
	[tilespmem:s30+$0x125C0] =	vst v17;
	v6 =	vld.idx.msk [tilespmem:v54+s3+$0x0], $0xffff  }
0x3cc: {  	v60 =	vadd.s32 $0x8, v27;
	[tilespmem:s30+$0x12640] =	vst v18;
	v17 =	vld.idx.msk [tilespmem:v55+s3+$0x0], $0xffff  }
0x3cd: {  	v61 =	vadd.s32 $0x9, v27;
	[tilespmem:s30+$0x126C0] =	vst v19;
	v18 =	vld.idx.msk [tilespmem:v56+s3+$0x0], $0xffff  }
0x3ce: {  	v62 =	vadd.s32 $0xA, v27;
	[tilespmem:s30+$0x12740] =	vst v63;
	v19 =	vld.idx.msk [tilespmem:v57+s3+$0x0], $0xffff  }
0x3cf: {  	v63 =	vadd.s32 $0xB, v27;
	[tilespmem:s30+$0x127C0] =	vst v16;
	v21 =	vld.idx.msk [tilespmem:v58+s3+$0x0], $0xffff  }
0x3d0: {  	v45 =	vadd.s32 $0xC, v27;
	[tilespmem:s30+$0x14440] =	vst v7;
	v16 =	vld.idx.msk [tilespmem:v59+s3+$0x0], $0xffff  }
0x3d1: {  	v46 =	vadd.s32 $0xD, v27;
	[tilespmem:s30+$0x144C0] =	vst v15;
	v7 =	vld.idx.msk [tilespmem:v60+s3+$0x0], $0xffff  }
0x3d2: {  	v47 =	vadd.s32 $0xE, v27;
	[tilespmem:s30+$0x14540] =	vst v8;
	v15 =	vld.idx.msk [tilespmem:v61+s3+$0x0], $0xffff  }
0x3d3: {  	v48 =	vadd.s32 $0xF, v27;
	[tilespmem:s30+$0x145C0] =	vst v23;
	v8 =	vld.idx.msk [tilespmem:v62+s3+$0x0], $0xffff  }
0x3d4: {  	v49 =	vadd.s32 $0x10, v27;
	[tilespmem:s30+$0x14640] =	vst v24;
	v23 =	vld.idx.msk [tilespmem:v63+s3+$0x0], $0xffff  }
0x3d5: {  	v50 =	vadd.s32 $0x11, v27;
	[tilespmem:s30+$0x146C0] =	vst v11;
	v24 =	vld.idx.msk [tilespmem:v45+s3+$0x0], $0xffff  }
0x3d6: {  	v51 =	vadd.s32 $0x12, v27;
	[tilespmem:s30+$0x14740] =	vst v10;
	v11 =	vld.idx.msk [tilespmem:v46+s3+$0x0], $0xffff  }
0x3d7: {  	v52 =	vadd.s32 $0x13, v27;
	[tilespmem:s30+$0x147C0] =	vst v25;
	v10 =	vld.idx.msk [tilespmem:v47+s3+$0x0], $0xffff  }
0x3d8: {  	[tilespmem:s30+$0x16440] =	vst v9;
	v25 =	vld.idx.msk [tilespmem:v48+s3+$0x0], $0xffff;
	v53 =	vadd.s32 $0x14, v27  }
0x3d9: {  	[tilespmem:s30+$0x164C0] =	vst v13;
	v9 =	vld.idx.msk [tilespmem:v49+s3+$0x0], $0xffff;
	v54 =	vadd.s32 $0x15, v27  }
0x3da: {  	[tilespmem:s30+$0x16540] =	vst v14;
	v13 =	vld.idx.msk [tilespmem:v50+s3+$0x0], $0xffff;
	v55 =	vadd.s32 $0x16, v27  }
0x3db: {  	[tilespmem:s30+$0x165C0] =	vst v26;
	v14 =	vld.idx.msk [tilespmem:v51+s3+$0x0], $0xffff;
	v56 =	vadd.s32 $0x17, v27  }
0x3dc: {  	[tilespmem:s30+$0x16640] =	vst v28;
	v26 =	vld.idx.msk [tilespmem:v52+s3+$0x0], $0xffff;
	v57 =	vadd.s32 $0x18, v27  }
0x3dd: {  	[tilespmem:s30+$0x16740] =	vst v30;
	v58 =	vadd.s32 $0x19, v27;
	v28 =	vld.idx.msk [tilespmem:v53+s3+$0x0], $0xffff  }
0x3de: {  	[tilespmem:s30+$0x166C0] =	vst v29;
	v59 =	vadd.s32 $0x1A, v27;
	v29 =	vld.idx.msk [tilespmem:v54+s3+$0x0], $0xffff  }
0x3df: {  	[tilespmem:s30+$0x18440] =	vst v32;
	v60 =	vadd.s32 $0x1B, v27;
	v30 =	vld.idx.msk [tilespmem:v55+s3+$0x0], $0xffff  }
0x3e0: {  	[tilespmem:s30+$0x167C0] =	vst v31;
	v61 =	vadd.s32 $0x1C, v27;
	v31 =	vld.idx.msk [tilespmem:v56+s3+$0x0], $0xffff  }
0x3e1: {  	[tilespmem:s30+$0x18740] =	vst v38;
	v62 =	vadd.s32 $0x1D, v27;
	v32 =	vld.idx.msk [tilespmem:v57+s3+$0x0], $0xffff  }
0x3e2: {  	[tilespmem:s30+$0x184C0] =	vst v33;
	v63 =	vadd.s32 $0x1E, v27;
	v33 =	vld.idx.msk [tilespmem:v58+s3+$0x0], $0xffff  }
0x3e3: {  	v5 =	vmul.u32 $0x28, v5;
	[tilespmem:s30+$0x18540] =	vst v34;
	v27 =	vadd.s32 $0x1F, v27;
	v34 =	vld.idx.msk [tilespmem:v59+s3+$0x0], $0xffff  }
0x3e4: {  	[tilespmem:s30+$0x185C0] =	vst v35;
	v35 =	vld.idx.msk [tilespmem:v60+s3+$0x0], $0xffff  }
0x3e5: {  	[tilespmem:s30+$0x18640] =	vst v36;
	v45 =	vor.u32 $0x1, v5;
	v36 =	vld.idx.msk [tilespmem:v61+s3+$0x0], $0xffff  }
0x3e6: {  	s29 =	sshll.u32 s29, $0x7;
	[tilespmem:s30+$0x186C0] =	vst v37;
	v46 =	vor.u32 $0x2, v5;
	v37 =	vld.idx.msk [tilespmem:v62+s3+$0x0], $0xffff  }
0x3e7: {  	s29 =	sand.u32 $0x1C00, s29;
	[tilespmem:s30+$0x187C0] =	vst v12;
	v47 =	vor.u32 $0x3, v5;
	v38 =	vld.idx.msk [tilespmem:v63+s3+$0x0], $0xffff  }
0x3e8: {  	v48 =	vor.u32 $0x4, v5;
	v12 =	vld.idx.msk [tilespmem:v27+s3+$0x0], $0xffff;
	[tilespmem:s29+$0x12450] =	vst v20  }
0x3e9: {  	v49 =	vor.u32 $0x5, v5;
	v20 =	vld.idx.msk [tilespmem:v5+s3+$0x0], $0xffff;
	[tilespmem:s29+$0x124D0] =	vst v22  }
0x3ea: {  	v50 =	vor.u32 $0x6, v5;
	v22 =	vld.idx.msk [tilespmem:v45+s3+$0x0], $0xffff;
	[tilespmem:s29+$0x12550] =	vst v6  }
0x3eb: {  	v51 =	vor.u32 $0x7, v5;
	v6 =	vld.idx.msk [tilespmem:v46+s3+$0x0], $0xffff;
	[tilespmem:s29+$0x125D0] =	vst v17  }
0x3ec: {  	v52 =	vadd.s32 $0x8, v5;
	v17 =	vld.idx.msk [tilespmem:v47+s3+$0x0], $0xffff;
	[tilespmem:s29+$0x12650] =	vst v18  }
0x3ed: {  	v18 =	vld.idx.msk [tilespmem:v48+s3+$0x0], $0xffff;
	v53 =	vadd.s32 $0x9, v5;
	[tilespmem:s29+$0x126D0] =	vst v19  }
0x3ee: {  	v19 =	vld.idx.msk [tilespmem:v49+s3+$0x0], $0xffff;
	v54 =	vadd.s32 $0xA, v5;
	[tilespmem:s29+$0x12750] =	vst v21  }
0x3ef: {  	v21 =	vld.idx.msk [tilespmem:v50+s3+$0x0], $0xffff;
	v55 =	vadd.s32 $0xB, v5;
	[tilespmem:s29+$0x127D0] =	vst v16  }
0x3f0: {  	v16 =	vld.idx.msk [tilespmem:v51+s3+$0x0], $0xffff;
	v56 =	vadd.s32 $0xC, v5;
	[tilespmem:s29+$0x14450] =	vst v7  }
0x3f1: {  	v7 =	vld.idx.msk [tilespmem:v52+s3+$0x0], $0xffff;
	v57 =	vadd.s32 $0xD, v5;
	[tilespmem:s29+$0x144D0] =	vst v15  }
0x3f2: {  	v58 =	vadd.s32 $0xE, v5;
	[tilespmem:s29+$0x14550] =	vst v8;
	v15 =	vld.idx.msk [tilespmem:v53+s3+$0x0], $0xffff  }
0x3f3: {  	v59 =	vadd.s32 $0xF, v5;
	[tilespmem:s29+$0x145D0] =	vst v23;
	v8 =	vld.idx.msk [tilespmem:v54+s3+$0x0], $0xffff  }
0x3f4: {  	v60 =	vadd.s32 $0x10, v5;
	[tilespmem:s29+$0x14650] =	vst v24;
	v23 =	vld.idx.msk [tilespmem:v55+s3+$0x0], $0xffff  }
0x3f5: {  	v61 =	vadd.s32 $0x11, v5;
	[tilespmem:s29+$0x146D0] =	vst v11;
	v24 =	vld.idx.msk [tilespmem:v56+s3+$0x0], $0xffff  }
0x3f6: {  	v62 =	vadd.s32 $0x12, v5;
	[tilespmem:s29+$0x14750] =	vst v10;
	v11 =	vld.idx.msk [tilespmem:v57+s3+$0x0], $0xffff  }
0x3f7: {  	v63 =	vadd.s32 $0x13, v5;
	[tilespmem:s29+$0x147D0] =	vst v25;
	v10 =	vld.idx.msk [tilespmem:v58+s3+$0x0], $0xffff  }
0x3f8: {  	v45 =	vadd.s32 $0x14, v5;
	[tilespmem:s29+$0x16450] =	vst v9;
	v25 =	vld.idx.msk [tilespmem:v59+s3+$0x0], $0xffff  }
0x3f9: {  	v46 =	vadd.s32 $0x15, v5;
	[tilespmem:s29+$0x164D0] =	vst v13;
	v9 =	vld.idx.msk [tilespmem:v60+s3+$0x0], $0xffff  }
0x3fa: {  	v47 =	vadd.s32 $0x16, v5;
	[tilespmem:s29+$0x16550] =	vst v14;
	v13 =	vld.idx.msk [tilespmem:v61+s3+$0x0], $0xffff  }
0x3fb: {  	v48 =	vadd.s32 $0x17, v5;
	[tilespmem:s29+$0x165D0] =	vst v26;
	v14 =	vld.idx.msk [tilespmem:v62+s3+$0x0], $0xffff  }
0x3fc: {  	v49 =	vadd.s32 $0x18, v5;
	v26 =	vld.idx.msk [tilespmem:v63+s3+$0x0], $0xffff;
	[tilespmem:s29+$0x16650] =	vst v28  }
0x3fd: {  	v50 =	vadd.s32 $0x19, v5;
	v28 =	vld.idx.msk [tilespmem:v45+s3+$0x0], $0xffff;
	[tilespmem:s29+$0x166D0] =	vst v29  }
0x3fe: {  	v51 =	vadd.s32 $0x1A, v5;
	v29 =	vld.idx.msk [tilespmem:v46+s3+$0x0], $0xffff;
	[tilespmem:s29+$0x16750] =	vst v30  }
0x3ff: {  	v52 =	vadd.s32 $0x1B, v5;
	v30 =	vld.idx.msk [tilespmem:v47+s3+$0x0], $0xffff;
	[tilespmem:s29+$0x167D0] =	vst v31  }
0x400: {  	v31 =	vld.idx.msk [tilespmem:v48+s3+$0x0], $0xffff;
	v53 =	vadd.s32 $0x1C, v5;
	[tilespmem:s29+$0x18450] =	vst v32  }
0x401: {  	v27 =	vld.idx.msk [tilespmem:v49+s3+$0x0], $0xffff;
	v54 =	vadd.s32 $0x1D, v5;
	[tilespmem:s29+$0x184D0] =	vst v33  }
0x402: {  	v33 =	vld.idx.msk [tilespmem:v50+s3+$0x0], $0xffff;
	v55 =	vadd.s32 $0x1E, v5;
	[tilespmem:s29+$0x18550] =	vst v34  }
0x403: {  	v4 =	vmul.u32 $0x28, v4;
	v34 =	vld.idx.msk [tilespmem:v51+s3+$0x0], $0xffff;
	v5 =	vadd.s32 $0x1F, v5;
	[tilespmem:s29+$0x185D0] =	vst v35  }
0x404: {  	v35 =	vld.idx.msk [tilespmem:v52+s3+$0x0], $0xffff;
	[tilespmem:s29+$0x18650] =	vst v36  }
0x405: {  	v56 =	vor.u32 $0x1, v4;
	[tilespmem:s29+$0x186D0] =	vst v37;
	v36 =	vld.idx.msk [tilespmem:v53+s3+$0x0], $0xffff  }
0x406: {  	s31 =	sshll.u32 s28, $0x7;
	v57 =	vor.u32 $0x2, v4;
	[tilespmem:s29+$0x18750] =	vst v38;
	v32 =	vld.idx.msk [tilespmem:v54+s3+$0x0], $0xffff  }
0x407: {  	s28 =	sand.u32 $0x1C00, s31;
	v58 =	vor.u32 $0x3, v4;
	[tilespmem:s29+$0x187D0] =	vst v12;
	v38 =	vld.idx.msk [tilespmem:v55+s3+$0x0], $0xffff  }
0x408: {  	v59 =	vor.u32 $0x4, v4;
	v5 =	vld.idx.msk [tilespmem:v5+s3+$0x0], $0xffff;
	[tilespmem:s28+$0x12460] =	vst v20  }
0x409: {  	v60 =	vor.u32 $0x5, v4;
	v20 =	vld.idx.msk [tilespmem:v4+s3+$0x0], $0xffff;
	[tilespmem:s28+$0x124E0] =	vst v22  }
0x40a: {  	v61 =	vor.u32 $0x6, v4;
	v22 =	vld.idx.msk [tilespmem:v56+s3+$0x0], $0xffff;
	[tilespmem:s28+$0x12560] =	vst v6  }
0x40b: {  	v62 =	vor.u32 $0x7, v4;
	v6 =	vld.idx.msk [tilespmem:v57+s3+$0x0], $0xffff;
	[tilespmem:s28+$0x125E0] =	vst v17  }
0x40c: {  	v63 =	vadd.s32 $0x8, v4;
	v17 =	vld.idx.msk [tilespmem:v58+s3+$0x0], $0xffff;
	[tilespmem:s28+$0x12660] =	vst v18  }
0x40d: {  	v44 =	vadd.s32 $0x9, v4;
	v12 =	vld.idx.msk [tilespmem:v59+s3+$0x0], $0xffff;
	[tilespmem:s28+$0x126E0] =	vst v19  }
0x40e: {  	v45 =	vadd.s32 $0xA, v4;
	v19 =	vld.idx.msk [tilespmem:v60+s3+$0x0], $0xffff;
	[tilespmem:s28+$0x12760] =	vst v21  }
0x40f: {  	v46 =	vadd.s32 $0xB, v4;
	v21 =	vld.idx.msk [tilespmem:v61+s3+$0x0], $0xffff;
	[tilespmem:s28+$0x127E0] =	vst v16  }
0x410: {  	v47 =	vadd.s32 $0xC, v4;
	v16 =	vld.idx.msk [tilespmem:v62+s3+$0x0], $0xffff;
	[tilespmem:s28+$0x14460] =	vst v7  }
0x411: {  	v48 =	vadd.s32 $0xD, v4;
	v7 =	vld.idx.msk [tilespmem:v63+s3+$0x0], $0xffff;
	[tilespmem:s28+$0x144E0] =	vst v15  }
0x412: {  	v49 =	vadd.s32 $0xE, v4;
	v15 =	vld.idx.msk [tilespmem:v44+s3+$0x0], $0xffff;
	[tilespmem:s28+$0x14560] =	vst v8  }
0x413: {  	v50 =	vadd.s32 $0xF, v4;
	v8 =	vld.idx.msk [tilespmem:v45+s3+$0x0], $0xffff;
	[tilespmem:s28+$0x145E0] =	vst v23  }
0x414: {  	v51 =	vadd.s32 $0x10, v4;
	v23 =	vld.idx.msk [tilespmem:v46+s3+$0x0], $0xffff;
	[tilespmem:s28+$0x14660] =	vst v24  }
0x415: {  	v52 =	vadd.s32 $0x11, v4;
	v24 =	vld.idx.msk [tilespmem:v47+s3+$0x0], $0xffff;
	[tilespmem:s28+$0x146E0] =	vst v11  }
0x416: {  	v11 =	vld.idx.msk [tilespmem:v48+s3+$0x0], $0xffff;
	v53 =	vadd.s32 $0x12, v4;
	[tilespmem:s28+$0x14760] =	vst v10  }
0x417: {  	v10 =	vld.idx.msk [tilespmem:v49+s3+$0x0], $0xffff;
	v54 =	vadd.s32 $0x13, v4;
	[tilespmem:s28+$0x147E0] =	vst v25  }
0x418: {  	v25 =	vld.idx.msk [tilespmem:v50+s3+$0x0], $0xffff;
	v55 =	vadd.s32 $0x14, v4;
	[tilespmem:s28+$0x16460] =	vst v9  }
0x419: {  	v9 =	vld.idx.msk [tilespmem:v51+s3+$0x0], $0xffff;
	v56 =	vadd.s32 $0x15, v4;
	[tilespmem:s28+$0x164E0] =	vst v13  }
0x41a: {  	v13 =	vld.idx.msk [tilespmem:v52+s3+$0x0], $0xffff;
	v57 =	vadd.s32 $0x16, v4;
	[tilespmem:s28+$0x16560] =	vst v14  }
0x41b: {  	v58 =	vadd.s32 $0x17, v4;
	[tilespmem:s28+$0x165E0] =	vst v26;
	v14 =	vld.idx.msk [tilespmem:v53+s3+$0x0], $0xffff  }
0x41c: {  	v59 =	vadd.s32 $0x18, v4;
	[tilespmem:s28+$0x16660] =	vst v28;
	v18 =	vld.idx.msk [tilespmem:v54+s3+$0x0], $0xffff  }
0x41d: {  	v60 =	vadd.s32 $0x19, v4;
	[tilespmem:s28+$0x166E0] =	vst v29;
	v28 =	vld.idx.msk [tilespmem:v55+s3+$0x0], $0xffff  }
0x41e: {  	v61 =	vadd.s32 $0x1A, v4;
	[tilespmem:s28+$0x16760] =	vst v30;
	v29 =	vld.idx.msk [tilespmem:v56+s3+$0x0], $0xffff  }
0x41f: {  	v62 =	vadd.s32 $0x1B, v4;
	[tilespmem:s28+$0x167E0] =	vst v31;
	v30 =	vld.idx.msk [tilespmem:v57+s3+$0x0], $0xffff  }
0x420: {  	v63 =	vadd.s32 $0x1C, v4;
	[tilespmem:s28+$0x18460] =	vst v27;
	v31 =	vld.idx.msk [tilespmem:v58+s3+$0x0], $0xffff  }
0x421: {  	v44 =	vadd.s32 $0x1D, v4;
	[tilespmem:s28+$0x184E0] =	vst v33;
	v26 =	vld.idx.msk [tilespmem:v59+s3+$0x0], $0xffff  }
0x422: {  	v45 =	vadd.s32 $0x1E, v4;
	[tilespmem:s28+$0x18560] =	vst v34;
	v33 =	vld.idx.msk [tilespmem:v60+s3+$0x0], $0xffff  }
0x423: {  	v3 =	vmul.u32 $0x28, v3;
	v4 =	vadd.s32 $0x1F, v4;
	[tilespmem:s28+$0x185E0] =	vst v35;
	v34 =	vld.idx.msk [tilespmem:v61+s3+$0x0], $0xffff  }
0x424: {  	v35 =	vld.idx.msk [tilespmem:v62+s3+$0x0], $0xffff;
	[tilespmem:s28+$0x18660] =	vst v36  }
0x425: {  	v46 =	vor.u32 $0x1, v3;
	v36 =	vld.idx.msk [tilespmem:v63+s3+$0x0], $0xffff;
	[tilespmem:s28+$0x186E0] =	vst v32  }
0x426: {  	s26 =	sshll.u32 s26, $0x7;
	v47 =	vor.u32 $0x2, v3;
	v27 =	vld.idx.msk [tilespmem:v44+s3+$0x0], $0xffff;
	[tilespmem:s28+$0x18760] =	vst v38  }
0x427: {  	s26 =	sand.u32 $0x1C00, s26;
	v48 =	vor.u32 $0x3, v3;
	v38 =	vld.idx.msk [tilespmem:v45+s3+$0x0], $0xffff;
	[tilespmem:s28+$0x187E0] =	vst v5  }
0x428: {  	v49 =	vor.u32 $0x4, v3;
	v4 =	vld.idx.msk [tilespmem:v4+s3+$0x0], $0xffff;
	[tilespmem:s26+$0x12470] =	vst v20  }
0x429: {  	v50 =	vor.u32 $0x5, v3;
	v20 =	vld.idx.msk [tilespmem:v3+s3+$0x0], $0xffff;
	[tilespmem:s26+$0x124F0] =	vst v22  }
0x42a: {  	v51 =	vor.u32 $0x6, v3;
	v22 =	vld.idx.msk [tilespmem:v46+s3+$0x0], $0xffff;
	[tilespmem:s26+$0x12570] =	vst v6  }
0x42b: {  	v52 =	vor.u32 $0x7, v3;
	v6 =	vld.idx.msk [tilespmem:v47+s3+$0x0], $0xffff;
	[tilespmem:s26+$0x125F0] =	vst v17  }
0x42c: {  	v17 =	vld.idx.msk [tilespmem:v48+s3+$0x0], $0xffff;
	v53 =	vadd.s32 $0x8, v3;
	[tilespmem:s26+$0x12670] =	vst v12  }
0x42d: {  	v5 =	vld.idx.msk [tilespmem:v49+s3+$0x0], $0xffff;
	v54 =	vadd.s32 $0x9, v3;
	[tilespmem:s26+$0x126F0] =	vst v19  }
0x42e: {  	v19 =	vld.idx.msk [tilespmem:v50+s3+$0x0], $0xffff;
	v55 =	vadd.s32 $0xA, v3;
	[tilespmem:s26+$0x12770] =	vst v21  }
0x42f: {  	v21 =	vld.idx.msk [tilespmem:v51+s3+$0x0], $0xffff;
	v56 =	vadd.s32 $0xB, v3;
	[tilespmem:s26+$0x127F0] =	vst v16  }
0x430: {  	v16 =	vld.idx.msk [tilespmem:v52+s3+$0x0], $0xffff;
	v57 =	vadd.s32 $0xC, v3;
	[tilespmem:s26+$0x14470] =	vst v7  }
0x431: {  	v58 =	vadd.s32 $0xD, v3;
	[tilespmem:s26+$0x144F0] =	vst v15;
	v7 =	vld.idx.msk [tilespmem:v53+s3+$0x0], $0xffff  }
0x432: {  	v59 =	vadd.s32 $0xE, v3;
	[tilespmem:s26+$0x14570] =	vst v8;
	v12 =	vld.idx.msk [tilespmem:v54+s3+$0x0], $0xffff  }
0x433: {  	v60 =	vadd.s32 $0xF, v3;
	[tilespmem:s26+$0x145F0] =	vst v23;
	v8 =	vld.idx.msk [tilespmem:v55+s3+$0x0], $0xffff  }
0x434: {  	v61 =	vadd.s32 $0x10, v3;
	[tilespmem:s26+$0x14670] =	vst v24;
	v23 =	vld.idx.msk [tilespmem:v56+s3+$0x0], $0xffff  }
0x435: {  	v62 =	vadd.s32 $0x11, v3;
	[tilespmem:s26+$0x146F0] =	vst v11;
	v24 =	vld.idx.msk [tilespmem:v57+s3+$0x0], $0xffff  }
0x436: {  	v63 =	vadd.s32 $0x12, v3;
	[tilespmem:s26+$0x14770] =	vst v10;
	v11 =	vld.idx.msk [tilespmem:v58+s3+$0x0], $0xffff  }
0x437: {  	v44 =	vadd.s32 $0x13, v3;
	[tilespmem:s26+$0x147F0] =	vst v25;
	v10 =	vld.idx.msk [tilespmem:v59+s3+$0x0], $0xffff  }
0x438: {  	v45 =	vadd.s32 $0x14, v3;
	[tilespmem:s26+$0x16470] =	vst v9;
	v25 =	vld.idx.msk [tilespmem:v60+s3+$0x0], $0xffff  }
0x439: {  	v46 =	vadd.s32 $0x15, v3;
	[tilespmem:s26+$0x164F0] =	vst v13;
	v9 =	vld.idx.msk [tilespmem:v61+s3+$0x0], $0xffff  }
0x43a: {  	v47 =	vadd.s32 $0x16, v3;
	v13 =	vld.idx.msk [tilespmem:v62+s3+$0x0], $0xffff;
	[tilespmem:s26+$0x16570] =	vst v14  }
0x43b: {  	v48 =	vadd.s32 $0x17, v3;
	v14 =	vld.idx.msk [tilespmem:v63+s3+$0x0], $0xffff;
	[tilespmem:s26+$0x165F0] =	vst v18  }
0x43c: {  	v49 =	vadd.s32 $0x18, v3;
	v15 =	vld.idx.msk [tilespmem:v44+s3+$0x0], $0xffff;
	[tilespmem:s26+$0x16670] =	vst v28  }
0x43d: {  	v50 =	vadd.s32 $0x19, v3;
	v28 =	vld.idx.msk [tilespmem:v45+s3+$0x0], $0xffff;
	[tilespmem:s26+$0x166F0] =	vst v29  }
0x43e: {  	v51 =	vadd.s32 $0x1A, v3;
	v29 =	vld.idx.msk [tilespmem:v46+s3+$0x0], $0xffff;
	[tilespmem:s26+$0x16770] =	vst v30  }
0x43f: {  	v52 =	vadd.s32 $0x1B, v3;
	v30 =	vld.idx.msk [tilespmem:v47+s3+$0x0], $0xffff;
	[tilespmem:s26+$0x167F0] =	vst v31  }
0x440: {  	v31 =	vld.idx.msk [tilespmem:v48+s3+$0x0], $0xffff;
	v53 =	vadd.s32 $0x1C, v3;
	[tilespmem:s26+$0x18470] =	vst v26  }
0x441: {  	v18 =	vld.idx.msk [tilespmem:v49+s3+$0x0], $0xffff;
	v54 =	vadd.s32 $0x1D, v3;
	[tilespmem:s26+$0x184F0] =	vst v33  }
0x442: {  	v33 =	vld.idx.msk [tilespmem:v50+s3+$0x0], $0xffff;
	v55 =	vadd.s32 $0x1E, v3;
	[tilespmem:s26+$0x18570] =	vst v34  }
0x443: {  	v2 =	vmul.u32 $0x28, v2;
	v34 =	vld.idx.msk [tilespmem:v51+s3+$0x0], $0xffff;
	v3 =	vadd.s32 $0x1F, v3;
	[tilespmem:s26+$0x185F0] =	vst v35  }
0x444: {  	v32 =	vld.idx.msk [tilespmem:v52+s3+$0x0], $0xffff;
	[tilespmem:s26+$0x18670] =	vst v36  }
0x445: {  	v56 =	vor.u32 $0x1, v2;
	[tilespmem:s26+$0x186F0] =	vst v27;
	v35 =	vld.idx.msk [tilespmem:v53+s3+$0x0], $0xffff  }
0x446: {  	s28 =	sshll.u32 s25, $0x7;
	v57 =	vor.u32 $0x2, v2;
	[tilespmem:s26+$0x18770] =	vst v38;
	v26 =	vld.idx.msk [tilespmem:v54+s3+$0x0], $0xffff  }
0x447: {  	s25 =	sand.u32 $0x1C00, s28;
	v58 =	vor.u32 $0x3, v2;
	[tilespmem:s26+$0x187F0] =	vst v4;
	v37 =	vld.idx.msk [tilespmem:v55+s3+$0x0], $0xffff  }
0x448: {  	v59 =	vor.u32 $0x4, v2;
	v3 =	vld.idx.msk [tilespmem:v3+s3+$0x0], $0xffff;
	[tilespmem:s25+$0x12480] =	vst v20  }
0x449: {  	v60 =	vor.u32 $0x5, v2;
	v20 =	vld.idx.msk [tilespmem:v2+s3+$0x0], $0xffff;
	[tilespmem:s25+$0x12500] =	vst v22  }
0x44a: {  	v61 =	vor.u32 $0x6, v2;
	v22 =	vld.idx.msk [tilespmem:v56+s3+$0x0], $0xffff;
	[tilespmem:s25+$0x12580] =	vst v6  }
0x44b: {  	v62 =	vor.u32 $0x7, v2;
	v6 =	vld.idx.msk [tilespmem:v57+s3+$0x0], $0xffff;
	[tilespmem:s25+$0x12600] =	vst v17  }
0x44c: {  	v63 =	vadd.s32 $0x8, v2;
	v17 =	vld.idx.msk [tilespmem:v58+s3+$0x0], $0xffff;
	[tilespmem:s25+$0x12680] =	vst v5  }
0x44d: {  	v42 =	vadd.s32 $0x9, v2;
	v4 =	vld.idx.msk [tilespmem:v59+s3+$0x0], $0xffff;
	[tilespmem:s25+$0x12700] =	vst v19  }
0x44e: {  	v43 =	vadd.s32 $0xA, v2;
	v19 =	vld.idx.msk [tilespmem:v60+s3+$0x0], $0xffff;
	[tilespmem:s25+$0x12780] =	vst v21  }
0x44f: {  	v44 =	vadd.s32 $0xB, v2;
	v21 =	vld.idx.msk [tilespmem:v61+s3+$0x0], $0xffff;
	[tilespmem:s25+$0x12800] =	vst v16  }
0x450: {  	v45 =	vadd.s32 $0xC, v2;
	v16 =	vld.idx.msk [tilespmem:v62+s3+$0x0], $0xffff;
	[tilespmem:s25+$0x14480] =	vst v7  }
0x451: {  	v46 =	vadd.s32 $0xD, v2;
	v7 =	vld.idx.msk [tilespmem:v63+s3+$0x0], $0xffff;
	[tilespmem:s25+$0x14500] =	vst v12  }
0x452: {  	v47 =	vadd.s32 $0xE, v2;
	v5 =	vld.idx.msk [tilespmem:v42+s3+$0x0], $0xffff;
	[tilespmem:s25+$0x14580] =	vst v8  }
0x453: {  	v48 =	vadd.s32 $0xF, v2;
	v8 =	vld.idx.msk [tilespmem:v43+s3+$0x0], $0xffff;
	[tilespmem:s25+$0x14600] =	vst v23  }
0x454: {  	v49 =	vadd.s32 $0x10, v2;
	v23 =	vld.idx.msk [tilespmem:v44+s3+$0x0], $0xffff;
	[tilespmem:s25+$0x14680] =	vst v24  }
0x455: {  	v50 =	vadd.s32 $0x11, v2;
	v24 =	vld.idx.msk [tilespmem:v45+s3+$0x0], $0xffff;
	[tilespmem:s25+$0x14700] =	vst v11  }
0x456: {  	v51 =	vadd.s32 $0x12, v2;
	v11 =	vld.idx.msk [tilespmem:v46+s3+$0x0], $0xffff;
	[tilespmem:s25+$0x14780] =	vst v10  }
0x457: {  	v52 =	vadd.s32 $0x13, v2;
	v10 =	vld.idx.msk [tilespmem:v47+s3+$0x0], $0xffff;
	[tilespmem:s25+$0x14800] =	vst v25  }
0x458: {  	v25 =	vld.idx.msk [tilespmem:v48+s3+$0x0], $0xffff;
	v53 =	vadd.s32 $0x14, v2;
	[tilespmem:s25+$0x16480] =	vst v9  }
0x459: {  	v9 =	vld.idx.msk [tilespmem:v49+s3+$0x0], $0xffff;
	v54 =	vadd.s32 $0x15, v2;
	[tilespmem:s25+$0x16500] =	vst v13  }
0x45a: {  	v13 =	vld.idx.msk [tilespmem:v50+s3+$0x0], $0xffff;
	v55 =	vadd.s32 $0x16, v2;
	[tilespmem:s25+$0x16580] =	vst v14  }
0x45b: {  	v14 =	vld.idx.msk [tilespmem:v51+s3+$0x0], $0xffff;
	v56 =	vadd.s32 $0x17, v2;
	[tilespmem:s25+$0x16600] =	vst v15  }
0x45c: {  	v12 =	vld.idx.msk [tilespmem:v52+s3+$0x0], $0xffff;
	v57 =	vadd.s32 $0x18, v2;
	[tilespmem:s25+$0x16680] =	vst v28  }
0x45d: {  	v58 =	vadd.s32 $0x19, v2;
	[tilespmem:s25+$0x16700] =	vst v29;
	v28 =	vld.idx.msk [tilespmem:v53+s3+$0x0], $0xffff  }
0x45e: {  	v59 =	vadd.s32 $0x1A, v2;
	[tilespmem:s25+$0x16780] =	vst v30;
	v29 =	vld.idx.msk [tilespmem:v54+s3+$0x0], $0xffff  }
0x45f: {  	v60 =	vadd.s32 $0x1B, v2;
	[tilespmem:s25+$0x16800] =	vst v31;
	v27 =	vld.idx.msk [tilespmem:v55+s3+$0x0], $0xffff  }
0x460: {  	v61 =	vadd.s32 $0x1C, v2;
	[tilespmem:s25+$0x18480] =	vst v18;
	v31 =	vld.idx.msk [tilespmem:v56+s3+$0x0], $0xffff  }
0x461: {  	v62 =	vadd.s32 $0x1D, v2;
	[tilespmem:s25+$0x18500] =	vst v33;
	v15 =	vld.idx.msk [tilespmem:v57+s3+$0x0], $0xffff  }
0x462: {  	v63 =	vadd.s32 $0x1E, v2;
	[tilespmem:s25+$0x18580] =	vst v34;
	v33 =	vld.idx.msk [tilespmem:v58+s3+$0x0], $0xffff  }
0x463: {  	v1 =	vmul.u32 $0x28, v1;
	v2 =	vadd.s32 $0x1F, v2;
	[tilespmem:s25+$0x18600] =	vst v32;
	v34 =	vld.idx.msk [tilespmem:v59+s3+$0x0], $0xffff  }
0x464: {  	v30 =	vld.idx.msk [tilespmem:v60+s3+$0x0], $0xffff;
	[tilespmem:s25+$0x18680] =	vst v35  }
0x465: {  	v41 =	vor.u32 $0x1, v1;
	v32 =	vld.idx.msk [tilespmem:v61+s3+$0x0], $0xffff;
	[tilespmem:s25+$0x18700] =	vst v26  }
0x466: {  	s29 =	sshll.u32 s24, $0x7;
	v42 =	vor.u32 $0x2, v1;
	v18 =	vld.idx.msk [tilespmem:v62+s3+$0x0], $0xffff;
	[tilespmem:s25+$0x18780] =	vst v37  }
0x467: {  	s24 =	sand.u32 $0x1C00, s29;
	v43 =	vor.u32 $0x3, v1;
	v36 =	vld.idx.msk [tilespmem:v63+s3+$0x0], $0xffff;
	[tilespmem:s25+$0x18800] =	vst v3  }
0x468: {  	v44 =	vor.u32 $0x4, v1;
	v2 =	vld.idx.msk [tilespmem:v2+s3+$0x0], $0xffff;
	[tilespmem:s24+$0x12490] =	vst v20  }
0x469: {  	v45 =	vor.u32 $0x5, v1;
	v20 =	vld.idx.msk [tilespmem:v1+s3+$0x0], $0xffff;
	[tilespmem:s24+$0x12510] =	vst v22  }
0x46a: {  	v46 =	vor.u32 $0x6, v1;
	v22 =	vld.idx.msk [tilespmem:v41+s3+$0x0], $0xffff;
	[tilespmem:s24+$0x12590] =	vst v6  }
0x46b: {  	v47 =	vor.u32 $0x7, v1;
	v6 =	vld.idx.msk [tilespmem:v42+s3+$0x0], $0xffff;
	[tilespmem:s24+$0x12610] =	vst v17  }
0x46c: {  	v48 =	vadd.s32 $0x8, v1;
	v17 =	vld.idx.msk [tilespmem:v43+s3+$0x0], $0xffff;
	[tilespmem:s24+$0x12690] =	vst v4  }
0x46d: {  	v49 =	vadd.s32 $0x9, v1;
	v3 =	vld.idx.msk [tilespmem:v44+s3+$0x0], $0xffff;
	[tilespmem:s24+$0x12710] =	vst v19  }
0x46e: {  	v50 =	vadd.s32 $0xA, v1;
	v19 =	vld.idx.msk [tilespmem:v45+s3+$0x0], $0xffff;
	[tilespmem:s24+$0x12790] =	vst v21  }
0x46f: {  	v51 =	vadd.s32 $0xB, v1;
	v21 =	vld.idx.msk [tilespmem:v46+s3+$0x0], $0xffff;
	[tilespmem:s24+$0x12810] =	vst v16  }
0x470: {  	v52 =	vadd.s32 $0xC, v1;
	v16 =	vld.idx.msk [tilespmem:v47+s3+$0x0], $0xffff;
	[tilespmem:s24+$0x14490] =	vst v7  }
0x471: {  	v40 =	vadd.s32 $0x18, v1;
	v7 =	vld.idx.msk [tilespmem:v48+s3+$0x0], $0xffff;
	[tilespmem:s24+$0x14510] =	vst v5  }
0x472: {  	v53 =	vadd.s32 $0xD, v1;
	v4 =	vld.idx.msk [tilespmem:v49+s3+$0x0], $0xffff;
	[tilespmem:s24+$0x14590] =	vst v8  }
0x473: {  	v54 =	vadd.s32 $0xE, v1;
	v8 =	vld.idx.msk [tilespmem:v50+s3+$0x0], $0xffff;
	[tilespmem:s24+$0x14610] =	vst v23  }
0x474: {  	v55 =	vadd.s32 $0xF, v1;
	v23 =	vld.idx.msk [tilespmem:v51+s3+$0x0], $0xffff;
	[tilespmem:s24+$0x14690] =	vst v24  }
0x475: {  	v56 =	vadd.s32 $0x10, v1;
	v24 =	vld.idx.msk [tilespmem:v52+s3+$0x0], $0xffff;
	[tilespmem:s24+$0x14710] =	vst v11  }
0x476: {  	v57 =	vadd.s32 $0x11, v1;
	[tilespmem:s24+$0x16610] =	vst v12;
	v12 =	vld.idx.msk [tilespmem:v40+s3+$0x0], $0xffff  }
0x477: {  	v58 =	vadd.s32 $0x12, v1;
	[tilespmem:s24+$0x14790] =	vst v10;
	v11 =	vld.idx.msk [tilespmem:v53+s3+$0x0], $0xffff  }
0x478: {  	v59 =	vadd.s32 $0x13, v1;
	[tilespmem:s24+$0x14810] =	vst v25;
	v5 =	vld.idx.msk [tilespmem:v54+s3+$0x0], $0xffff  }
0x479: {  	v60 =	vadd.s32 $0x14, v1;
	[tilespmem:s24+$0x16490] =	vst v9;
	v25 =	vld.idx.msk [tilespmem:v55+s3+$0x0], $0xffff  }
0x47a: {  	v61 =	vadd.s32 $0x15, v1;
	[tilespmem:s24+$0x16510] =	vst v13;
	v9 =	vld.idx.msk [tilespmem:v56+s3+$0x0], $0xffff  }
0x47b: {  	v62 =	vadd.s32 $0x16, v1;
	[tilespmem:s24+$0x16590] =	vst v14;
	v13 =	vld.idx.msk [tilespmem:v57+s3+$0x0], $0xffff  }
0x47c: {  	v63 =	vadd.s32 $0x17, v1;
	v14 =	vld.idx.msk [tilespmem:v58+s3+$0x0], $0xffff;
	[tilespmem:s24+$0x16690] =	vst v28  }
0x47d: {  	v41 =	vadd.s32 $0x19, v1;
	v10 =	vld.idx.msk [tilespmem:v59+s3+$0x0], $0xffff;
	[tilespmem:s24+$0x16710] =	vst v29  }
0x47e: {  	v42 =	vadd.s32 $0x1A, v1;
	v28 =	vld.idx.msk [tilespmem:v60+s3+$0x0], $0xffff;
	[tilespmem:s24+$0x16790] =	vst v27  }
0x47f: {  	v43 =	vadd.s32 $0x1B, v1;
	v29 =	vld.idx.msk [tilespmem:v61+s3+$0x0], $0xffff;
	[tilespmem:s24+$0x16810] =	vst v31  }
0x480: {  	v44 =	vadd.s32 $0x1C, v1;
	v26 =	vld.idx.msk [tilespmem:v62+s3+$0x0], $0xffff;
	[tilespmem:s24+$0x18490] =	vst v15  }
0x481: {  	v45 =	vadd.s32 $0x1D, v1;
	v31 =	vld.idx.msk [tilespmem:v63+s3+$0x0], $0xffff;
	[tilespmem:s24+$0x18510] =	vst v33  }
0x482: {  	v46 =	vadd.s32 $0x1E, v1;
	v33 =	vld.idx.msk [tilespmem:v41+s3+$0x0], $0xffff;
	[tilespmem:s24+$0x18590] =	vst v34  }
0x483: {  	v0 =	vmul.u32 $0x28, v0;
	v1 =	vadd.s32 $0x1F, v1;
	v34 =	vld.idx.msk [tilespmem:v42+s3+$0x0], $0xffff;
	[tilespmem:s24+$0x18610] =	vst v30  }
0x484: {  	v27 =	vld.idx.msk [tilespmem:v43+s3+$0x0], $0xffff;
	[tilespmem:s24+$0x18690] =	vst v32  }
0x485: {  	v47 =	vor.u32 $0x1, v0;
	v30 =	vld.idx.msk [tilespmem:v44+s3+$0x0], $0xffff;
	[tilespmem:s24+$0x18710] =	vst v18  }
0x486: {  	s30 =	sshll.u32 s23, $0x7;
	v48 =	vor.u32 $0x2, v0;
	v15 =	vld.idx.msk [tilespmem:v45+s3+$0x0], $0xffff;
	[tilespmem:s24+$0x18790] =	vst v36  }
0x487: {  	s23 =	sand.u32 $0x1C00, s30;
	v49 =	vor.u32 $0x3, v0;
	v35 =	vld.idx.msk [tilespmem:v46+s3+$0x0], $0xffff;
	[tilespmem:s24+$0x18810] =	vst v2  }
0x488: {  	v50 =	vor.u32 $0x4, v0;
	v1 =	vld.idx.msk [tilespmem:v1+s3+$0x0], $0xffff;
	[tilespmem:s23+$0x124A0] =	vst v20  }
0x489: {  	v51 =	vor.u32 $0x5, v0;
	v20 =	vld.idx.msk [tilespmem:v0+s3+$0x0], $0xffff;
	[tilespmem:s23+$0x12520] =	vst v22  }
0x48a: {  	v52 =	vor.u32 $0x6, v0;
	v22 =	vld.idx.msk [tilespmem:v47+s3+$0x0], $0xffff;
	[tilespmem:s23+$0x125A0] =	vst v6  }
0x48b: {  	v6 =	vld.idx.msk [tilespmem:v48+s3+$0x0], $0xffff;
	v53 =	vor.u32 $0x7, v0;
	[tilespmem:s23+$0x12620] =	vst v17  }
0x48c: {  	v17 =	vld.idx.msk [tilespmem:v49+s3+$0x0], $0xffff;
	v54 =	vadd.s32 $0x8, v0;
	[tilespmem:s23+$0x126A0] =	vst v3  }
0x48d: {  	v2 =	vld.idx.msk [tilespmem:v50+s3+$0x0], $0xffff;
	v55 =	vadd.s32 $0x9, v0;
	[tilespmem:s23+$0x12720] =	vst v19  }
0x48e: {  	v19 =	vld.idx.msk [tilespmem:v51+s3+$0x0], $0xffff;
	v56 =	vadd.s32 $0xA, v0;
	[tilespmem:s23+$0x127A0] =	vst v21  }
0x48f: {  	v21 =	vld.idx.msk [tilespmem:v52+s3+$0x0], $0xffff;
	v57 =	vadd.s32 $0xB, v0;
	[tilespmem:s23+$0x12820] =	vst v16  }
0x490: {  	v58 =	vadd.s32 $0xC, v0;
	[tilespmem:s23+$0x144A0] =	vst v7;
	v16 =	vld.idx.msk [tilespmem:v53+s3+$0x0], $0xffff  }
0x491: {  	v59 =	vadd.s32 $0xD, v0;
	[tilespmem:s23+$0x14520] =	vst v4;
	v7 =	vld.idx.msk [tilespmem:v54+s3+$0x0], $0xffff  }
0x492: {  	v60 =	vadd.s32 $0xE, v0;
	[tilespmem:s23+$0x145A0] =	vst v8;
	v3 =	vld.idx.msk [tilespmem:v55+s3+$0x0], $0xffff  }
0x493: {  	v61 =	vadd.s32 $0xF, v0;
	[tilespmem:s23+$0x14620] =	vst v23;
	v8 =	vld.idx.msk [tilespmem:v56+s3+$0x0], $0xffff  }
0x494: {  	v62 =	vadd.s32 $0x10, v0;
	[tilespmem:s23+$0x146A0] =	vst v24;
	v23 =	vld.idx.msk [tilespmem:v57+s3+$0x0], $0xffff  }
0x495: {  	v63 =	vadd.s32 $0x11, v0;
	[tilespmem:s23+$0x184A0] =	vst v12;
	v18 =	vld.idx.msk [tilespmem:v58+s3+$0x0], $0xffff  }
0x496: {  	v41 =	vadd.s32 $0x12, v0;
	[tilespmem:s23+$0x14720] =	vst v11;
	v40 =	vld.idx.msk [tilespmem:v59+s3+$0x0], $0xffff  }
0x497: {  	v42 =	vadd.s32 $0x13, v0;
	[tilespmem:s23+$0x147A0] =	vst v5;
	v4 =	vld.idx.msk [tilespmem:v60+s3+$0x0], $0xffff  }
0x498: {  	v44 =	vadd.s32 $0x14, v0;
	[tilespmem:s23+$0x14820] =	vst v25;
	v43 =	vld.idx.msk [tilespmem:v61+s3+$0x0], $0xffff  }
0x499: {  	v46 =	vadd.s32 $0x15, v0;
	[tilespmem:s23+$0x164A0] =	vst v9;
	v45 =	vld.idx.msk [tilespmem:v62+s3+$0x0], $0xffff  }
0x49a: {  	v48 =	vadd.s32 $0x16, v0;
	[tilespmem:s23+$0x16520] =	vst v13;
	v47 =	vld.idx.msk [tilespmem:v63+s3+$0x0], $0xffff  }
0x49b: {  	v50 =	vadd.s32 $0x17, v0;
	[tilespmem:s23+$0x165A0] =	vst v14;
	v49 =	vld.idx.msk [tilespmem:v41+s3+$0x0], $0xffff  }
0x49c: {  	v51 =	vadd.s32 $0x18, v0;
	[tilespmem:s23+$0x16620] =	vst v10;
	v5 =	vld.idx.msk [tilespmem:v42+s3+$0x0], $0xffff  }
0x49d: {  	[tilespmem:s23+$0x166A0] =	vst v28;
	v52 =	vld.idx.msk [tilespmem:v44+s3+$0x0], $0xffff;
	v53 =	vadd.s32 $0x19, v0  }
0x49e: {  	[tilespmem:s23+$0x16720] =	vst v29;
	v54 =	vld.idx.msk [tilespmem:v46+s3+$0x0], $0xffff;
	v55 =	vadd.s32 $0x1A, v0  }
0x49f: {  	[tilespmem:s23+$0x167A0] =	vst v26;
	v24 =	vld.idx.msk [tilespmem:v48+s3+$0x0], $0xffff;
	v56 =	vadd.s32 $0x1B, v0  }
0x4a0: {  	[tilespmem:s23+$0x16820] =	vst v31;
	v57 =	vld.idx.msk [tilespmem:v50+s3+$0x0], $0xffff;
	v58 =	vadd.s32 $0x1C, v0  }
0x4a1: {  	v10 =	vld.idx.msk [tilespmem:v51+s3+$0x0], $0xffff;
	v59 =	vadd.s32 $0x1D, v0;
	[tilespmem:s23+$0x18520] =	vst v33  }
0x4a2: {  	v61 =	vadd.s32 $0x1E, v0;
	[tilespmem:s23+$0x185A0] =	vst v34;
	v60 =	vld.idx.msk [tilespmem:v53+s3+$0x0], $0xffff  }
0x4a3: {  	v0 =	vadd.s32 $0x1F, v0;
	[tilespmem:s23+$0x18620] =	vst v27;
	v32 =	vld.idx.msk [tilespmem:v55+s3+$0x0], $0xffff  }
0x4a4: {  	[tilespmem:s23+$0x186A0] =	vst v30;
	v26 =	vld.idx.msk [tilespmem:v56+s3+$0x0], $0xffff  }
0x4a5: {  	[tilespmem:s23+$0x18720] =	vst v15;
	v62 =	vld.idx.msk [tilespmem:v58+s3+$0x0], $0xffff  }
0x4a6: {  	s31 =	sshll.u32 s22, $0x7;
	[tilespmem:s23+$0x187A0] =	vst v35;
	v12 =	vld.idx.msk [tilespmem:v59+s3+$0x0], $0xffff  }
0x4a7: {  	s0 =	sand.u32 $0x1C00, s31;
	[tilespmem:s23+$0x18820] =	vst v1;
	v63 =	vld.idx.msk [tilespmem:v61+s3+$0x0], $0xffff  }
0x4a8: {  	v0 =	vld.idx.msk [tilespmem:v0+s3+$0x0], $0xffff;
	[tilespmem:s0+$0x124B0] =	vst v20  }
0x4a9: {  	[tilespmem:s0+$0x12530] =	vst v22  }
0x4aa: {  	[tilespmem:s0+$0x125B0] =	vst v6  }
0x4ab: {  	[tilespmem:s0+$0x12630] =	vst v17  }
0x4ac: {  	[tilespmem:s0+$0x126B0] =	vst v2  }
0x4ad: {  	[tilespmem:s0+$0x12730] =	vst v19  }
0x4ae: {  	[tilespmem:s0+$0x127B0] =	vst v21  }
0x4af: {  	[tilespmem:s0+$0x12830] =	vst v16  }
0x4b0: {  	[tilespmem:s0+$0x144B0] =	vst v7  }
0x4b1: {  	[tilespmem:s0+$0x14530] =	vst v3  }
0x4b2: {  	[tilespmem:s0+$0x145B0] =	vst v8  }
0x4b3: {  	[tilespmem:s0+$0x14630] =	vst v23  }
0x4b4: {  	[tilespmem:s0+$0x146B0] =	vst v18  }
0x4b5: {  	[tilespmem:s0+$0x14730] =	vst v40  }
0x4b6: {  	[tilespmem:s0+$0x147B0] =	vst v4  }
0x4b7: {  	[tilespmem:s0+$0x14830] =	vst v43  }
0x4b8: {  	[tilespmem:s0+$0x164B0] =	vst v45  }
0x4b9: {  	[tilespmem:s0+$0x16530] =	vst v47  }
0x4ba: {  	[tilespmem:s0+$0x165B0] =	vst v49  }
0x4bb: {  	[tilespmem:s0+$0x16630] =	vst v5  }
0x4bc: {  	[tilespmem:s0+$0x166B0] =	vst v52  }
0x4bd: {  	[tilespmem:s0+$0x16730] =	vst v54  }
0x4be: {  	[tilespmem:s0+$0x167B0] =	vst v24  }
0x4bf: {  	[tilespmem:s0+$0x16830] =	vst v57  }
0x4c0: {  	[tilespmem:s0+$0x184B0] =	vst v10  }
0x4c1: {  	[tilespmem:s0+$0x18530] =	vst v60  }
0x4c2: {  	p0 =	slt.u32 s21, $0x30;
	[tilespmem:s0+$0x185B0] =	vst v32  }
.Ltmp2:
0x4c3: {  	[tilespmem:s0+$0x18630] =	vst v26;
	(pc) =	sbr.rel @p0 .LBB2_7-.Ltmp2, $4  }
0x4c4: {  	[tilespmem:s0+$0x186B0] =	vst v62  }
0x4c5: {  	[tilespmem:s0+$0x18730] =	vst v12  }
0x4c6: {  	[tilespmem:s0+$0x187B0] =	vst v63  }
0x4c7: {  	s21 =	sadd.s32 $0x10, s21;
	[tilespmem:s0+$0x18830] =	vst v0  }
0x4c8: {  	s19 =	sadd.s32 $0x1, s19  }
0x4c9: {  	s0 =	smul.u32 $0xFA000, s20;
	p0 =	sne.s32 s19, $0x19  }
.Ltmp3:
0x4ca: {  	_ = 	snop;
	(pc) =	sbr.rel @p0 .LBB2_4-.Ltmp3, $4  }
0x4cb: {  	s0 =	sadd.s32 s6, s0  }
0x4cc: {  	s0 =	sshrl.u32 s0, $0x3  }
0x4cd: {  	s0 =	sadd.s32 s2, s0  }
0x4ce: {  	[hbm4b:s0+s3] =	stream.linear.scatter [tilespmem:s15], [sflag:$0x4], $0x8000, $0x38;
	[tilespmem:$0x1A440] =	vst v63  }
0x4cf: {  	s18 =	sadd.s32 $0x1, s18  }
0x4d0: {  	_ =	swait.ge [sflag:s16], $0x8000;
	p0 =	sne.s32 s18, s8  }
.Ltmp4:
0x4d1: {  	[sflag:s16] =	ssyncset.done $0x0;
	(pc) =	sbr.rel @p0 .LBB2_1-.Ltmp4, $4  }
0x4d2: {  	[sflag:s16] =	ssyncadd.s32 $0xFFFF8000  }
0x4d3: {  	_ =	swait.ge [sflag:s17], $0x8000  }
0x4d4: {  	[sflag:s17] =	ssyncset.done $0x0  }
0x4d5: {  	[sflag:s17] =	ssyncadd.s32 $0xFFFF8000  }
0x4d6: {  	_ =	sfence.sel $0x180000  }
0x4d7: {  	[bflag:$0x0] =	sbarrier.arrive $0xFFFF  }
0x4d8: {  	_ =	strace $0x90000047  }
0x4d9: {  	[bflag:$0x2] =	sbarrier.arrive $0xFFFF  }
0x4da: {  	p0 =	sne.s32 s1, $0x0;
	s0 =	rddreg [dreg:$0x2]  }
0x4db: {  	s0 =	sadd.s32 @!p0 $0x100000, s0  }
0x4dc: {  	[sflag:s0] =	ssyncadd.tile.s32 @!p0 $0x1;
	_ =	shalt  }
.Lfunc_end2:
_tile_overlayer_lowered:
.L_overlay_start_2:
0x4dd: {  	(tag) =	ssettag $0x2  }
0x4de: {  	s0 =	rddreg [dreg:$0x0];
	s2 =	stileid.u32  }
0x4df: {  	s1 =	rddreg [dreg:$0x1];
	p0 =	sne.s32 s2, $0x0  }
0x4e0: {  	s3 =	rddreg [dreg:$0x2];
	[bflag:$0x3] =	sbarrier.arrive $0xFFFF;
	s2 =	simm.s32 @!p0 $0x1C05  }
0x4e1: {  	[timem:s3], [sflag:s2] =	dma.local @!p0 [hbm:s0], s1  }
0x4e2: {  	s0 =	simm.s32 @!p0 $0x5  }
0x4e3: {  	_ =	swait.ge @!p0 [sflag:s0], s1  }
0x4e4: {  	s1 =	ssub.s32 @!p0 $0x0, s1;
	[sflag:s0] =	ssyncset.done @!p0 $0x0  }
0x4e5: {  	[sflag:s0] =	ssyncadd.s32 @!p0 s1  }
0x4e6: {  	[bflag:$0x3] =	sbarrier.arrive $0xFFFF  }
0x4e7: {  	_ =	shalt  }

</sc_bundles>
